<compile_context>
chip_gen: v7x
topology: tpu7x:2x2x1
jax: 0.10.2.dev20260603
libtpu: 0.0.44.dev20260713+nightly
codegen_flags: <defaults>
</compile_context>

<pallas_src>
import functools

import jax
import jax.numpy as jnp
from jax import lax
from jax.experimental import pallas as pl
from jax.experimental.pallas import tpu as pltpu
from jax.experimental.pallas import tpu_sc as plsc

_N = 10000
_E = 320000
_D = 128
_DH = _D // 2
_NC = 2
_NS = 16
_EPT = _E // _NS
_K = 128
_NCH = 157
_EPTP = _NCH * _K
_NP = 10240
_RPT = _NP // _NS
_DEGW = 16

_mesh = plsc.VectorSubcoreMesh(
    core_axis_name="c", subcore_axis_name="s", num_cores=_NC, num_subcores=_NS
)


def _zero_vmem(ref, rows, width):
    zero = jnp.zeros((16,), jnp.float32)

    def body(i, carry):
        for c in range(width // 16):
            ref[i, pl.ds(c * 16, 16)] = zero
        return carry

    lax.fori_loop(0, rows, body, 0)


@functools.partial(
    pl.kernel,
    out_type=jax.ShapeDtypeStruct((_NC, _NP, _DEGW), jnp.float32),
    mesh=_mesh,
    scratch_types=[
        pltpu.VMEM_SHARED((_NP, _DEGW), jnp.float32),
        pltpu.VMEM((_NCH, _K), jnp.int32),
        pltpu.VMEM((_K, _DEGW), jnp.float32),
    ],
)
def _deg_kernel(col_hbm, out_hbm, accum, col_v, ones_v):
    cid = lax.axis_index("c")
    sid = lax.axis_index("s")

    _zero_vmem(ones_v, _K, _DEGW)
    for z in range(5):
        pltpu.sync_copy(ones_v, accum.at[pl.ds(sid * _RPT + z * _K, _K)])
    pltpu.sync_copy(col_hbm.at[sid], col_v)

    one = jnp.full((16,), 1.0, jnp.float32)

    def fill(i, carry):
        ones_v[i, pl.ds(0, 16)] = one
        return carry

    lax.fori_loop(0, _K, fill, 0)
    plsc.subcore_barrier()

    def body(j, carry):
        pltpu.sync_copy(ones_v, accum.at[col_v.at[j]], add=True)
        return carry

    lax.fori_loop(cid * 79, 79 + cid * 78, body, 0)
    plsc.subcore_barrier()
    pltpu.sync_copy(
        accum.at[pl.ds(sid * _RPT, _RPT)],
        out_hbm.at[cid, pl.ds(sid * _RPT, _RPT)],
    )


@functools.partial(
    pl.kernel,
    out_type=jax.ShapeDtypeStruct((_NC, _NP, _DH), jnp.float32),
    mesh=_mesh,
    scratch_types=[
        pltpu.VMEM_SHARED((_NP, _DH), jnp.float32),
        pltpu.VMEM((_NCH, _K), jnp.int32),
        pltpu.VMEM((_NCH, _K), jnp.int32),
        pltpu.VMEM((_K, _DH), jnp.float32),
        pltpu.VMEM((_K, _DH), jnp.float32),
        pltpu.SemaphoreType.DMA,
        pltpu.SemaphoreType.DMA,
    ],
    compiler_params=pltpu.CompilerParams(use_tc_tiling_on_sc=False),
)
def _agg_kernel(y0_hbm, y1_hbm, row_hbm, col_hbm, out_hbm, accum, row_v,
                col_v, gbuf_a, gbuf_b, gsem_a, gsem_b):
    cid = lax.axis_index("c")
    sid = lax.axis_index("s")

    _zero_vmem(gbuf_a, _K, _DH)
    for z in range(5):
        pltpu.sync_copy(gbuf_a, accum.at[pl.ds(sid * _RPT + z * _K, _K)])
    pltpu.sync_copy(row_hbm.at[sid], row_v)
    pltpu.sync_copy(col_hbm.at[sid], col_v)
    plsc.subcore_barrier()

    bufs = (gbuf_a, gbuf_b)
    gsems = (gsem_a, gsem_b)

    def _run(y_hbm):
        pltpu.async_copy(y_hbm.at[row_v.at[0]], gbuf_a, gsem_a)

        def body(j, carry):
            for cur in range(2):
                @pl.when(j % 2 == cur)
                def _():
                    nxt = 1 - cur

                    @pl.when(j + 1 < _NCH)
                    def _():
                        pltpu.async_copy(y_hbm.at[row_v.at[j + 1]],
                                         bufs[nxt], gsems[nxt])

                    pltpu.make_async_copy(y_hbm.at[row_v.at[j]], bufs[cur],
                                          gsems[cur]).wait()
                    pltpu.sync_copy(bufs[cur], accum.at[col_v.at[j]],
                                    add=True)
            return carry

        lax.fori_loop(0, _NCH, body, 0)

    @pl.when(cid == 0)
    def _():
        _run(y0_hbm)

    @pl.when(cid == 1)
    def _():
        _run(y1_hbm)

    plsc.subcore_barrier()
    pltpu.sync_copy(
        accum.at[pl.ds(sid * _RPT, _RPT)],
        out_hbm.at[cid, pl.ds(sid * _RPT, _RPT)],
    )


_BR = 2000


def _matmul_body(x_ref, w_ref, xw_ref):
    xw_ref[...] = jnp.dot(x_ref[...], w_ref[...],
                          preferred_element_type=jnp.float32,
                          precision=lax.Precision.HIGHEST)


def _matmul(x, w):
    grid = _N // _BR
    return pl.pallas_call(
        _matmul_body,
        grid=(grid,),
        in_specs=[
            pl.BlockSpec((_BR, _D), lambda i: (i, 0)),
            pl.BlockSpec((_D, _D), lambda i: (0, 0)),
        ],
        out_specs=pl.BlockSpec((_BR, _D), lambda i: (i, 0)),
        out_shape=jax.ShapeDtypeStruct((_N, _D), jnp.float32),
    )(x, w)


def _scale_body(degp0_ref, degp1_ref, xw_ref, y0_ref, y1_ref, dinv_ref):
    r0 = pl.program_id(0) * _BR
    deg = (degp0_ref[pl.ds(r0, _BR), 0:1] + degp1_ref[pl.ds(r0, _BR), 0:1]
           + 1.0)
    dinv = lax.rsqrt(deg)
    y = xw_ref[...] * dinv
    y0_ref[...] = y[:, :_DH]
    y1_ref[...] = y[:, _DH:]
    dinv_ref[...] = dinv


def _scale(deg_parts, xw):
    grid = _N // _BR
    return pl.pallas_call(
        _scale_body,
        grid=(grid,),
        in_specs=[
            pl.BlockSpec((_NP, _DEGW), lambda i: (0, 0)),
            pl.BlockSpec((_NP, _DEGW), lambda i: (0, 0)),
            pl.BlockSpec((_BR, _D), lambda i: (i, 0)),
        ],
        out_specs=[
            pl.BlockSpec((_BR, _DH), lambda i: (i, 0)),
            pl.BlockSpec((_BR, _DH), lambda i: (i, 0)),
            pl.BlockSpec((_BR, 1), lambda i: (i, 0)),
        ],
        out_shape=[
            jax.ShapeDtypeStruct((_N, _DH), jnp.float32),
            jax.ShapeDtypeStruct((_N, _DH), jnp.float32),
            jax.ShapeDtypeStruct((_N, 1), jnp.float32),
        ],
    )(deg_parts[0], deg_parts[1], xw)


def _mid_body(o0_ref, o1_ref, y0_ref, y1_ref, dinv_ref, b_ref, w_ref,
              y20_ref, y21_ref):
    s = jnp.concatenate(
        [o0_ref[...] + y0_ref[...], o1_ref[...] + y1_ref[...]], axis=1)
    h = jnp.maximum(s * dinv_ref[...] + b_ref[...], 0.0)
    hw = jnp.dot(h, w_ref[...], preferred_element_type=jnp.float32,
                 precision=lax.Precision.HIGHEST)
    y2 = hw * dinv_ref[...]
    y20_ref[...] = y2[:, :_DH]
    y21_ref[...] = y2[:, _DH:]


def _mid_layer(o_parts, y0, y1, dinv, b, w):
    grid = _N // _BR
    return pl.pallas_call(
        _mid_body,
        grid=(grid,),
        in_specs=[
            pl.BlockSpec((_BR, _DH), lambda i: (i, 0)),
            pl.BlockSpec((_BR, _DH), lambda i: (i, 0)),
            pl.BlockSpec((_BR, _DH), lambda i: (i, 0)),
            pl.BlockSpec((_BR, _DH), lambda i: (i, 0)),
            pl.BlockSpec((_BR, 1), lambda i: (i, 0)),
            pl.BlockSpec((1, _D), lambda i: (0, 0)),
            pl.BlockSpec((_D, _D), lambda i: (0, 0)),
        ],
        out_specs=[
            pl.BlockSpec((_BR, _DH), lambda i: (i, 0)),
            pl.BlockSpec((_BR, _DH), lambda i: (i, 0)),
        ],
        out_shape=[
            jax.ShapeDtypeStruct((_N, _DH), jnp.float32),
            jax.ShapeDtypeStruct((_N, _DH), jnp.float32),
        ],
    )(o_parts[0], o_parts[1], y0, y1, dinv, b, w)


def _final_body(o0_ref, o1_ref, y0_ref, y1_ref, dinv_ref, b_ref, out_ref):
    s = jnp.concatenate(
        [o0_ref[...] + y0_ref[...], o1_ref[...] + y1_ref[...]], axis=1)
    logits = s * dinv_ref[...] + b_ref[...]
    m = jnp.max(logits, axis=1, keepdims=True)
    z = logits - m
    out_ref[...] = z - jnp.log(jnp.sum(jnp.exp(z), axis=1, keepdims=True))


def _final_layer(o_parts, y0, y1, dinv, b):
    grid = _N // _BR
    return pl.pallas_call(
        _final_body,
        grid=(grid,),
        in_specs=[
            pl.BlockSpec((_BR, _DH), lambda i: (i, 0)),
            pl.BlockSpec((_BR, _DH), lambda i: (i, 0)),
            pl.BlockSpec((_BR, _DH), lambda i: (i, 0)),
            pl.BlockSpec((_BR, _DH), lambda i: (i, 0)),
            pl.BlockSpec((_BR, 1), lambda i: (i, 0)),
            pl.BlockSpec((1, _D), lambda i: (0, 0)),
        ],
        out_specs=pl.BlockSpec((_BR, _D), lambda i: (i, 0)),
        out_shape=jax.ShapeDtypeStruct((_N, _D), jnp.float32),
    )(o_parts[0], o_parts[1], y0, y1, dinv, b)


def kernel(x, edge_index, W1, b1, W2, b2):
    pad = _EPTP - _EPT
    row = edge_index[0].reshape(_NS, _EPT)
    col = edge_index[1].reshape(_NS, _EPT)
    row = jnp.pad(row, ((0, 0), (0, pad))).reshape(_NS, _NCH, _K)
    col = jnp.pad(col, ((0, 0), (0, pad)), constant_values=_N).reshape(
        _NS, _NCH, _K)

    deg_parts = _deg_kernel(col)
    xw = _matmul(x, W1)
    y0, y1, dinv = _scale(deg_parts, xw)
    o1 = _agg_kernel(y0, y1, row, col)
    y20, y21 = _mid_layer(o1, y0, y1, dinv, b1.reshape(1, _D), W2)
    o2 = _agg_kernel(y20, y21, row, col)
    return _final_layer(o2, y20, y21, dinv, b2.reshape(1, _D))

# --- scband reference (transcript-rebuilt; emitter-appended) ---
"""Pipeline reference for scband-gcn-49005576848207 (READ-ONLY COPY).

The authoritative reference and input builder live on the scoring server;
editing this copy changes nothing except your own understanding.
"""

import jax, jax.numpy as jnp
import numpy as np

N = 10000
E = 320000
D_IN = 128
D_H = 128
D_OUT = 128


def setup_inputs(seed: int = 0) -> dict:
    key = jax.random.key(seed)
    k1, k2, k3, k4, k5, k6 = jax.random.split(key, 6)
    x = jax.random.normal(k1, (N, D_IN), dtype=jnp.float32)
    edge_index = jax.random.randint(k2, (2, E), 0, N, dtype=jnp.int32)
    # Glorot-style init for GCNConv linear weights
    W1 = jax.random.normal(k3, (D_IN, D_H), dtype=jnp.float32) * (1.0 / np.sqrt(D_IN))
    b1 = jnp.zeros((D_H,), dtype=jnp.float32)
    W2 = jax.random.normal(k4, (D_H, D_OUT), dtype=jnp.float32) * (1.0 / np.sqrt(D_H))
    b2 = jnp.zeros((D_OUT,), dtype=jnp.float32)
    return {"x": x, "edge_index": edge_index, "W1": W1, "b1": b1, "W2": W2, "b2": b2}


def _gcn_conv(x, edge_index, W, b):
    # GCNConv: D^{-1/2} (A + I) D^{-1/2} X W + b  (PyG semantics, add_self_loops=True)
    xw = x @ W
    row = edge_index[0]
    col = edge_index[1]
    loop = jnp.arange(N, dtype=edge_index.dtype)
    row = jnp.concatenate([row, loop])
    col = jnp.concatenate([col, loop])
    deg = jax.ops.segment_sum(jnp.ones(row.shape, dtype=xw.dtype), col, num_segments=N)
    dinv = jnp.where(deg > 0, jax.lax.rsqrt(jnp.maximum(deg, 1e-12)), 0.0)
    norm = dinv[row] * dinv[col]
    msgs = xw[row] * norm[:, None]
    out = jax.ops.segment_sum(msgs, col, num_segments=N)
    return out + b


def reference(x, edge_index, W1, b1, W2, b2):
    h = _gcn_conv(x, edge_index, W1, b1)
    h = jax.nn.relu(h)
    # dropout is identity in eval mode (training=False)
    h = _gcn_conv(h, edge_index, W2, b2)
    return jax.nn.log_softmax(h, axis=1)

if __name__ == "__main__":
    import jax
    _d = setup_inputs()
    print(jax.jit(kernel)(*tuple(_d.values())))

</pallas_src>

<mosaic_0001>
#map = affine_map<(d0, d1) -> (0, 0)>
#map1 = affine_map<(d0, d1) -> (0, 0, 0)>
module attributes {stable_mosaic.version = 14 : i64} {
  func.func @_agg_kernel(%arg0: i32, %arg1: i32, %arg2: memref<10000x64xf32, #tpu.memory_space<hbm>>, %arg3: memref<10000x64xf32, #tpu.memory_space<hbm>>, %arg4: memref<16x157x128xi32, #tpu.memory_space<hbm>>, %arg5: memref<16x157x128xi32, #tpu.memory_space<hbm>>, %arg6: memref<2x10240x64xf32, #tpu.memory_space<hbm>>, %arg7: memref<10240x64xf32, #tpu.memory_space<vmem_shared>>, %arg8: memref<157x128xi32, #tpu.memory_space<vmem>>, %arg9: memref<157x128xi32, #tpu.memory_space<vmem>>, %arg10: memref<128x64xf32, #tpu.memory_space<vmem>>, %arg11: memref<128x64xf32, #tpu.memory_space<vmem>>, %arg12: memref<!tpu.dma_semaphore, #tpu.memory_space<semaphore_mem>>, %arg13: memref<!tpu.dma_semaphore, #tpu.memory_space<semaphore_mem>>) attributes {dimension_semantics = [#tpu.dimension_semantics<core_parallel>, #tpu.dimension_semantics<subcore_parallel>], iteration_bounds = array<i64: 2, 16>, scalar_prefetch = 0 : i64, scratch_operands = 7 : i64, tpu.core_type = #tpu.core_type<sc_vector_subcore>, window_params = [{transform_indices = #map}, {transform_indices = #map}, {transform_indices = #map1}, {transform_indices = #map1}, {transform_indices = #map1}]} {
    %broadcast_in_dim3A = arith.constant 0.000000e+00 : f32
    %broadcast_in_dim3A_0 = vector.broadcast %broadcast_in_dim3A : f32 to vector<16xf32>
    %scan3A = arith.constant 0 : i32
    %scan3A_1 = arith.constant 0 : i32
    %scan3A_2 = arith.constant 128 : i32
    %scan3A_3 = arith.addi %scan3A_1, %scan3A_2 : i32
    %scan3A_4 = arith.constant 1 : i32
    scf.for %scan3A_36 = %scan3A_1 to %scan3A_3 step %scan3A_4  : i32 {
      %swap3A = arith.index_cast %scan3A_36 : i32 to index
      %swap3A_37 = arith.constant 0 : index
      %swap3A_38 = tpu.vector_load %arg10[%swap3A, %swap3A_37] {strides = array<i32>} : memref<128x64xf32, #tpu.memory_space<vmem>>, vector<1x16xf32>,
      %swap3A_39 = vector.shape_cast %swap3A_38 : vector<1x16xf32> to vector<16xf32>
      %swap3A_40 = vector.shape_cast %broadcast_in_dim3A_0 : vector<16xf32> to vector<1x16xf32>
      tpu.vector_store %arg10[%swap3A, %swap3A_37], %swap3A_40 {strides = array<i32>} : memref<128x64xf32, #tpu.memory_space<vmem>>, vector<1x16xf32>,
      %swap3A_41 = arith.index_cast %scan3A_36 : i32 to index
      %swap3A_42 = arith.constant 16 : index
      %swap3A_43 = tpu.vector_load %arg10[%swap3A_41, %swap3A_42] {strides = array<i32>} : memref<128x64xf32, #tpu.memory_space<vmem>>, vector<1x16xf32>,
      %swap3A_44 = vector.shape_cast %swap3A_43 : vector<1x16xf32> to vector<16xf32>
      %swap3A_45 = vector.shape_cast %broadcast_in_dim3A_0 : vector<16xf32> to vector<1x16xf32>
      tpu.vector_store %arg10[%swap3A_41, %swap3A_42], %swap3A_45 {strides = array<i32>} : memref<128x64xf32, #tpu.memory_space<vmem>>, vector<1x16xf32>,
      %swap3A_46 = arith.index_cast %scan3A_36 : i32 to index
      %swap3A_47 = arith.constant 32 : index
      %swap3A_48 = tpu.vector_load %arg10[%swap3A_46, %swap3A_47] {strides = array<i32>} : memref<128x64xf32, #tpu.memory_space<vmem>>, vector<1x16xf32>,
      %swap3A_49 = vector.shape_cast %swap3A_48 : vector<1x16xf32> to vector<16xf32>
      %swap3A_50 = vector.shape_cast %broadcast_in_dim3A_0 : vector<16xf32> to vector<1x16xf32>
      tpu.vector_store %arg10[%swap3A_46, %swap3A_47], %swap3A_50 {strides = array<i32>} : memref<128x64xf32, #tpu.memory_space<vmem>>, vector<1x16xf32>,
      %swap3A_51 = arith.index_cast %scan3A_36 : i32 to index
      %swap3A_52 = arith.constant 48 : index
      %swap3A_53 = tpu.vector_load %arg10[%swap3A_51, %swap3A_52] {strides = array<i32>} : memref<128x64xf32, #tpu.memory_space<vmem>>, vector<1x16xf32>,
      %swap3A_54 = vector.shape_cast %swap3A_53 : vector<1x16xf32> to vector<16xf32>
      %swap3A_55 = vector.shape_cast %broadcast_in_dim3A_0 : vector<16xf32> to vector<1x16xf32>
      tpu.vector_store %arg10[%swap3A_51, %swap3A_52], %swap3A_55 {strides = array<i32>} : memref<128x64xf32, #tpu.memory_space<vmem>>, vector<1x16xf32>,
    }
    %scan3A_5 = arith.constant 128 : i32
    %mul3A = arith.constant 640 : i32
    %mul3A_6 = arith.muli %arg1, %mul3A : i32
    %add3A = arith.constant 0 : i32
    %add3A_7 = arith.addi %mul3A_6, %add3A : i32
    "tpu.region"() ({
      %run_scoped3A = tpu.sem_alloc : memref<!tpu.dma_semaphore, #tpu.memory_space<semaphore_mem>>
      %dma_start3A = arith.constant 0 : i32
      %dma_start3A_36 = tpu.memref_slice %arg7[%add3A_7, %dma_start3A] : memref<10240x64xf32, #tpu.memory_space<vmem_shared>> -> memref<128x64xf32, #tpu.memory_space<vmem_shared>>
      %dma_start3A_37 = arith.constant 0 : i32
      %dma_start3A_38 = tpu.memref_slice %arg7[%add3A_7, %dma_start3A_37] : memref<10240x64xf32, #tpu.memory_space<vmem_shared>> -> memref<128x64xf32, #tpu.memory_space<vmem_shared>>
      tpu.enqueue_dma source(%arg10 : memref<128x64xf32, #tpu.memory_space<vmem>>) target(%dma_start3A_38 : memref<128x64xf32, #tpu.memory_space<vmem_shared>>) target_semaphore(%run_scoped3A : memref<!tpu.dma_semaphore, #tpu.memory_space<semaphore_mem>>)
      %dma_wait3A = arith.constant 0 : i32
      %dma_wait3A_39 = tpu.memref_slice %arg7[%add3A_7, %dma_wait3A] : memref<10240x64xf32, #tpu.memory_space<vmem_shared>> -> memref<128x64xf32, #tpu.memory_space<vmem_shared>>
      %dma_wait3A_40 = arith.constant 0 : i32
      %dma_wait3A_41 = tpu.memref_slice %arg7[%add3A_7, %dma_wait3A_40] : memref<10240x64xf32, #tpu.memory_space<vmem_shared>> -> memref<128x64xf32, #tpu.memory_space<vmem_shared>>
      tpu.wait_dma2 semaphore(%run_scoped3A : memref<!tpu.dma_semaphore, #tpu.memory_space<semaphore_mem>>) src(%arg10 : memref<128x64xf32, #tpu.memory_space<vmem>>) dst(%dma_wait3A_41 : memref<128x64xf32, #tpu.memory_space<vmem_shared>>)
      tpu.yield
    }) : () -> ()
    %mul3A_8 = arith.constant 640 : i32
    %mul3A_9 = arith.muli %arg1, %mul3A_8 : i32
    %add3A_10 = arith.constant 128 : i32
    %add3A_11 = arith.addi %mul3A_9, %add3A_10 : i32
    "tpu.region"() ({
      %run_scoped3A = tpu.sem_alloc : memref<!tpu.dma_semaphore, #tpu.memory_space<semaphore_mem>>
      %dma_start3A = arith.constant 0 : i32
      %dma_start3A_36 = tpu.memref_slice %arg7[%add3A_11, %dma_start3A] : memref<10240x64xf32, #tpu.memory_space<vmem_shared>> -> memref<128x64xf32, #tpu.memory_space<vmem_shared>>
      %dma_start3A_37 = arith.constant 0 : i32
      %dma_start3A_38 = tpu.memref_slice %arg7[%add3A_11, %dma_start3A_37] : memref<10240x64xf32, #tpu.memory_space<vmem_shared>> -> memref<128x64xf32, #tpu.memory_space<vmem_shared>>
      tpu.enqueue_dma source(%arg10 : memref<128x64xf32, #tpu.memory_space<vmem>>) target(%dma_start3A_38 : memref<128x64xf32, #tpu.memory_space<vmem_shared>>) target_semaphore(%run_scoped3A : memref<!tpu.dma_semaphore, #tpu.memory_space<semaphore_mem>>)
      %dma_wait3A = arith.constant 0 : i32
      %dma_wait3A_39 = tpu.memref_slice %arg7[%add3A_11, %dma_wait3A] : memref<10240x64xf32, #tpu.memory_space<vmem_shared>> -> memref<128x64xf32, #tpu.memory_space<vmem_shared>>
      %dma_wait3A_40 = arith.constant 0 : i32
      %dma_wait3A_41 = tpu.memref_slice %arg7[%add3A_11, %dma_wait3A_40] : memref<10240x64xf32, #tpu.memory_space<vmem_shared>> -> memref<128x64xf32, #tpu.memory_space<vmem_shared>>
      tpu.wait_dma2 semaphore(%run_scoped3A : memref<!tpu.dma_semaphore, #tpu.memory_space<semaphore_mem>>) src(%arg10 : memref<128x64xf32, #tpu.memory_space<vmem>>) dst(%dma_wait3A_41 : memref<128x64xf32, #tpu.memory_space<vmem_shared>>)
      tpu.yield
    }) : () -> ()
    %mul3A_12 = arith.constant 640 : i32
    %mul3A_13 = arith.muli %arg1, %mul3A_12 : i32
    %add3A_14 = arith.constant 256 : i32
    %add3A_15 = arith.addi %mul3A_13, %add3A_14 : i32
    "tpu.region"() ({
      %run_scoped3A = tpu.sem_alloc : memref<!tpu.dma_semaphore, #tpu.memory_space<semaphore_mem>>
      %dma_start3A = arith.constant 0 : i32
      %dma_start3A_36 = tpu.memref_slice %arg7[%add3A_15, %dma_start3A] : memref<10240x64xf32, #tpu.memory_space<vmem_shared>> -> memref<128x64xf32, #tpu.memory_space<vmem_shared>>
      %dma_start3A_37 = arith.constant 0 : i32
      %dma_start3A_38 = tpu.memref_slice %arg7[%add3A_15, %dma_start3A_37] : memref<10240x64xf32, #tpu.memory_space<vmem_shared>> -> memref<128x64xf32, #tpu.memory_space<vmem_shared>>
      tpu.enqueue_dma source(%arg10 : memref<128x64xf32, #tpu.memory_space<vmem>>) target(%dma_start3A_38 : memref<128x64xf32, #tpu.memory_space<vmem_shared>>) target_semaphore(%run_scoped3A : memref<!tpu.dma_semaphore, #tpu.memory_space<semaphore_mem>>)
      %dma_wait3A = arith.constant 0 : i32
      %dma_wait3A_39 = tpu.memref_slice %arg7[%add3A_15, %dma_wait3A] : memref<10240x64xf32, #tpu.memory_space<vmem_shared>> -> memref<128x64xf32, #tpu.memory_space<vmem_shared>>
      %dma_wait3A_40 = arith.constant 0 : i32
      %dma_wait3A_41 = tpu.memref_slice %arg7[%add3A_15, %dma_wait3A_40] : memref<10240x64xf32, #tpu.memory_space<vmem_shared>> -> memref<128x64xf32, #tpu.memory_space<vmem_shared>>
      tpu.wait_dma2 semaphore(%run_scoped3A : memref<!tpu.dma_semaphore, #tpu.memory_space<semaphore_mem>>) src(%arg10 : memref<128x64xf32, #tpu.memory_space<vmem>>) dst(%dma_wait3A_41 : memref<128x64xf32, #tpu.memory_space<vmem_shared>>)
      tpu.yield
    }) : () -> ()
    %mul3A_16 = arith.constant 640 : i32
    %mul3A_17 = arith.muli %arg1, %mul3A_16 : i32
    %add3A_18 = arith.constant 384 : i32
    %add3A_19 = arith.addi %mul3A_17, %add3A_18 : i32
    "tpu.region"() ({
      %run_scoped3A = tpu.sem_alloc : memref<!tpu.dma_semaphore, #tpu.memory_space<semaphore_mem>>
      %dma_start3A = arith.constant 0 : i32
      %dma_start3A_36 = tpu.memref_slice %arg7[%add3A_19, %dma_start3A] : memref<10240x64xf32, #tpu.memory_space<vmem_shared>> -> memref<128x64xf32, #tpu.memory_space<vmem_shared>>
      %dma_start3A_37 = arith.constant 0 : i32
      %dma_start3A_38 = tpu.memref_slice %arg7[%add3A_19, %dma_start3A_37] : memref<10240x64xf32, #tpu.memory_space<vmem_shared>> -> memref<128x64xf32, #tpu.memory_space<vmem_shared>>
      tpu.enqueue_dma source(%arg10 : memref<128x64xf32, #tpu.memory_space<vmem>>) target(%dma_start3A_38 : memref<128x64xf32, #tpu.memory_space<vmem_shared>>) target_semaphore(%run_scoped3A : memref<!tpu.dma_semaphore, #tpu.memory_space<semaphore_mem>>)
      %dma_wait3A = arith.constant 0 : i32
      %dma_wait3A_39 = tpu.memref_slice %arg7[%add3A_19, %dma_wait3A] : memref<10240x64xf32, #tpu.memory_space<vmem_shared>> -> memref<128x64xf32, #tpu.memory_space<vmem_shared>>
      %dma_wait3A_40 = arith.constant 0 : i32
      %dma_wait3A_41 = tpu.memref_slice %arg7[%add3A_19, %dma_wait3A_40] : memref<10240x64xf32, #tpu.memory_space<vmem_shared>> -> memref<128x64xf32, #tpu.memory_space<vmem_shared>>
      tpu.wait_dma2 semaphore(%run_scoped3A : memref<!tpu.dma_semaphore, #tpu.memory_space<semaphore_mem>>) src(%arg10 : memref<128x64xf32, #tpu.memory_space<vmem>>) dst(%dma_wait3A_41 : memref<128x64xf32, #tpu.memory_space<vmem_shared>>)
      tpu.yield
    }) : () -> ()
    %mul3A_20 = arith.constant 640 : i32
    %mul3A_21 = arith.muli %arg1, %mul3A_20 : i32
    %add3A_22 = arith.constant 512 : i32
    %add3A_23 = arith.addi %mul3A_21, %add3A_22 : i32
    "tpu.region"() ({
      %run_scoped3A = tpu.sem_alloc : memref<!tpu.dma_semaphore, #tpu.memory_space<semaphore_mem>>
      %dma_start3A = arith.constant 0 : i32
      %dma_start3A_36 = tpu.memref_slice %arg7[%add3A_23, %dma_start3A] : memref<10240x64xf32, #tpu.memory_space<vmem_shared>> -> memref<128x64xf32, #tpu.memory_space<vmem_shared>>
      %dma_start3A_37 = arith.constant 0 : i32
      %dma_start3A_38 = tpu.memref_slice %arg7[%add3A_23, %dma_start3A_37] : memref<10240x64xf32, #tpu.memory_space<vmem_shared>> -> memref<128x64xf32, #tpu.memory_space<vmem_shared>>
      tpu.enqueue_dma source(%arg10 : memref<128x64xf32, #tpu.memory_space<vmem>>) target(%dma_start3A_38 : memref<128x64xf32, #tpu.memory_space<vmem_shared>>) target_semaphore(%run_scoped3A : memref<!tpu.dma_semaphore, #tpu.memory_space<semaphore_mem>>)
      %dma_wait3A = arith.constant 0 : i32
      %dma_wait3A_39 = tpu.memref_slice %arg7[%add3A_23, %dma_wait3A] : memref<10240x64xf32, #tpu.memory_space<vmem_shared>> -> memref<128x64xf32, #tpu.memory_space<vmem_shared>>
      %dma_wait3A_40 = arith.constant 0 : i32
      %dma_wait3A_41 = tpu.memref_slice %arg7[%add3A_23, %dma_wait3A_40] : memref<10240x64xf32, #tpu.memory_space<vmem_shared>> -> memref<128x64xf32, #tpu.memory_space<vmem_shared>>
      tpu.wait_dma2 semaphore(%run_scoped3A : memref<!tpu.dma_semaphore, #tpu.memory_space<semaphore_mem>>) src(%arg10 : memref<128x64xf32, #tpu.memory_space<vmem>>) dst(%dma_wait3A_41 : memref<128x64xf32, #tpu.memory_space<vmem_shared>>)
      tpu.yield
    }) : () -> ()
    "tpu.region"() ({
      %run_scoped3A = tpu.sem_alloc : memref<!tpu.dma_semaphore, #tpu.memory_space<semaphore_mem>>
      %dma_start3A = arith.constant 0 : i32
      %dma_start3A_36 = arith.constant 0 : i32
      %dma_start3A_37 = tpu.memref_slice %arg4[%arg1, %dma_start3A, %dma_start3A_36] : memref<16x157x128xi32, #tpu.memory_space<hbm>> -> memref<1x157x128xi32, #tpu.memory_space<hbm>>
      %dma_start3A_38 = tpu.memref_squeeze %dma_start3A_37 : memref<1x157x128xi32, #tpu.memory_space<hbm>> -> memref<157x128xi32, #tpu.memory_space<hbm>>
      %dma_start3A_39 = arith.constant 0 : i32
      %dma_start3A_40 = arith.constant 0 : i32
      %dma_start3A_41 = tpu.memref_slice %arg4[%arg1, %dma_start3A_39, %dma_start3A_40] : memref<16x157x128xi32, #tpu.memory_space<hbm>> -> memref<1x157x128xi32, #tpu.memory_space<hbm>>
      %dma_start3A_42 = tpu.memref_squeeze %dma_start3A_41 : memref<1x157x128xi32, #tpu.memory_space<hbm>> -> memref<157x128xi32, #tpu.memory_space<hbm>>
      tpu.enqueue_dma source(%dma_start3A_42 : memref<157x128xi32, #tpu.memory_space<hbm>>) target(%arg8 : memref<157x128xi32, #tpu.memory_space<vmem>>) target_semaphore(%run_scoped3A : memref<!tpu.dma_semaphore, #tpu.memory_space<semaphore_mem>>)
      %dma_wait3A = arith.constant 0 : i32
      %dma_wait3A_43 = arith.constant 0 : i32
      %dma_wait3A_44 = tpu.memref_slice %arg4[%arg1, %dma_wait3A, %dma_wait3A_43] : memref<16x157x128xi32, #tpu.memory_space<hbm>> -> memref<1x157x128xi32, #tpu.memory_space<hbm>>
      %dma_wait3A_45 = tpu.memref_squeeze %dma_wait3A_44 : memref<1x157x128xi32, #tpu.memory_space<hbm>> -> memref<157x128xi32, #tpu.memory_space<hbm>>
      %dma_wait3A_46 = arith.constant 0 : i32
      %dma_wait3A_47 = arith.constant 0 : i32
      %dma_wait3A_48 = tpu.memref_slice %arg4[%arg1, %dma_wait3A_46, %dma_wait3A_47] : memref<16x157x128xi32, #tpu.memory_space<hbm>> -> memref<1x157x128xi32, #tpu.memory_space<hbm>>
      %dma_wait3A_49 = tpu.memref_squeeze %dma_wait3A_48 : memref<1x157x128xi32, #tpu.memory_space<hbm>> -> memref<157x128xi32, #tpu.memory_space<hbm>>
      tpu.wait_dma2 semaphore(%run_scoped3A : memref<!tpu.dma_semaphore, #tpu.memory_space<semaphore_mem>>) src(%dma_wait3A_49 : memref<157x128xi32, #tpu.memory_space<hbm>>) dst(%arg8 : memref<157x128xi32, #tpu.memory_space<vmem>>)
      tpu.yield
    }) : () -> ()
    "tpu.region"() ({
      %run_scoped3A = tpu.sem_alloc : memref<!tpu.dma_semaphore, #tpu.memory_space<semaphore_mem>>
      %dma_start3A = arith.constant 0 : i32
      %dma_start3A_36 = arith.constant 0 : i32
      %dma_start3A_37 = tpu.memref_slice %arg5[%arg1, %dma_start3A, %dma_start3A_36] : memref<16x157x128xi32, #tpu.memory_space<hbm>> -> memref<1x157x128xi32, #tpu.memory_space<hbm>>
      %dma_start3A_38 = tpu.memref_squeeze %dma_start3A_37 : memref<1x157x128xi32, #tpu.memory_space<hbm>> -> memref<157x128xi32, #tpu.memory_space<hbm>>
      %dma_start3A_39 = arith.constant 0 : i32
      %dma_start3A_40 = arith.constant 0 : i32
      %dma_start3A_41 = tpu.memref_slice %arg5[%arg1, %dma_start3A_39, %dma_start3A_40] : memref<16x157x128xi32, #tpu.memory_space<hbm>> -> memref<1x157x128xi32, #tpu.memory_space<hbm>>
      %dma_start3A_42 = tpu.memref_squeeze %dma_start3A_41 : memref<1x157x128xi32, #tpu.memory_space<hbm>> -> memref<157x128xi32, #tpu.memory_space<hbm>>
      tpu.enqueue_dma source(%dma_start3A_42 : memref<157x128xi32, #tpu.memory_space<hbm>>) target(%arg9 : memref<157x128xi32, #tpu.memory_space<vmem>>) target_semaphore(%run_scoped3A : memref<!tpu.dma_semaphore, #tpu.memory_space<semaphore_mem>>)
      %dma_wait3A = arith.constant 0 : i32
      %dma_wait3A_43 = arith.constant 0 : i32
      %dma_wait3A_44 = tpu.memref_slice %arg5[%arg1, %dma_wait3A, %dma_wait3A_43] : memref<16x157x128xi32, #tpu.memory_space<hbm>> -> memref<1x157x128xi32, #tpu.memory_space<hbm>>
      %dma_wait3A_45 = tpu.memref_squeeze %dma_wait3A_44 : memref<1x157x128xi32, #tpu.memory_space<hbm>> -> memref<157x128xi32, #tpu.memory_space<hbm>>
      %dma_wait3A_46 = arith.constant 0 : i32
      %dma_wait3A_47 = arith.constant 0 : i32
      %dma_wait3A_48 = tpu.memref_slice %arg5[%arg1, %dma_wait3A_46, %dma_wait3A_47] : memref<16x157x128xi32, #tpu.memory_space<hbm>> -> memref<1x157x128xi32, #tpu.memory_space<hbm>>
      %dma_wait3A_49 = tpu.memref_squeeze %dma_wait3A_48 : memref<1x157x128xi32, #tpu.memory_space<hbm>> -> memref<157x128xi32, #tpu.memory_space<hbm>>
      tpu.wait_dma2 semaphore(%run_scoped3A : memref<!tpu.dma_semaphore, #tpu.memory_space<semaphore_mem>>) src(%dma_wait3A_49 : memref<157x128xi32, #tpu.memory_space<hbm>>) dst(%arg9 : memref<157x128xi32, #tpu.memory_space<vmem>>)
      tpu.yield
    }) : () -> ()
    %barrier3A = arith.constant 0 : index
    tpu.barrier barrier_id(%barrier3A)
    %eq3A = arith.constant 0 : i32
    %eq3A_24 = arith.cmpi eq, %arg0, %eq3A : i32
    %convert_element_type3A = arith.extui %eq3A_24 : i1 to i32
    %cond3A = arith.constant 0 : i32
    %cond3A_25 = arith.cmpi ne, %convert_element_type3A, %cond3A : i32
    scf.if %cond3A_25 {
      %dma_start3A = arith.constant 0 : i32
      %dma_start3A_36 = arith.constant 0 : i32
      %dma_start3A_37 = tpu.memref_slice %arg8[%dma_start3A, %dma_start3A_36] : memref<157x128xi32, #tpu.memory_space<vmem>> -> memref<1x128xi32, #tpu.memory_space<vmem>>
      %dma_start3A_38 = tpu.memref_squeeze %dma_start3A_37 : memref<1x128xi32, #tpu.memory_space<vmem>> -> memref<128xi32, #tpu.memory_space<vmem>>
      %dma_start3A_39 = arith.constant 0 : i32
      %dma_start3A_40 = arith.constant 0 : i32
      %dma_start3A_41 = tpu.memref_slice %arg2[%dma_start3A_39, %dma_start3A_40] : memref<10000x64xf32, #tpu.memory_space<hbm>> -> memref<10000x64xf32, #tpu.memory_space<hbm>>
      tpu.enqueue_indirect_dma source(%dma_start3A_41 : memref<10000x64xf32, #tpu.memory_space<hbm>>) target(%arg10 : memref<128x64xf32, #tpu.memory_space<vmem>>) offsets(%dma_start3A_38 : memref<128xi32, #tpu.memory_space<vmem>>) semaphore(%arg12 : memref<!tpu.dma_semaphore, #tpu.memory_space<semaphore_mem>>)
      %scan3A_42 = arith.constant 0 : i32
      %scan3A_43 = arith.constant 0 : i32
      %scan3A_44 = arith.constant 157 : i32
      %scan3A_45 = arith.addi %scan3A_43, %scan3A_44 : i32
      %scan3A_46 = arith.constant 1 : i32
      scf.for %scan3A_48 = %scan3A_43 to %scan3A_45 step %scan3A_46  : i32 {
        %jit3A = arith.constant 2 : i32
        %eq3A_49 = arith.constant 0 : i32
        %eq3A_50 = arith.cmpi eq, %jit3A, %eq3A_49 : i32
        %jit3A_51 = arith.constant 1 : i32
        %select_n3A = arith.select %eq3A_50, %jit3A_51, %jit3A : i32
        %rem3A = arith.remsi %scan3A_48, %select_n3A : i32
        %ne3A = arith.constant 0 : i32
        %ne3A_52 = arith.cmpi ne, %rem3A, %ne3A : i32
        %lt3A = arith.constant 0 : i32
        %lt3A_53 = arith.cmpi slt, %rem3A, %lt3A : i32
        %lt3A_54 = arith.constant 0 : i32
        %lt3A_55 = arith.cmpi slt, %select_n3A, %lt3A_54 : i32
        %ne3A_56 = arith.xori %lt3A_53, %lt3A_55 : i1
        %and3A = arith.andi %ne3A_56, %ne3A_52 : i1
        %add3A_57 = arith.addi %rem3A, %select_n3A : i32
        %select_n3A_58 = arith.select %and3A, %add3A_57, %rem3A : i32
        %eq3A_59 = arith.constant 0 : i32
        %eq3A_60 = arith.cmpi eq, %select_n3A_58, %eq3A_59 : i32
        %convert_element_type3A_61 = arith.extui %eq3A_60 : i1 to i32
        %cond3A_62 = arith.constant 0 : i32
        %cond3A_63 = arith.cmpi ne, %convert_element_type3A_61, %cond3A_62 : i32
        scf.if %cond3A_63 {
          %add3A_85 = arith.constant 1 : i32
          %add3A_86 = arith.addi %scan3A_48, %add3A_85 : i32
          %lt3A_87 = arith.constant 157 : i32
          %lt3A_88 = arith.cmpi slt, %add3A_86, %lt3A_87 : i32
          %convert_element_type3A_89 = arith.extui %lt3A_88 : i1 to i32
          %cond3A_90 = arith.constant 0 : i32
          %cond3A_91 = arith.cmpi ne, %convert_element_type3A_89, %cond3A_90 : i32
          scf.if %cond3A_91 {
            %add3A_97 = arith.constant 1 : i32
            %add3A_98 = arith.addi %scan3A_48, %add3A_97 : i32
            %dma_start3A_99 = arith.constant 0 : i32
            %dma_start3A_100 = tpu.memref_slice %arg8[%add3A_98, %dma_start3A_99] : memref<157x128xi32, #tpu.memory_space<vmem>> -> memref<1x128xi32, #tpu.memory_space<vmem>>
            %dma_start3A_101 = tpu.memref_squeeze %dma_start3A_100 : memref<1x128xi32, #tpu.memory_space<vmem>> -> memref<128xi32, #tpu.memory_space<vmem>>
            %dma_start3A_102 = arith.constant 0 : i32
            %dma_start3A_103 = arith.constant 0 : i32
            %dma_start3A_104 = tpu.memref_slice %arg2[%dma_start3A_102, %dma_start3A_103] : memref<10000x64xf32, #tpu.memory_space<hbm>> -> memref<10000x64xf32, #tpu.memory_space<hbm>>
            tpu.enqueue_indirect_dma source(%dma_start3A_104 : memref<10000x64xf32, #tpu.memory_space<hbm>>) target(%arg11 : memref<128x64xf32, #tpu.memory_space<vmem>>) offsets(%dma_start3A_101 : memref<128xi32, #tpu.memory_space<vmem>>) semaphore(%arg13 : memref<!tpu.dma_semaphore, #tpu.memory_space<semaphore_mem>>)
          } else {
          }
          %dma_wait3A = arith.constant 0 : i32
          %dma_wait3A_92 = tpu.memref_slice %arg8[%scan3A_48, %dma_wait3A] : memref<157x128xi32, #tpu.memory_space<vmem>> -> memref<1x128xi32, #tpu.memory_space<vmem>>
          %dma_wait3A_93 = tpu.memref_squeeze %dma_wait3A_92 : memref<1x128xi32, #tpu.memory_space<vmem>> -> memref<128xi32, #tpu.memory_space<vmem>>
          %dma_wait3A_94 = arith.constant 0 : i32
          %dma_wait3A_95 = arith.constant 0 : i32
          %dma_wait3A_96 = tpu.memref_slice %arg2[%dma_wait3A_94, %dma_wait3A_95] : memref<10000x64xf32, #tpu.memory_space<hbm>> -> memref<10000x64xf32, #tpu.memory_space<hbm>>
          tpu.wait_indirect_dma semaphore(%arg12 : memref<!tpu.dma_semaphore, #tpu.memory_space<semaphore_mem>>) src(%dma_wait3A_96 : memref<10000x64xf32, #tpu.memory_space<hbm>>) dst(%arg10 : memref<128x64xf32, #tpu.memory_space<vmem>>)
          "tpu.region"() ({
            %run_scoped3A = tpu.sem_alloc : memref<!tpu.dma_semaphore, #tpu.memory_space<semaphore_mem>>
            %dma_start3A_97 = arith.constant 0 : i32
            %dma_start3A_98 = tpu.memref_slice %arg9[%scan3A_48, %dma_start3A_97] : memref<157x128xi32, #tpu.memory_space<vmem>> -> memref<1x128xi32, #tpu.memory_space<vmem>>
            %dma_start3A_99 = tpu.memref_squeeze %dma_start3A_98 : memref<1x128xi32, #tpu.memory_space<vmem>> -> memref<128xi32, #tpu.memory_space<vmem>>
            %dma_start3A_100 = arith.constant 0 : i32
            %dma_start3A_101 = arith.constant 0 : i32
            %dma_start3A_102 = tpu.memref_slice %arg7[%dma_start3A_100, %dma_start3A_101] : memref<10240x64xf32, #tpu.memory_space<vmem_shared>> -> memref<10240x64xf32, #tpu.memory_space<vmem_shared>>
            tpu.enqueue_indirect_dma source(%arg10 : memref<128x64xf32, #tpu.memory_space<vmem>>) target(%dma_start3A_102 : memref<10240x64xf32, #tpu.memory_space<vmem_shared>>) offsets(%dma_start3A_99 : memref<128xi32, #tpu.memory_space<vmem>>) semaphore(%run_scoped3A : memref<!tpu.dma_semaphore, #tpu.memory_space<semaphore_mem>>) {add = true}
            %dma_wait3A_103 = arith.constant 0 : i32
            %dma_wait3A_104 = tpu.memref_slice %arg9[%scan3A_48, %dma_wait3A_103] : memref<157x128xi32, #tpu.memory_space<vmem>> -> memref<1x128xi32, #tpu.memory_space<vmem>>
            %dma_wait3A_105 = tpu.memref_squeeze %dma_wait3A_104 : memref<1x128xi32, #tpu.memory_space<vmem>> -> memref<128xi32, #tpu.memory_space<vmem>>
            %dma_wait3A_106 = arith.constant 0 : i32
            %dma_wait3A_107 = arith.constant 0 : i32
            %dma_wait3A_108 = tpu.memref_slice %arg7[%dma_wait3A_106, %dma_wait3A_107] : memref<10240x64xf32, #tpu.memory_space<vmem_shared>> -> memref<10240x64xf32, #tpu.memory_space<vmem_shared>>
            tpu.wait_indirect_dma semaphore(%run_scoped3A : memref<!tpu.dma_semaphore, #tpu.memory_space<semaphore_mem>>) src(%arg10 : memref<128x64xf32, #tpu.memory_space<vmem>>) dst(%dma_wait3A_108 : memref<10240x64xf32, #tpu.memory_space<vmem_shared>>)
            tpu.yield
          }) : () -> ()
        } else {
        }
        %jit3A_64 = arith.constant 2 : i32
        %eq3A_65 = arith.constant 0 : i32
        %eq3A_66 = arith.cmpi eq, %jit3A_64, %eq3A_65 : i32
        %jit3A_67 = arith.constant 1 : i32
        %select_n3A_68 = arith.select %eq3A_66, %jit3A_67, %jit3A_64 : i32
        %rem3A_69 = arith.remsi %scan3A_48, %select_n3A_68 : i32
        %ne3A_70 = arith.constant 0 : i32
        %ne3A_71 = arith.cmpi ne, %rem3A_69, %ne3A_70 : i32
        %lt3A_72 = arith.constant 0 : i32
        %lt3A_73 = arith.cmpi slt, %rem3A_69, %lt3A_72 : i32
        %lt3A_74 = arith.constant 0 : i32
        %lt3A_75 = arith.cmpi slt, %select_n3A_68, %lt3A_74 : i32
        %ne3A_76 = arith.xori %lt3A_73, %lt3A_75 : i1
        %and3A_77 = arith.andi %ne3A_76, %ne3A_71 : i1
        %add3A_78 = arith.addi %rem3A_69, %select_n3A_68 : i32
        %select_n3A_79 = arith.select %and3A_77, %add3A_78, %rem3A_69 : i32
        %eq3A_80 = arith.constant 1 : i32
        %eq3A_81 = arith.cmpi eq, %select_n3A_79, %eq3A_80 : i32
        %convert_element_type3A_82 = arith.extui %eq3A_81 : i1 to i32
        %cond3A_83 = arith.constant 0 : i32
        %cond3A_84 = arith.cmpi ne, %convert_element_type3A_82, %cond3A_83 : i32
        scf.if %cond3A_84 {
          %add3A_85 = arith.constant 1 : i32
          %add3A_86 = arith.addi %scan3A_48, %add3A_85 : i32
          %lt3A_87 = arith.constant 157 : i32
          %lt3A_88 = arith.cmpi slt, %add3A_86, %lt3A_87 : i32
          %convert_element_type3A_89 = arith.extui %lt3A_88 : i1 to i32
          %cond3A_90 = arith.constant 0 : i32
          %cond3A_91 = arith.cmpi ne, %convert_element_type3A_89, %cond3A_90 : i32
          scf.if %cond3A_91 {
            %add3A_97 = arith.constant 1 : i32
            %add3A_98 = arith.addi %scan3A_48, %add3A_97 : i32
            %dma_start3A_99 = arith.constant 0 : i32
            %dma_start3A_100 = tpu.memref_slice %arg8[%add3A_98, %dma_start3A_99] : memref<157x128xi32, #tpu.memory_space<vmem>> -> memref<1x128xi32, #tpu.memory_space<vmem>>
            %dma_start3A_101 = tpu.memref_squeeze %dma_start3A_100 : memref<1x128xi32, #tpu.memory_space<vmem>> -> memref<128xi32, #tpu.memory_space<vmem>>
            %dma_start3A_102 = arith.constant 0 : i32
            %dma_start3A_103 = arith.constant 0 : i32
            %dma_start3A_104 = tpu.memref_slice %arg2[%dma_start3A_102, %dma_start3A_103] : memref<10000x64xf32, #tpu.memory_space<hbm>> -> memref<10000x64xf32, #tpu.memory_space<hbm>>
            tpu.enqueue_indirect_dma source(%dma_start3A_104 : memref<10000x64xf32, #tpu.memory_space<hbm>>) target(%arg10 : memref<128x64xf32, #tpu.memory_space<vmem>>) offsets(%dma_start3A_101 : memref<128xi32, #tpu.memory_space<vmem>>) semaphore(%arg12 : memref<!tpu.dma_semaphore, #tpu.memory_space<semaphore_mem>>)
          } else {
          }
          %dma_wait3A = arith.constant 0 : i32
          %dma_wait3A_92 = tpu.memref_slice %arg8[%scan3A_48, %dma_wait3A] : memref<157x128xi32, #tpu.memory_space<vmem>> -> memref<1x128xi32, #tpu.memory_space<vmem>>
          %dma_wait3A_93 = tpu.memref_squeeze %dma_wait3A_92 : memref<1x128xi32, #tpu.memory_space<vmem>> -> memref<128xi32, #tpu.memory_space<vmem>>
          %dma_wait3A_94 = arith.constant 0 : i32
          %dma_wait3A_95 = arith.constant 0 : i32
          %dma_wait3A_96 = tpu.memref_slice %arg2[%dma_wait3A_94, %dma_wait3A_95] : memref<10000x64xf32, #tpu.memory_space<hbm>> -> memref<10000x64xf32, #tpu.memory_space<hbm>>
          tpu.wait_indirect_dma semaphore(%arg13 : memref<!tpu.dma_semaphore, #tpu.memory_space<semaphore_mem>>) src(%dma_wait3A_96 : memref<10000x64xf32, #tpu.memory_space<hbm>>) dst(%arg11 : memref<128x64xf32, #tpu.memory_space<vmem>>)
          "tpu.region"() ({
            %run_scoped3A = tpu.sem_alloc : memref<!tpu.dma_semaphore, #tpu.memory_space<semaphore_mem>>
            %dma_start3A_97 = arith.constant 0 : i32
            %dma_start3A_98 = tpu.memref_slice %arg9[%scan3A_48, %dma_start3A_97] : memref<157x128xi32, #tpu.memory_space<vmem>> -> memref<1x128xi32, #tpu.memory_space<vmem>>
            %dma_start3A_99 = tpu.memref_squeeze %dma_start3A_98 : memref<1x128xi32, #tpu.memory_space<vmem>> -> memref<128xi32, #tpu.memory_space<vmem>>
            %dma_start3A_100 = arith.constant 0 : i32
            %dma_start3A_101 = arith.constant 0 : i32
            %dma_start3A_102 = tpu.memref_slice %arg7[%dma_start3A_100, %dma_start3A_101] : memref<10240x64xf32, #tpu.memory_space<vmem_shared>> -> memref<10240x64xf32, #tpu.memory_space<vmem_shared>>
            tpu.enqueue_indirect_dma source(%arg11 : memref<128x64xf32, #tpu.memory_space<vmem>>) target(%dma_start3A_102 : memref<10240x64xf32, #tpu.memory_space<vmem_shared>>) offsets(%dma_start3A_99 : memref<128xi32, #tpu.memory_space<vmem>>) semaphore(%run_scoped3A : memref<!tpu.dma_semaphore, #tpu.memory_space<semaphore_mem>>) {add = true}
            %dma_wait3A_103 = arith.constant 0 : i32
            %dma_wait3A_104 = tpu.memref_slice %arg9[%scan3A_48, %dma_wait3A_103] : memref<157x128xi32, #tpu.memory_space<vmem>> -> memref<1x128xi32, #tpu.memory_space<vmem>>
            %dma_wait3A_105 = tpu.memref_squeeze %dma_wait3A_104 : memref<1x128xi32, #tpu.memory_space<vmem>> -> memref<128xi32, #tpu.memory_space<vmem>>
            %dma_wait3A_106 = arith.constant 0 : i32
            %dma_wait3A_107 = arith.constant 0 : i32
            %dma_wait3A_108 = tpu.memref_slice %arg7[%dma_wait3A_106, %dma_wait3A_107] : memref<10240x64xf32, #tpu.memory_space<vmem_shared>> -> memref<10240x64xf32, #tpu.memory_space<vmem_shared>>
            tpu.wait_indirect_dma semaphore(%run_scoped3A : memref<!tpu.dma_semaphore, #tpu.memory_space<semaphore_mem>>) src(%arg11 : memref<128x64xf32, #tpu.memory_space<vmem>>) dst(%dma_wait3A_108 : memref<10240x64xf32, #tpu.memory_space<vmem_shared>>)
            tpu.yield
          }) : () -> ()
        } else {
        }
      }
      %scan3A_47 = arith.constant 157 : i32
    } else {
    }
    %eq3A_26 = arith.constant 1 : i32
    %eq3A_27 = arith.cmpi eq, %arg0, %eq3A_26 : i32
    %convert_element_type3A_28 = arith.extui %eq3A_27 : i1 to i32
    %cond3A_29 = arith.constant 0 : i32
    %cond3A_30 = arith.cmpi ne, %convert_element_type3A_28, %cond3A_29 : i32
    scf.if %cond3A_30 {
      %dma_start3A = arith.constant 0 : i32
      %dma_start3A_36 = arith.constant 0 : i32
      %dma_start3A_37 = tpu.memref_slice %arg8[%dma_start3A, %dma_start3A_36] : memref<157x128xi32, #tpu.memory_space<vmem>> -> memref<1x128xi32, #tpu.memory_space<vmem>>
      %dma_start3A_38 = tpu.memref_squeeze %dma_start3A_37 : memref<1x128xi32, #tpu.memory_space<vmem>> -> memref<128xi32, #tpu.memory_space<vmem>>
      %dma_start3A_39 = arith.constant 0 : i32
      %dma_start3A_40 = arith.constant 0 : i32
      %dma_start3A_41 = tpu.memref_slice %arg3[%dma_start3A_39, %dma_start3A_40] : memref<10000x64xf32, #tpu.memory_space<hbm>> -> memref<10000x64xf32, #tpu.memory_space<hbm>>
      tpu.enqueue_indirect_dma source(%dma_start3A_41 : memref<10000x64xf32, #tpu.memory_space<hbm>>) target(%arg10 : memref<128x64xf32, #tpu.memory_space<vmem>>) offsets(%dma_start3A_38 : memref<128xi32, #tpu.memory_space<vmem>>) semaphore(%arg12 : memref<!tpu.dma_semaphore, #tpu.memory_space<semaphore_mem>>)
      %scan3A_42 = arith.constant 0 : i32
      %scan3A_43 = arith.constant 0 : i32
      %scan3A_44 = arith.constant 157 : i32
      %scan3A_45 = arith.addi %scan3A_43, %scan3A_44 : i32
      %scan3A_46 = arith.constant 1 : i32
      scf.for %scan3A_48 = %scan3A_43 to %scan3A_45 step %scan3A_46  : i32 {
        %jit3A = arith.constant 2 : i32
        %eq3A_49 = arith.constant 0 : i32
        %eq3A_50 = arith.cmpi eq, %jit3A, %eq3A_49 : i32
        %jit3A_51 = arith.constant 1 : i32
        %select_n3A = arith.select %eq3A_50, %jit3A_51, %jit3A : i32
        %rem3A = arith.remsi %scan3A_48, %select_n3A : i32
        %ne3A = arith.constant 0 : i32
        %ne3A_52 = arith.cmpi ne, %rem3A, %ne3A : i32
        %lt3A = arith.constant 0 : i32
        %lt3A_53 = arith.cmpi slt, %rem3A, %lt3A : i32
        %lt3A_54 = arith.constant 0 : i32
        %lt3A_55 = arith.cmpi slt, %select_n3A, %lt3A_54 : i32
        %ne3A_56 = arith.xori %lt3A_53, %lt3A_55 : i1
        %and3A = arith.andi %ne3A_56, %ne3A_52 : i1
        %add3A_57 = arith.addi %rem3A, %select_n3A : i32
        %select_n3A_58 = arith.select %and3A, %add3A_57, %rem3A : i32
        %eq3A_59 = arith.constant 0 : i32
        %eq3A_60 = arith.cmpi eq, %select_n3A_58, %eq3A_59 : i32
        %convert_element_type3A_61 = arith.extui %eq3A_60 : i1 to i32
        %cond3A_62 = arith.constant 0 : i32
        %cond3A_63 = arith.cmpi ne, %convert_element_type3A_61, %cond3A_62 : i32
        scf.if %cond3A_63 {
          %add3A_85 = arith.constant 1 : i32
          %add3A_86 = arith.addi %scan3A_48, %add3A_85 : i32
          %lt3A_87 = arith.constant 157 : i32
          %lt3A_88 = arith.cmpi slt, %add3A_86, %lt3A_87 : i32
          %convert_element_type3A_89 = arith.extui %lt3A_88 : i1 to i32
          %cond3A_90 = arith.constant 0 : i32
          %cond3A_91 = arith.cmpi ne, %convert_element_type3A_89, %cond3A_90 : i32
          scf.if %cond3A_91 {
            %add3A_97 = arith.constant 1 : i32
            %add3A_98 = arith.addi %scan3A_48, %add3A_97 : i32
            %dma_start3A_99 = arith.constant 0 : i32
            %dma_start3A_100 = tpu.memref_slice %arg8[%add3A_98, %dma_start3A_99] : memref<157x128xi32, #tpu.memory_space<vmem>> -> memref<1x128xi32, #tpu.memory_space<vmem>>
            %dma_start3A_101 = tpu.memref_squeeze %dma_start3A_100 : memref<1x128xi32, #tpu.memory_space<vmem>> -> memref<128xi32, #tpu.memory_space<vmem>>
            %dma_start3A_102 = arith.constant 0 : i32
            %dma_start3A_103 = arith.constant 0 : i32
            %dma_start3A_104 = tpu.memref_slice %arg3[%dma_start3A_102, %dma_start3A_103] : memref<10000x64xf32, #tpu.memory_space<hbm>> -> memref<10000x64xf32, #tpu.memory_space<hbm>>
            tpu.enqueue_indirect_dma source(%dma_start3A_104 : memref<10000x64xf32, #tpu.memory_space<hbm>>) target(%arg11 : memref<128x64xf32, #tpu.memory_space<vmem>>) offsets(%dma_start3A_101 : memref<128xi32, #tpu.memory_space<vmem>>) semaphore(%arg13 : memref<!tpu.dma_semaphore, #tpu.memory_space<semaphore_mem>>)
          } else {
          }
          %dma_wait3A = arith.constant 0 : i32
          %dma_wait3A_92 = tpu.memref_slice %arg8[%scan3A_48, %dma_wait3A] : memref<157x128xi32, #tpu.memory_space<vmem>> -> memref<1x128xi32, #tpu.memory_space<vmem>>
          %dma_wait3A_93 = tpu.memref_squeeze %dma_wait3A_92 : memref<1x128xi32, #tpu.memory_space<vmem>> -> memref<128xi32, #tpu.memory_space<vmem>>
          %dma_wait3A_94 = arith.constant 0 : i32
          %dma_wait3A_95 = arith.constant 0 : i32
          %dma_wait3A_96 = tpu.memref_slice %arg3[%dma_wait3A_94, %dma_wait3A_95] : memref<10000x64xf32, #tpu.memory_space<hbm>> -> memref<10000x64xf32, #tpu.memory_space<hbm>>
          tpu.wait_indirect_dma semaphore(%arg12 : memref<!tpu.dma_semaphore, #tpu.memory_space<semaphore_mem>>) src(%dma_wait3A_96 : memref<10000x64xf32, #tpu.memory_space<hbm>>) dst(%arg10 : memref<128x64xf32, #tpu.memory_space<vmem>>)
          "tpu.region"() ({
            %run_scoped3A = tpu.sem_alloc : memref<!tpu.dma_semaphore, #tpu.memory_space<semaphore_mem>>
            %dma_start3A_97 = arith.constant 0 : i32
            %dma_start3A_98 = tpu.memref_slice %arg9[%scan3A_48, %dma_start3A_97] : memref<157x128xi32, #tpu.memory_space<vmem>> -> memref<1x128xi32, #tpu.memory_space<vmem>>
            %dma_start3A_99 = tpu.memref_squeeze %dma_start3A_98 : memref<1x128xi32, #tpu.memory_space<vmem>> -> memref<128xi32, #tpu.memory_space<vmem>>
            %dma_start3A_100 = arith.constant 0 : i32
            %dma_start3A_101 = arith.constant 0 : i32
            %dma_start3A_102 = tpu.memref_slice %arg7[%dma_start3A_100, %dma_start3A_101] : memref<10240x64xf32, #tpu.memory_space<vmem_shared>> -> memref<10240x64xf32, #tpu.memory_space<vmem_shared>>
            tpu.enqueue_indirect_dma source(%arg10 : memref<128x64xf32, #tpu.memory_space<vmem>>) target(%dma_start3A_102 : memref<10240x64xf32, #tpu.memory_space<vmem_shared>>) offsets(%dma_start3A_99 : memref<128xi32, #tpu.memory_space<vmem>>) semaphore(%run_scoped3A : memref<!tpu.dma_semaphore, #tpu.memory_space<semaphore_mem>>) {add = true}
            %dma_wait3A_103 = arith.constant 0 : i32
            %dma_wait3A_104 = tpu.memref_slice %arg9[%scan3A_48, %dma_wait3A_103] : memref<157x128xi32, #tpu.memory_space<vmem>> -> memref<1x128xi32, #tpu.memory_space<vmem>>
            %dma_wait3A_105 = tpu.memref_squeeze %dma_wait3A_104 : memref<1x128xi32, #tpu.memory_space<vmem>> -> memref<128xi32, #tpu.memory_space<vmem>>
            %dma_wait3A_106 = arith.constant 0 : i32
            %dma_wait3A_107 = arith.constant 0 : i32
            %dma_wait3A_108 = tpu.memref_slice %arg7[%dma_wait3A_106, %dma_wait3A_107] : memref<10240x64xf32, #tpu.memory_space<vmem_shared>> -> memref<10240x64xf32, #tpu.memory_space<vmem_shared>>
            tpu.wait_indirect_dma semaphore(%run_scoped3A : memref<!tpu.dma_semaphore, #tpu.memory_space<semaphore_mem>>) src(%arg10 : memref<128x64xf32, #tpu.memory_space<vmem>>) dst(%dma_wait3A_108 : memref<10240x64xf32, #tpu.memory_space<vmem_shared>>)
            tpu.yield
          }) : () -> ()
        } else {
        }
        %jit3A_64 = arith.constant 2 : i32
        %eq3A_65 = arith.constant 0 : i32
        %eq3A_66 = arith.cmpi eq, %jit3A_64, %eq3A_65 : i32
        %jit3A_67 = arith.constant 1 : i32
        %select_n3A_68 = arith.select %eq3A_66, %jit3A_67, %jit3A_64 : i32
        %rem3A_69 = arith.remsi %scan3A_48, %select_n3A_68 : i32
        %ne3A_70 = arith.constant 0 : i32
        %ne3A_71 = arith.cmpi ne, %rem3A_69, %ne3A_70 : i32
        %lt3A_72 = arith.constant 0 : i32
        %lt3A_73 = arith.cmpi slt, %rem3A_69, %lt3A_72 : i32
        %lt3A_74 = arith.constant 0 : i32
        %lt3A_75 = arith.cmpi slt, %select_n3A_68, %lt3A_74 : i32
        %ne3A_76 = arith.xori %lt3A_73, %lt3A_75 : i1
        %and3A_77 = arith.andi %ne3A_76, %ne3A_71 : i1
        %add3A_78 = arith.addi %rem3A_69, %select_n3A_68 : i32
        %select_n3A_79 = arith.select %and3A_77, %add3A_78, %rem3A_69 : i32
        %eq3A_80 = arith.constant 1 : i32
        %eq3A_81 = arith.cmpi eq, %select_n3A_79, %eq3A_80 : i32
        %convert_element_type3A_82 = arith.extui %eq3A_81 : i1 to i32
        %cond3A_83 = arith.constant 0 : i32
        %cond3A_84 = arith.cmpi ne, %convert_element_type3A_82, %cond3A_83 : i32
        scf.if %cond3A_84 {
          %add3A_85 = arith.constant 1 : i32
          %add3A_86 = arith.addi %scan3A_48, %add3A_85 : i32
          %lt3A_87 = arith.constant 157 : i32
          %lt3A_88 = arith.cmpi slt, %add3A_86, %lt3A_87 : i32
          %convert_element_type3A_89 = arith.extui %lt3A_88 : i1 to i32
          %cond3A_90 = arith.constant 0 : i32
          %cond3A_91 = arith.cmpi ne, %convert_element_type3A_89, %cond3A_90 : i32
          scf.if %cond3A_91 {
            %add3A_97 = arith.constant 1 : i32
            %add3A_98 = arith.addi %scan3A_48, %add3A_97 : i32
            %dma_start3A_99 = arith.constant 0 : i32
            %dma_start3A_100 = tpu.memref_slice %arg8[%add3A_98, %dma_start3A_99] : memref<157x128xi32, #tpu.memory_space<vmem>> -> memref<1x128xi32, #tpu.memory_space<vmem>>
            %dma_start3A_101 = tpu.memref_squeeze %dma_start3A_100 : memref<1x128xi32, #tpu.memory_space<vmem>> -> memref<128xi32, #tpu.memory_space<vmem>>
            %dma_start3A_102 = arith.constant 0 : i32
            %dma_start3A_103 = arith.constant 0 : i32
            %dma_start3A_104 = tpu.memref_slice %arg3[%dma_start3A_102, %dma_start3A_103] : memref<10000x64xf32, #tpu.memory_space<hbm>> -> memref<10000x64xf32, #tpu.memory_space<hbm>>
            tpu.enqueue_indirect_dma source(%dma_start3A_104 : memref<10000x64xf32, #tpu.memory_space<hbm>>) target(%arg10 : memref<128x64xf32, #tpu.memory_space<vmem>>) offsets(%dma_start3A_101 : memref<128xi32, #tpu.memory_space<vmem>>) semaphore(%arg12 : memref<!tpu.dma_semaphore, #tpu.memory_space<semaphore_mem>>)
          } else {
          }
          %dma_wait3A = arith.constant 0 : i32
          %dma_wait3A_92 = tpu.memref_slice %arg8[%scan3A_48, %dma_wait3A] : memref<157x128xi32, #tpu.memory_space<vmem>> -> memref<1x128xi32, #tpu.memory_space<vmem>>
          %dma_wait3A_93 = tpu.memref_squeeze %dma_wait3A_92 : memref<1x128xi32, #tpu.memory_space<vmem>> -> memref<128xi32, #tpu.memory_space<vmem>>
          %dma_wait3A_94 = arith.constant 0 : i32
          %dma_wait3A_95 = arith.constant 0 : i32
          %dma_wait3A_96 = tpu.memref_slice %arg3[%dma_wait3A_94, %dma_wait3A_95] : memref<10000x64xf32, #tpu.memory_space<hbm>> -> memref<10000x64xf32, #tpu.memory_space<hbm>>
          tpu.wait_indirect_dma semaphore(%arg13 : memref<!tpu.dma_semaphore, #tpu.memory_space<semaphore_mem>>) src(%dma_wait3A_96 : memref<10000x64xf32, #tpu.memory_space<hbm>>) dst(%arg11 : memref<128x64xf32, #tpu.memory_space<vmem>>)
          "tpu.region"() ({
            %run_scoped3A = tpu.sem_alloc : memref<!tpu.dma_semaphore, #tpu.memory_space<semaphore_mem>>
            %dma_start3A_97 = arith.constant 0 : i32
            %dma_start3A_98 = tpu.memref_slice %arg9[%scan3A_48, %dma_start3A_97] : memref<157x128xi32, #tpu.memory_space<vmem>> -> memref<1x128xi32, #tpu.memory_space<vmem>>
            %dma_start3A_99 = tpu.memref_squeeze %dma_start3A_98 : memref<1x128xi32, #tpu.memory_space<vmem>> -> memref<128xi32, #tpu.memory_space<vmem>>
            %dma_start3A_100 = arith.constant 0 : i32
            %dma_start3A_101 = arith.constant 0 : i32
            %dma_start3A_102 = tpu.memref_slice %arg7[%dma_start3A_100, %dma_start3A_101] : memref<10240x64xf32, #tpu.memory_space<vmem_shared>> -> memref<10240x64xf32, #tpu.memory_space<vmem_shared>>
            tpu.enqueue_indirect_dma source(%arg11 : memref<128x64xf32, #tpu.memory_space<vmem>>) target(%dma_start3A_102 : memref<10240x64xf32, #tpu.memory_space<vmem_shared>>) offsets(%dma_start3A_99 : memref<128xi32, #tpu.memory_space<vmem>>) semaphore(%run_scoped3A : memref<!tpu.dma_semaphore, #tpu.memory_space<semaphore_mem>>) {add = true}
            %dma_wait3A_103 = arith.constant 0 : i32
            %dma_wait3A_104 = tpu.memref_slice %arg9[%scan3A_48, %dma_wait3A_103] : memref<157x128xi32, #tpu.memory_space<vmem>> -> memref<1x128xi32, #tpu.memory_space<vmem>>
            %dma_wait3A_105 = tpu.memref_squeeze %dma_wait3A_104 : memref<1x128xi32, #tpu.memory_space<vmem>> -> memref<128xi32, #tpu.memory_space<vmem>>
            %dma_wait3A_106 = arith.constant 0 : i32
            %dma_wait3A_107 = arith.constant 0 : i32
            %dma_wait3A_108 = tpu.memref_slice %arg7[%dma_wait3A_106, %dma_wait3A_107] : memref<10240x64xf32, #tpu.memory_space<vmem_shared>> -> memref<10240x64xf32, #tpu.memory_space<vmem_shared>>
            tpu.wait_indirect_dma semaphore(%run_scoped3A : memref<!tpu.dma_semaphore, #tpu.memory_space<semaphore_mem>>) src(%arg11 : memref<128x64xf32, #tpu.memory_space<vmem>>) dst(%dma_wait3A_108 : memref<10240x64xf32, #tpu.memory_space<vmem_shared>>)
            tpu.yield
          }) : () -> ()
        } else {
        }
      }
      %scan3A_47 = arith.constant 157 : i32
    } else {
    }
    %barrier3A_31 = arith.constant 0 : index
    tpu.barrier barrier_id(%barrier3A_31)
    %mul3A_32 = arith.constant 640 : i32
    %mul3A_33 = arith.muli %arg1, %mul3A_32 : i32
    %mul3A_34 = arith.constant 640 : i32
    %mul3A_35 = arith.muli %arg1, %mul3A_34 : i32
    "tpu.region"() ({
      %run_scoped3A = tpu.sem_alloc : memref<!tpu.dma_semaphore, #tpu.memory_space<semaphore_mem>>
      %dma_start3A = arith.constant 0 : i32
      %dma_start3A_36 = tpu.memref_slice %arg6[%arg0, %mul3A_35, %dma_start3A] : memref<2x10240x64xf32, #tpu.memory_space<hbm>> -> memref<1x640x64xf32, #tpu.memory_space<hbm>>
      %dma_start3A_37 = tpu.memref_squeeze %dma_start3A_36 : memref<1x640x64xf32, #tpu.memory_space<hbm>> -> memref<640x64xf32, #tpu.memory_space<hbm>>
      %dma_start3A_38 = arith.constant 0 : i32
      %dma_start3A_39 = tpu.memref_slice %arg7[%mul3A_33, %dma_start3A_38] : memref<10240x64xf32, #tpu.memory_space<vmem_shared>> -> memref<640x64xf32, #tpu.memory_space<vmem_shared>>
      tpu.enqueue_dma source(%dma_start3A_39 : memref<640x64xf32, #tpu.memory_space<vmem_shared>>) target(%dma_start3A_37 : memref<640x64xf32, #tpu.memory_space<hbm>>) target_semaphore(%run_scoped3A : memref<!tpu.dma_semaphore, #tpu.memory_space<semaphore_mem>>)
      %dma_wait3A = arith.constant 0 : i32
      %dma_wait3A_40 = tpu.memref_slice %arg6[%arg0, %mul3A_35, %dma_wait3A] : memref<2x10240x64xf32, #tpu.memory_space<hbm>> -> memref<1x640x64xf32, #tpu.memory_space<hbm>>
      %dma_wait3A_41 = tpu.memref_squeeze %dma_wait3A_40 : memref<1x640x64xf32, #tpu.memory_space<hbm>> -> memref<640x64xf32, #tpu.memory_space<hbm>>
      %dma_wait3A_42 = arith.constant 0 : i32
      %dma_wait3A_43 = tpu.memref_slice %arg7[%mul3A_33, %dma_wait3A_42] : memref<10240x64xf32, #tpu.memory_space<vmem_shared>> -> memref<640x64xf32, #tpu.memory_space<vmem_shared>>
      tpu.wait_dma2 semaphore(%run_scoped3A : memref<!tpu.dma_semaphore, #tpu.memory_space<semaphore_mem>>) src(%dma_wait3A_43 : memref<640x64xf32, #tpu.memory_space<vmem_shared>>) dst(%dma_wait3A_41 : memref<640x64xf32, #tpu.memory_space<hbm>>)
      tpu.yield
    }) : () -> ()
    return
  }
}

#map = affine_map<(d0, d1) -> (0, 0, 0)>
module attributes {stable_mosaic.version = 14 : i64} {
  func.func @_deg_kernel(%arg0: i32, %arg1: i32, %arg2: memref<16x157x128xi32, #tpu.memory_space<hbm>>, %arg3: memref<2x10240x16xf32, #tpu.memory_space<hbm>>, %arg4: memref<10240x16xf32, #tpu.memory_space<vmem_shared>>, %arg5: memref<157x128xi32, #tpu.memory_space<vmem>>, %arg6: memref<128x16xf32, #tpu.memory_space<vmem>>) attributes {dimension_semantics = [#tpu.dimension_semantics<core_parallel>, #tpu.dimension_semantics<subcore_parallel>], iteration_bounds = array<i64: 2, 16>, scalar_prefetch = 0 : i64, scratch_operands = 3 : i64, tpu.core_type = #tpu.core_type<sc_vector_subcore>, window_params = [{transform_indices = #map}, {transform_indices = #map}]} {
    %broadcast_in_dim3A = arith.constant 0.000000e+00 : f32
    %broadcast_in_dim3A_0 = vector.broadcast %broadcast_in_dim3A : f32 to vector<16xf32>
    %scan3A = arith.constant 0 : i32
    %scan3A_1 = arith.constant 0 : i32
    %scan3A_2 = arith.constant 128 : i32
    %scan3A_3 = arith.addi %scan3A_1, %scan3A_2 : i32
    %scan3A_4 = arith.constant 1 : i32
    scf.for %scan3A_51 = %scan3A_1 to %scan3A_3 step %scan3A_4  : i32 {
      %swap3A = arith.index_cast %scan3A_51 : i32 to index
      %swap3A_52 = arith.constant 0 : index
      %swap3A_53 = tpu.vector_load %arg6[%swap3A, %swap3A_52] {strides = array<i32>} : memref<128x16xf32, #tpu.memory_space<vmem>>, vector<1x16xf32>,
      %swap3A_54 = vector.shape_cast %swap3A_53 : vector<1x16xf32> to vector<16xf32>
      %swap3A_55 = vector.shape_cast %broadcast_in_dim3A_0 : vector<16xf32> to vector<1x16xf32>
      tpu.vector_store %arg6[%swap3A, %swap3A_52], %swap3A_55 {strides = array<i32>} : memref<128x16xf32, #tpu.memory_space<vmem>>, vector<1x16xf32>,
    }
    %scan3A_5 = arith.constant 128 : i32
    %mul3A = arith.constant 640 : i32
    %mul3A_6 = arith.muli %arg1, %mul3A : i32
    %add3A = arith.constant 0 : i32
    %add3A_7 = arith.addi %mul3A_6, %add3A : i32
    "tpu.region"() ({
      %run_scoped3A = tpu.sem_alloc : memref<!tpu.dma_semaphore, #tpu.memory_space<semaphore_mem>>
      %dma_start3A = arith.constant 0 : i32
      %dma_start3A_51 = tpu.memref_slice %arg4[%add3A_7, %dma_start3A] : memref<10240x16xf32, #tpu.memory_space<vmem_shared>> -> memref<128x16xf32, #tpu.memory_space<vmem_shared>>
      %dma_start3A_52 = arith.constant 0 : i32
      %dma_start3A_53 = tpu.memref_slice %arg4[%add3A_7, %dma_start3A_52] : memref<10240x16xf32, #tpu.memory_space<vmem_shared>> -> memref<128x16xf32, #tpu.memory_space<vmem_shared>>
      tpu.enqueue_dma source(%arg6 : memref<128x16xf32, #tpu.memory_space<vmem>>) target(%dma_start3A_53 : memref<128x16xf32, #tpu.memory_space<vmem_shared>>) target_semaphore(%run_scoped3A : memref<!tpu.dma_semaphore, #tpu.memory_space<semaphore_mem>>)
      %dma_wait3A = arith.constant 0 : i32
      %dma_wait3A_54 = tpu.memref_slice %arg4[%add3A_7, %dma_wait3A] : memref<10240x16xf32, #tpu.memory_space<vmem_shared>> -> memref<128x16xf32, #tpu.memory_space<vmem_shared>>
      %dma_wait3A_55 = arith.constant 0 : i32
      %dma_wait3A_56 = tpu.memref_slice %arg4[%add3A_7, %dma_wait3A_55] : memref<10240x16xf32, #tpu.memory_space<vmem_shared>> -> memref<128x16xf32, #tpu.memory_space<vmem_shared>>
      tpu.wait_dma2 semaphore(%run_scoped3A : memref<!tpu.dma_semaphore, #tpu.memory_space<semaphore_mem>>) src(%arg6 : memref<128x16xf32, #tpu.memory_space<vmem>>) dst(%dma_wait3A_56 : memref<128x16xf32, #tpu.memory_space<vmem_shared>>)
      tpu.yield
    }) : () -> ()
    %mul3A_8 = arith.constant 640 : i32
    %mul3A_9 = arith.muli %arg1, %mul3A_8 : i32
    %add3A_10 = arith.constant 128 : i32
    %add3A_11 = arith.addi %mul3A_9, %add3A_10 : i32
    "tpu.region"() ({
      %run_scoped3A = tpu.sem_alloc : memref<!tpu.dma_semaphore, #tpu.memory_space<semaphore_mem>>
      %dma_start3A = arith.constant 0 : i32
      %dma_start3A_51 = tpu.memref_slice %arg4[%add3A_11, %dma_start3A] : memref<10240x16xf32, #tpu.memory_space<vmem_shared>> -> memref<128x16xf32, #tpu.memory_space<vmem_shared>>
      %dma_start3A_52 = arith.constant 0 : i32
      %dma_start3A_53 = tpu.memref_slice %arg4[%add3A_11, %dma_start3A_52] : memref<10240x16xf32, #tpu.memory_space<vmem_shared>> -> memref<128x16xf32, #tpu.memory_space<vmem_shared>>
      tpu.enqueue_dma source(%arg6 : memref<128x16xf32, #tpu.memory_space<vmem>>) target(%dma_start3A_53 : memref<128x16xf32, #tpu.memory_space<vmem_shared>>) target_semaphore(%run_scoped3A : memref<!tpu.dma_semaphore, #tpu.memory_space<semaphore_mem>>)
      %dma_wait3A = arith.constant 0 : i32
      %dma_wait3A_54 = tpu.memref_slice %arg4[%add3A_11, %dma_wait3A] : memref<10240x16xf32, #tpu.memory_space<vmem_shared>> -> memref<128x16xf32, #tpu.memory_space<vmem_shared>>
      %dma_wait3A_55 = arith.constant 0 : i32
      %dma_wait3A_56 = tpu.memref_slice %arg4[%add3A_11, %dma_wait3A_55] : memref<10240x16xf32, #tpu.memory_space<vmem_shared>> -> memref<128x16xf32, #tpu.memory_space<vmem_shared>>
      tpu.wait_dma2 semaphore(%run_scoped3A : memref<!tpu.dma_semaphore, #tpu.memory_space<semaphore_mem>>) src(%arg6 : memref<128x16xf32, #tpu.memory_space<vmem>>) dst(%dma_wait3A_56 : memref<128x16xf32, #tpu.memory_space<vmem_shared>>)
      tpu.yield
    }) : () -> ()
    %mul3A_12 = arith.constant 640 : i32
    %mul3A_13 = arith.muli %arg1, %mul3A_12 : i32
    %add3A_14 = arith.constant 256 : i32
    %add3A_15 = arith.addi %mul3A_13, %add3A_14 : i32
    "tpu.region"() ({
      %run_scoped3A = tpu.sem_alloc : memref<!tpu.dma_semaphore, #tpu.memory_space<semaphore_mem>>
      %dma_start3A = arith.constant 0 : i32
      %dma_start3A_51 = tpu.memref_slice %arg4[%add3A_15, %dma_start3A] : memref<10240x16xf32, #tpu.memory_space<vmem_shared>> -> memref<128x16xf32, #tpu.memory_space<vmem_shared>>
      %dma_start3A_52 = arith.constant 0 : i32
      %dma_start3A_53 = tpu.memref_slice %arg4[%add3A_15, %dma_start3A_52] : memref<10240x16xf32, #tpu.memory_space<vmem_shared>> -> memref<128x16xf32, #tpu.memory_space<vmem_shared>>
      tpu.enqueue_dma source(%arg6 : memref<128x16xf32, #tpu.memory_space<vmem>>) target(%dma_start3A_53 : memref<128x16xf32, #tpu.memory_space<vmem_shared>>) target_semaphore(%run_scoped3A : memref<!tpu.dma_semaphore, #tpu.memory_space<semaphore_mem>>)
      %dma_wait3A = arith.constant 0 : i32
      %dma_wait3A_54 = tpu.memref_slice %arg4[%add3A_15, %dma_wait3A] : memref<10240x16xf32, #tpu.memory_space<vmem_shared>> -> memref<128x16xf32, #tpu.memory_space<vmem_shared>>
      %dma_wait3A_55 = arith.constant 0 : i32
      %dma_wait3A_56 = tpu.memref_slice %arg4[%add3A_15, %dma_wait3A_55] : memref<10240x16xf32, #tpu.memory_space<vmem_shared>> -> memref<128x16xf32, #tpu.memory_space<vmem_shared>>
      tpu.wait_dma2 semaphore(%run_scoped3A : memref<!tpu.dma_semaphore, #tpu.memory_space<semaphore_mem>>) src(%arg6 : memref<128x16xf32, #tpu.memory_space<vmem>>) dst(%dma_wait3A_56 : memref<128x16xf32, #tpu.memory_space<vmem_shared>>)
      tpu.yield
    }) : () -> ()
    %mul3A_16 = arith.constant 640 : i32
    %mul3A_17 = arith.muli %arg1, %mul3A_16 : i32
    %add3A_18 = arith.constant 384 : i32
    %add3A_19 = arith.addi %mul3A_17, %add3A_18 : i32
    "tpu.region"() ({
      %run_scoped3A = tpu.sem_alloc : memref<!tpu.dma_semaphore, #tpu.memory_space<semaphore_mem>>
      %dma_start3A = arith.constant 0 : i32
      %dma_start3A_51 = tpu.memref_slice %arg4[%add3A_19, %dma_start3A] : memref<10240x16xf32, #tpu.memory_space<vmem_shared>> -> memref<128x16xf32, #tpu.memory_space<vmem_shared>>
      %dma_start3A_52 = arith.constant 0 : i32
      %dma_start3A_53 = tpu.memref_slice %arg4[%add3A_19, %dma_start3A_52] : memref<10240x16xf32, #tpu.memory_space<vmem_shared>> -> memref<128x16xf32, #tpu.memory_space<vmem_shared>>
      tpu.enqueue_dma source(%arg6 : memref<128x16xf32, #tpu.memory_space<vmem>>) target(%dma_start3A_53 : memref<128x16xf32, #tpu.memory_space<vmem_shared>>) target_semaphore(%run_scoped3A : memref<!tpu.dma_semaphore, #tpu.memory_space<semaphore_mem>>)
      %dma_wait3A = arith.constant 0 : i32
      %dma_wait3A_54 = tpu.memref_slice %arg4[%add3A_19, %dma_wait3A] : memref<10240x16xf32, #tpu.memory_space<vmem_shared>> -> memref<128x16xf32, #tpu.memory_space<vmem_shared>>
      %dma_wait3A_55 = arith.constant 0 : i32
      %dma_wait3A_56 = tpu.memref_slice %arg4[%add3A_19, %dma_wait3A_55] : memref<10240x16xf32, #tpu.memory_space<vmem_shared>> -> memref<128x16xf32, #tpu.memory_space<vmem_shared>>
      tpu.wait_dma2 semaphore(%run_scoped3A : memref<!tpu.dma_semaphore, #tpu.memory_space<semaphore_mem>>) src(%arg6 : memref<128x16xf32, #tpu.memory_space<vmem>>) dst(%dma_wait3A_56 : memref<128x16xf32, #tpu.memory_space<vmem_shared>>)
      tpu.yield
    }) : () -> ()
    %mul3A_20 = arith.constant 640 : i32
    %mul3A_21 = arith.muli %arg1, %mul3A_20 : i32
    %add3A_22 = arith.constant 512 : i32
    %add3A_23 = arith.addi %mul3A_21, %add3A_22 : i32
    "tpu.region"() ({
      %run_scoped3A = tpu.sem_alloc : memref<!tpu.dma_semaphore, #tpu.memory_space<semaphore_mem>>
      %dma_start3A = arith.constant 0 : i32
      %dma_start3A_51 = tpu.memref_slice %arg4[%add3A_23, %dma_start3A] : memref<10240x16xf32, #tpu.memory_space<vmem_shared>> -> memref<128x16xf32, #tpu.memory_space<vmem_shared>>
      %dma_start3A_52 = arith.constant 0 : i32
      %dma_start3A_53 = tpu.memref_slice %arg4[%add3A_23, %dma_start3A_52] : memref<10240x16xf32, #tpu.memory_space<vmem_shared>> -> memref<128x16xf32, #tpu.memory_space<vmem_shared>>
      tpu.enqueue_dma source(%arg6 : memref<128x16xf32, #tpu.memory_space<vmem>>) target(%dma_start3A_53 : memref<128x16xf32, #tpu.memory_space<vmem_shared>>) target_semaphore(%run_scoped3A : memref<!tpu.dma_semaphore, #tpu.memory_space<semaphore_mem>>)
      %dma_wait3A = arith.constant 0 : i32
      %dma_wait3A_54 = tpu.memref_slice %arg4[%add3A_23, %dma_wait3A] : memref<10240x16xf32, #tpu.memory_space<vmem_shared>> -> memref<128x16xf32, #tpu.memory_space<vmem_shared>>
      %dma_wait3A_55 = arith.constant 0 : i32
      %dma_wait3A_56 = tpu.memref_slice %arg4[%add3A_23, %dma_wait3A_55] : memref<10240x16xf32, #tpu.memory_space<vmem_shared>> -> memref<128x16xf32, #tpu.memory_space<vmem_shared>>
      tpu.wait_dma2 semaphore(%run_scoped3A : memref<!tpu.dma_semaphore, #tpu.memory_space<semaphore_mem>>) src(%arg6 : memref<128x16xf32, #tpu.memory_space<vmem>>) dst(%dma_wait3A_56 : memref<128x16xf32, #tpu.memory_space<vmem_shared>>)
      tpu.yield
    }) : () -> ()
    "tpu.region"() ({
      %run_scoped3A = tpu.sem_alloc : memref<!tpu.dma_semaphore, #tpu.memory_space<semaphore_mem>>
      %dma_start3A = arith.constant 0 : i32
      %dma_start3A_51 = arith.constant 0 : i32
      %dma_start3A_52 = tpu.memref_slice %arg2[%arg1, %dma_start3A, %dma_start3A_51] : memref<16x157x128xi32, #tpu.memory_space<hbm>> -> memref<1x157x128xi32, #tpu.memory_space<hbm>>
      %dma_start3A_53 = tpu.memref_squeeze %dma_start3A_52 : memref<1x157x128xi32, #tpu.memory_space<hbm>> -> memref<157x128xi32, #tpu.memory_space<hbm>>
      %dma_start3A_54 = arith.constant 0 : i32
      %dma_start3A_55 = arith.constant 0 : i32
      %dma_start3A_56 = tpu.memref_slice %arg2[%arg1, %dma_start3A_54, %dma_start3A_55] : memref<16x157x128xi32, #tpu.memory_space<hbm>> -> memref<1x157x128xi32, #tpu.memory_space<hbm>>
      %dma_start3A_57 = tpu.memref_squeeze %dma_start3A_56 : memref<1x157x128xi32, #tpu.memory_space<hbm>> -> memref<157x128xi32, #tpu.memory_space<hbm>>
      tpu.enqueue_dma source(%dma_start3A_57 : memref<157x128xi32, #tpu.memory_space<hbm>>) target(%arg5 : memref<157x128xi32, #tpu.memory_space<vmem>>) target_semaphore(%run_scoped3A : memref<!tpu.dma_semaphore, #tpu.memory_space<semaphore_mem>>)
      %dma_wait3A = arith.constant 0 : i32
      %dma_wait3A_58 = arith.constant 0 : i32
      %dma_wait3A_59 = tpu.memref_slice %arg2[%arg1, %dma_wait3A, %dma_wait3A_58] : memref<16x157x128xi32, #tpu.memory_space<hbm>> -> memref<1x157x128xi32, #tpu.memory_space<hbm>>
      %dma_wait3A_60 = tpu.memref_squeeze %dma_wait3A_59 : memref<1x157x128xi32, #tpu.memory_space<hbm>> -> memref<157x128xi32, #tpu.memory_space<hbm>>
      %dma_wait3A_61 = arith.constant 0 : i32
      %dma_wait3A_62 = arith.constant 0 : i32
      %dma_wait3A_63 = tpu.memref_slice %arg2[%arg1, %dma_wait3A_61, %dma_wait3A_62] : memref<16x157x128xi32, #tpu.memory_space<hbm>> -> memref<1x157x128xi32, #tpu.memory_space<hbm>>
      %dma_wait3A_64 = tpu.memref_squeeze %dma_wait3A_63 : memref<1x157x128xi32, #tpu.memory_space<hbm>> -> memref<157x128xi32, #tpu.memory_space<hbm>>
      tpu.wait_dma2 semaphore(%run_scoped3A : memref<!tpu.dma_semaphore, #tpu.memory_space<semaphore_mem>>) src(%dma_wait3A_64 : memref<157x128xi32, #tpu.memory_space<hbm>>) dst(%arg5 : memref<157x128xi32, #tpu.memory_space<vmem>>)
      tpu.yield
    }) : () -> ()
    %broadcast_in_dim3A_24 = arith.constant 1.000000e+00 : f32
    %broadcast_in_dim3A_25 = vector.broadcast %broadcast_in_dim3A_24 : f32 to vector<16xf32>
    %scan3A_26 = arith.constant 0 : i32
    %scan3A_27 = arith.constant 0 : i32
    %scan3A_28 = arith.constant 128 : i32
    %scan3A_29 = arith.addi %scan3A_27, %scan3A_28 : i32
    %scan3A_30 = arith.constant 1 : i32
    scf.for %scan3A_51 = %scan3A_27 to %scan3A_29 step %scan3A_30  : i32 {
      %swap3A = arith.index_cast %scan3A_51 : i32 to index
      %swap3A_52 = arith.constant 0 : index
      %swap3A_53 = tpu.vector_load %arg6[%swap3A, %swap3A_52] {strides = array<i32>} : memref<128x16xf32, #tpu.memory_space<vmem>>, vector<1x16xf32>,
      %swap3A_54 = vector.shape_cast %swap3A_53 : vector<1x16xf32> to vector<16xf32>
      %swap3A_55 = vector.shape_cast %broadcast_in_dim3A_25 : vector<16xf32> to vector<1x16xf32>
      tpu.vector_store %arg6[%swap3A, %swap3A_52], %swap3A_55 {strides = array<i32>} : memref<128x16xf32, #tpu.memory_space<vmem>>, vector<1x16xf32>,
    }
    %scan3A_31 = arith.constant 128 : i32
    %barrier3A = arith.constant 0 : index
    tpu.barrier barrier_id(%barrier3A)
    %mul3A_32 = arith.constant 79 : i32
    %mul3A_33 = arith.muli %arg0, %mul3A_32 : i32
    %mul3A_34 = arith.constant 78 : i32
    %mul3A_35 = arith.muli %arg0, %mul3A_34 : i32
    %add3A_36 = arith.constant 79 : i32
    %add3A_37 = arith.addi %add3A_36, %mul3A_35 : i32
    %while3A = arith.constant 0 : i32
    %while3A_38 = arith.subi %add3A_37, %mul3A_33 : i32
    %while3A_39 = arith.addi %mul3A_33, %while3A_38 : i32
    %while3A_40 = arith.constant 1 : i32
    %while3A_41 = arith.divsi %while3A_38, %while3A_40 : i32
    %while3A_42 = arith.muli %while3A_41, %while3A_40 : i32
    %while3A_43 = arith.addi %mul3A_33, %while3A_42 : i32
    %while3A_44 = arith.constant 1 : i32
    scf.for %while3A_51 = %mul3A_33 to %while3A_43 step %while3A_44  : i32 {
      "tpu.region"() ({
        %run_scoped3A = tpu.sem_alloc : memref<!tpu.dma_semaphore, #tpu.memory_space<semaphore_mem>>
        %dma_start3A = arith.constant 0 : i32
        %dma_start3A_52 = tpu.memref_slice %arg5[%while3A_51, %dma_start3A] : memref<157x128xi32, #tpu.memory_space<vmem>> -> memref<1x128xi32, #tpu.memory_space<vmem>>
        %dma_start3A_53 = tpu.memref_squeeze %dma_start3A_52 : memref<1x128xi32, #tpu.memory_space<vmem>> -> memref<128xi32, #tpu.memory_space<vmem>>
        %dma_start3A_54 = arith.constant 0 : i32
        %dma_start3A_55 = arith.constant 0 : i32
        %dma_start3A_56 = tpu.memref_slice %arg4[%dma_start3A_54, %dma_start3A_55] : memref<10240x16xf32, #tpu.memory_space<vmem_shared>> -> memref<10240x16xf32, #tpu.memory_space<vmem_shared>>
        tpu.enqueue_indirect_dma source(%arg6 : memref<128x16xf32, #tpu.memory_space<vmem>>) target(%dma_start3A_56 : memref<10240x16xf32, #tpu.memory_space<vmem_shared>>) offsets(%dma_start3A_53 : memref<128xi32, #tpu.memory_space<vmem>>) semaphore(%run_scoped3A : memref<!tpu.dma_semaphore, #tpu.memory_space<semaphore_mem>>) {add = true}
        %dma_wait3A = arith.constant 0 : i32
        %dma_wait3A_57 = tpu.memref_slice %arg5[%while3A_51, %dma_wait3A] : memref<157x128xi32, #tpu.memory_space<vmem>> -> memref<1x128xi32, #tpu.memory_space<vmem>>
        %dma_wait3A_58 = tpu.memref_squeeze %dma_wait3A_57 : memref<1x128xi32, #tpu.memory_space<vmem>> -> memref<128xi32, #tpu.memory_space<vmem>>
        %dma_wait3A_59 = arith.constant 0 : i32
        %dma_wait3A_60 = arith.constant 0 : i32
        %dma_wait3A_61 = tpu.memref_slice %arg4[%dma_wait3A_59, %dma_wait3A_60] : memref<10240x16xf32, #tpu.memory_space<vmem_shared>> -> memref<10240x16xf32, #tpu.memory_space<vmem_shared>>
        tpu.wait_indirect_dma semaphore(%run_scoped3A : memref<!tpu.dma_semaphore, #tpu.memory_space<semaphore_mem>>) src(%arg6 : memref<128x16xf32, #tpu.memory_space<vmem>>) dst(%dma_wait3A_61 : memref<10240x16xf32, #tpu.memory_space<vmem_shared>>)
        tpu.yield
      }) : () -> ()
    }
    %while3A_45 = arith.constant 1 : i32
    scf.for %while3A_51 = %while3A_43 to %while3A_39 step %while3A_45  : i32 {
      "tpu.region"() ({
        %run_scoped3A = tpu.sem_alloc : memref<!tpu.dma_semaphore, #tpu.memory_space<semaphore_mem>>
        %dma_start3A = arith.constant 0 : i32
        %dma_start3A_52 = tpu.memref_slice %arg5[%while3A_51, %dma_start3A] : memref<157x128xi32, #tpu.memory_space<vmem>> -> memref<1x128xi32, #tpu.memory_space<vmem>>
        %dma_start3A_53 = tpu.memref_squeeze %dma_start3A_52 : memref<1x128xi32, #tpu.memory_space<vmem>> -> memref<128xi32, #tpu.memory_space<vmem>>
        %dma_start3A_54 = arith.constant 0 : i32
        %dma_start3A_55 = arith.constant 0 : i32
        %dma_start3A_56 = tpu.memref_slice %arg4[%dma_start3A_54, %dma_start3A_55] : memref<10240x16xf32, #tpu.memory_space<vmem_shared>> -> memref<10240x16xf32, #tpu.memory_space<vmem_shared>>
        tpu.enqueue_indirect_dma source(%arg6 : memref<128x16xf32, #tpu.memory_space<vmem>>) target(%dma_start3A_56 : memref<10240x16xf32, #tpu.memory_space<vmem_shared>>) offsets(%dma_start3A_53 : memref<128xi32, #tpu.memory_space<vmem>>) semaphore(%run_scoped3A : memref<!tpu.dma_semaphore, #tpu.memory_space<semaphore_mem>>) {add = true}
        %dma_wait3A = arith.constant 0 : i32
        %dma_wait3A_57 = tpu.memref_slice %arg5[%while3A_51, %dma_wait3A] : memref<157x128xi32, #tpu.memory_space<vmem>> -> memref<1x128xi32, #tpu.memory_space<vmem>>
        %dma_wait3A_58 = tpu.memref_squeeze %dma_wait3A_57 : memref<1x128xi32, #tpu.memory_space<vmem>> -> memref<128xi32, #tpu.memory_space<vmem>>
        %dma_wait3A_59 = arith.constant 0 : i32
        %dma_wait3A_60 = arith.constant 0 : i32
        %dma_wait3A_61 = tpu.memref_slice %arg4[%dma_wait3A_59, %dma_wait3A_60] : memref<10240x16xf32, #tpu.memory_space<vmem_shared>> -> memref<10240x16xf32, #tpu.memory_space<vmem_shared>>
        tpu.wait_indirect_dma semaphore(%run_scoped3A : memref<!tpu.dma_semaphore, #tpu.memory_space<semaphore_mem>>) src(%arg6 : memref<128x16xf32, #tpu.memory_space<vmem>>) dst(%dma_wait3A_61 : memref<10240x16xf32, #tpu.memory_space<vmem_shared>>)
        tpu.yield
      }) : () -> ()
    }
    %barrier3A_46 = arith.constant 0 : index
    tpu.barrier barrier_id(%barrier3A_46)
    %mul3A_47 = arith.constant 640 : i32
    %mul3A_48 = arith.muli %arg1, %mul3A_47 : i32
    %mul3A_49 = arith.constant 640 : i32
    %mul3A_50 = arith.muli %arg1, %mul3A_49 : i32
    "tpu.region"() ({
      %run_scoped3A = tpu.sem_alloc : memref<!tpu.dma_semaphore, #tpu.memory_space<semaphore_mem>>
      %dma_start3A = arith.constant 0 : i32
      %dma_start3A_51 = tpu.memref_slice %arg3[%arg0, %mul3A_50, %dma_start3A] : memref<2x10240x16xf32, #tpu.memory_space<hbm>> -> memref<1x640x16xf32, #tpu.memory_space<hbm>>
      %dma_start3A_52 = tpu.memref_squeeze %dma_start3A_51 : memref<1x640x16xf32, #tpu.memory_space<hbm>> -> memref<640x16xf32, #tpu.memory_space<hbm>>
      %dma_start3A_53 = arith.constant 0 : i32
      %dma_start3A_54 = tpu.memref_slice %arg4[%mul3A_48, %dma_start3A_53] : memref<10240x16xf32, #tpu.memory_space<vmem_shared>> -> memref<640x16xf32, #tpu.memory_space<vmem_shared>>
      tpu.enqueue_dma source(%dma_start3A_54 : memref<640x16xf32, #tpu.memory_space<vmem_shared>>) target(%dma_start3A_52 : memref<640x16xf32, #tpu.memory_space<hbm>>) target_semaphore(%run_scoped3A : memref<!tpu.dma_semaphore, #tpu.memory_space<semaphore_mem>>)
      %dma_wait3A = arith.constant 0 : i32
      %dma_wait3A_55 = tpu.memref_slice %arg3[%arg0, %mul3A_50, %dma_wait3A] : memref<2x10240x16xf32, #tpu.memory_space<hbm>> -> memref<1x640x16xf32, #tpu.memory_space<hbm>>
      %dma_wait3A_56 = tpu.memref_squeeze %dma_wait3A_55 : memref<1x640x16xf32, #tpu.memory_space<hbm>> -> memref<640x16xf32, #tpu.memory_space<hbm>>
      %dma_wait3A_57 = arith.constant 0 : i32
      %dma_wait3A_58 = tpu.memref_slice %arg4[%mul3A_48, %dma_wait3A_57] : memref<10240x16xf32, #tpu.memory_space<vmem_shared>> -> memref<640x16xf32, #tpu.memory_space<vmem_shared>>
      tpu.wait_dma2 semaphore(%run_scoped3A : memref<!tpu.dma_semaphore, #tpu.memory_space<semaphore_mem>>) src(%dma_wait3A_58 : memref<640x16xf32, #tpu.memory_space<vmem_shared>>) dst(%dma_wait3A_56 : memref<640x16xf32, #tpu.memory_space<hbm>>)
      tpu.yield
    }) : () -> ()
    return
  }
}

#map = affine_map<(d0, d1) -> (0, 0)>
#map1 = affine_map<(d0, d1) -> (0, 0, 0)>
module attributes {stable_mosaic.version = 14 : i64} {
  func.func @_agg_kernel(%arg0: i32, %arg1: i32, %arg2: memref<10000x64xf32, #tpu.memory_space<hbm>>, %arg3: memref<10000x64xf32, #tpu.memory_space<hbm>>, %arg4: memref<16x157x128xi32, #tpu.memory_space<hbm>>, %arg5: memref<16x157x128xi32, #tpu.memory_space<hbm>>, %arg6: memref<2x10240x64xf32, #tpu.memory_space<hbm>>, %arg7: memref<10240x64xf32, #tpu.memory_space<vmem_shared>>, %arg8: memref<157x128xi32, #tpu.memory_space<vmem>>, %arg9: memref<157x128xi32, #tpu.memory_space<vmem>>, %arg10: memref<128x64xf32, #tpu.memory_space<vmem>>, %arg11: memref<128x64xf32, #tpu.memory_space<vmem>>, %arg12: memref<!tpu.dma_semaphore, #tpu.memory_space<semaphore_mem>>, %arg13: memref<!tpu.dma_semaphore, #tpu.memory_space<semaphore_mem>>) attributes {dimension_semantics = [#tpu.dimension_semantics<core_parallel>, #tpu.dimension_semantics<subcore_parallel>], iteration_bounds = array<i64: 2, 16>, scalar_prefetch = 0 : i64, scratch_operands = 7 : i64, tpu.core_type = #tpu.core_type<sc_vector_subcore>, window_params = [{transform_indices = #map}, {transform_indices = #map}, {transform_indices = #map1}, {transform_indices = #map1}, {transform_indices = #map1}]} {
    %broadcast_in_dim3A = arith.constant 0.000000e+00 : f32
    %broadcast_in_dim3A_0 = vector.broadcast %broadcast_in_dim3A : f32 to vector<16xf32>
    %scan3A = arith.constant 0 : i32
    %scan3A_1 = arith.constant 0 : i32
    %scan3A_2 = arith.constant 128 : i32
    %scan3A_3 = arith.addi %scan3A_1, %scan3A_2 : i32
    %scan3A_4 = arith.constant 1 : i32
    scf.for %scan3A_36 = %scan3A_1 to %scan3A_3 step %scan3A_4  : i32 {
      %swap3A = arith.index_cast %scan3A_36 : i32 to index
      %swap3A_37 = arith.constant 0 : index
      %swap3A_38 = tpu.vector_load %arg10[%swap3A, %swap3A_37] {strides = array<i32>} : memref<128x64xf32, #tpu.memory_space<vmem>>, vector<1x16xf32>,
      %swap3A_39 = vector.shape_cast %swap3A_38 : vector<1x16xf32> to vector<16xf32>
      %swap3A_40 = vector.shape_cast %broadcast_in_dim3A_0 : vector<16xf32> to vector<1x16xf32>
      tpu.vector_store %arg10[%swap3A, %swap3A_37], %swap3A_40 {strides = array<i32>} : memref<128x64xf32, #tpu.memory_space<vmem>>, vector<1x16xf32>,
      %swap3A_41 = arith.index_cast %scan3A_36 : i32 to index
      %swap3A_42 = arith.constant 16 : index
      %swap3A_43 = tpu.vector_load %arg10[%swap3A_41, %swap3A_42] {strides = array<i32>} : memref<128x64xf32, #tpu.memory_space<vmem>>, vector<1x16xf32>,
      %swap3A_44 = vector.shape_cast %swap3A_43 : vector<1x16xf32> to vector<16xf32>
      %swap3A_45 = vector.shape_cast %broadcast_in_dim3A_0 : vector<16xf32> to vector<1x16xf32>
      tpu.vector_store %arg10[%swap3A_41, %swap3A_42], %swap3A_45 {strides = array<i32>} : memref<128x64xf32, #tpu.memory_space<vmem>>, vector<1x16xf32>,
      %swap3A_46 = arith.index_cast %scan3A_36 : i32 to index
      %swap3A_47 = arith.constant 32 : index
      %swap3A_48 = tpu.vector_load %arg10[%swap3A_46, %swap3A_47] {strides = array<i32>} : memref<128x64xf32, #tpu.memory_space<vmem>>, vector<1x16xf32>,
      %swap3A_49 = vector.shape_cast %swap3A_48 : vector<1x16xf32> to vector<16xf32>
      %swap3A_50 = vector.shape_cast %broadcast_in_dim3A_0 : vector<16xf32> to vector<1x16xf32>
      tpu.vector_store %arg10[%swap3A_46, %swap3A_47], %swap3A_50 {strides = array<i32>} : memref<128x64xf32, #tpu.memory_space<vmem>>, vector<1x16xf32>,
      %swap3A_51 = arith.index_cast %scan3A_36 : i32 to index
      %swap3A_52 = arith.constant 48 : index
      %swap3A_53 = tpu.vector_load %arg10[%swap3A_51, %swap3A_52] {strides = array<i32>} : memref<128x64xf32, #tpu.memory_space<vmem>>, vector<1x16xf32>,
      %swap3A_54 = vector.shape_cast %swap3A_53 : vector<1x16xf32> to vector<16xf32>
      %swap3A_55 = vector.shape_cast %broadcast_in_dim3A_0 : vector<16xf32> to vector<1x16xf32>
      tpu.vector_store %arg10[%swap3A_51, %swap3A_52], %swap3A_55 {strides = array<i32>} : memref<128x64xf32, #tpu.memory_space<vmem>>, vector<1x16xf32>,
    }
    %scan3A_5 = arith.constant 128 : i32
    %mul3A = arith.constant 640 : i32
    %mul3A_6 = arith.muli %arg1, %mul3A : i32
    %add3A = arith.constant 0 : i32
    %add3A_7 = arith.addi %mul3A_6, %add3A : i32
    "tpu.region"() ({
      %run_scoped3A = tpu.sem_alloc : memref<!tpu.dma_semaphore, #tpu.memory_space<semaphore_mem>>
      %dma_start3A = arith.constant 0 : i32
      %dma_start3A_36 = tpu.memref_slice %arg7[%add3A_7, %dma_start3A] : memref<10240x64xf32, #tpu.memory_space<vmem_shared>> -> memref<128x64xf32, #tpu.memory_space<vmem_shared>>
      %dma_start3A_37 = arith.constant 0 : i32
      %dma_start3A_38 = tpu.memref_slice %arg7[%add3A_7, %dma_start3A_37] : memref<10240x64xf32, #tpu.memory_space<vmem_shared>> -> memref<128x64xf32, #tpu.memory_space<vmem_shared>>
      tpu.enqueue_dma source(%arg10 : memref<128x64xf32, #tpu.memory_space<vmem>>) target(%dma_start3A_38 : memref<128x64xf32, #tpu.memory_space<vmem_shared>>) target_semaphore(%run_scoped3A : memref<!tpu.dma_semaphore, #tpu.memory_space<semaphore_mem>>)
      %dma_wait3A = arith.constant 0 : i32
      %dma_wait3A_39 = tpu.memref_slice %arg7[%add3A_7, %dma_wait3A] : memref<10240x64xf32, #tpu.memory_space<vmem_shared>> -> memref<128x64xf32, #tpu.memory_space<vmem_shared>>
      %dma_wait3A_40 = arith.constant 0 : i32
      %dma_wait3A_41 = tpu.memref_slice %arg7[%add3A_7, %dma_wait3A_40] : memref<10240x64xf32, #tpu.memory_space<vmem_shared>> -> memref<128x64xf32, #tpu.memory_space<vmem_shared>>
      tpu.wait_dma2 semaphore(%run_scoped3A : memref<!tpu.dma_semaphore, #tpu.memory_space<semaphore_mem>>) src(%arg10 : memref<128x64xf32, #tpu.memory_space<vmem>>) dst(%dma_wait3A_41 : memref<128x64xf32, #tpu.memory_space<vmem_shared>>)
      tpu.yield
    }) : () -> ()
    %mul3A_8 = arith.constant 640 : i32
    %mul3A_9 = arith.muli %arg1, %mul3A_8 : i32
    %add3A_10 = arith.constant 128 : i32
    %add3A_11 = arith.addi %mul3A_9, %add3A_10 : i32
    "tpu.region"() ({
      %run_scoped3A = tpu.sem_alloc : memref<!tpu.dma_semaphore, #tpu.memory_space<semaphore_mem>>
      %dma_start3A = arith.constant 0 : i32
      %dma_start3A_36 = tpu.memref_slice %arg7[%add3A_11, %dma_start3A] : memref<10240x64xf32, #tpu.memory_space<vmem_shared>> -> memref<128x64xf32, #tpu.memory_space<vmem_shared>>
      %dma_start3A_37 = arith.constant 0 : i32
      %dma_start3A_38 = tpu.memref_slice %arg7[%add3A_11, %dma_start3A_37] : memref<10240x64xf32, #tpu.memory_space<vmem_shared>> -> memref<128x64xf32, #tpu.memory_space<vmem_shared>>
      tpu.enqueue_dma source(%arg10 : memref<128x64xf32, #tpu.memory_space<vmem>>) target(%dma_start3A_38 : memref<128x64xf32, #tpu.memory_space<vmem_shared>>) target_semaphore(%run_scoped3A : memref<!tpu.dma_semaphore, #tpu.memory_space<semaphore_mem>>)
      %dma_wait3A = arith.constant 0 : i32
      %dma_wait3A_39 = tpu.memref_slice %arg7[%add3A_11, %dma_wait3A] : memref<10240x64xf32, #tpu.memory_space<vmem_shared>> -> memref<128x64xf32, #tpu.memory_space<vmem_shared>>
      %dma_wait3A_40 = arith.constant 0 : i32
      %dma_wait3A_41 = tpu.memref_slice %arg7[%add3A_11, %dma_wait3A_40] : memref<10240x64xf32, #tpu.memory_space<vmem_shared>> -> memref<128x64xf32, #tpu.memory_space<vmem_shared>>
      tpu.wait_dma2 semaphore(%run_scoped3A : memref<!tpu.dma_semaphore, #tpu.memory_space<semaphore_mem>>) src(%arg10 : memref<128x64xf32, #tpu.memory_space<vmem>>) dst(%dma_wait3A_41 : memref<128x64xf32, #tpu.memory_space<vmem_shared>>)
      tpu.yield
    }) : () -> ()
    %mul3A_12 = arith.constant 640 : i32
    %mul3A_13 = arith.muli %arg1, %mul3A_12 : i32
    %add3A_14 = arith.constant 256 : i32
    %add3A_15 = arith.addi %mul3A_13, %add3A_14 : i32
    "tpu.region"() ({
      %run_scoped3A = tpu.sem_alloc : memref<!tpu.dma_semaphore, #tpu.memory_space<semaphore_mem>>
      %dma_start3A = arith.constant 0 : i32
      %dma_start3A_36 = tpu.memref_slice %arg7[%add3A_15, %dma_start3A] : memref<10240x64xf32, #tpu.memory_space<vmem_shared>> -> memref<128x64xf32, #tpu.memory_space<vmem_shared>>
      %dma_start3A_37 = arith.constant 0 : i32
      %dma_start3A_38 = tpu.memref_slice %arg7[%add3A_15, %dma_start3A_37] : memref<10240x64xf32, #tpu.memory_space<vmem_shared>> -> memref<128x64xf32, #tpu.memory_space<vmem_shared>>
      tpu.enqueue_dma source(%arg10 : memref<128x64xf32, #tpu.memory_space<vmem>>) target(%dma_start3A_38 : memref<128x64xf32, #tpu.memory_space<vmem_shared>>) target_semaphore(%run_scoped3A : memref<!tpu.dma_semaphore, #tpu.memory_space<semaphore_mem>>)
      %dma_wait3A = arith.constant 0 : i32
      %dma_wait3A_39 = tpu.memref_slice %arg7[%add3A_15, %dma_wait3A] : memref<10240x64xf32, #tpu.memory_space<vmem_shared>> -> memref<128x64xf32, #tpu.memory_space<vmem_shared>>
      %dma_wait3A_40 = arith.constant 0 : i32
      %dma_wait3A_41 = tpu.memref_slice %arg7[%add3A_15, %dma_wait3A_40] : memref<10240x64xf32, #tpu.memory_space<vmem_shared>> -> memref<128x64xf32, #tpu.memory_space<vmem_shared>>
      tpu.wait_dma2 semaphore(%run_scoped3A : memref<!tpu.dma_semaphore, #tpu.memory_space<semaphore_mem>>) src(%arg10 : memref<128x64xf32, #tpu.memory_space<vmem>>) dst(%dma_wait3A_41 : memref<128x64xf32, #tpu.memory_space<vmem_shared>>)
      tpu.yield
    }) : () -> ()
    %mul3A_16 = arith.constant 640 : i32
    %mul3A_17 = arith.muli %arg1, %mul3A_16 : i32
    %add3A_18 = arith.constant 384 : i32
    %add3A_19 = arith.addi %mul3A_17, %add3A_18 : i32
    "tpu.region"() ({
      %run_scoped3A = tpu.sem_alloc : memref<!tpu.dma_semaphore, #tpu.memory_space<semaphore_mem>>
      %dma_start3A = arith.constant 0 : i32
      %dma_start3A_36 = tpu.memref_slice %arg7[%add3A_19, %dma_start3A] : memref<10240x64xf32, #tpu.memory_space<vmem_shared>> -> memref<128x64xf32, #tpu.memory_space<vmem_shared>>
      %dma_start3A_37 = arith.constant 0 : i32
      %dma_start3A_38 = tpu.memref_slice %arg7[%add3A_19, %dma_start3A_37] : memref<10240x64xf32, #tpu.memory_space<vmem_shared>> -> memref<128x64xf32, #tpu.memory_space<vmem_shared>>
      tpu.enqueue_dma source(%arg10 : memref<128x64xf32, #tpu.memory_space<vmem>>) target(%dma_start3A_38 : memref<128x64xf32, #tpu.memory_space<vmem_shared>>) target_semaphore(%run_scoped3A : memref<!tpu.dma_semaphore, #tpu.memory_space<semaphore_mem>>)
      %dma_wait3A = arith.constant 0 : i32
      %dma_wait3A_39 = tpu.memref_slice %arg7[%add3A_19, %dma_wait3A] : memref<10240x64xf32, #tpu.memory_space<vmem_shared>> -> memref<128x64xf32, #tpu.memory_space<vmem_shared>>
      %dma_wait3A_40 = arith.constant 0 : i32
      %dma_wait3A_41 = tpu.memref_slice %arg7[%add3A_19, %dma_wait3A_40] : memref<10240x64xf32, #tpu.memory_space<vmem_shared>> -> memref<128x64xf32, #tpu.memory_space<vmem_shared>>
      tpu.wait_dma2 semaphore(%run_scoped3A : memref<!tpu.dma_semaphore, #tpu.memory_space<semaphore_mem>>) src(%arg10 : memref<128x64xf32, #tpu.memory_space<vmem>>) dst(%dma_wait3A_41 : memref<128x64xf32, #tpu.memory_space<vmem_shared>>)
      tpu.yield
    }) : () -> ()
    %mul3A_20 = arith.constant 640 : i32
    %mul3A_21 = arith.muli %arg1, %mul3A_20 : i32
    %add3A_22 = arith.constant 512 : i32
    %add3A_23 = arith.addi %mul3A_21, %add3A_22 : i32
    "tpu.region"() ({
      %run_scoped3A = tpu.sem_alloc : memref<!tpu.dma_semaphore, #tpu.memory_space<semaphore_mem>>
      %dma_start3A = arith.constant 0 : i32
      %dma_start3A_36 = tpu.memref_slice %arg7[%add3A_23, %dma_start3A] : memref<10240x64xf32, #tpu.memory_space<vmem_shared>> -> memref<128x64xf32, #tpu.memory_space<vmem_shared>>
      %dma_start3A_37 = arith.constant 0 : i32
      %dma_start3A_38 = tpu.memref_slice %arg7[%add3A_23, %dma_start3A_37] : memref<10240x64xf32, #tpu.memory_space<vmem_shared>> -> memref<128x64xf32, #tpu.memory_space<vmem_shared>>
      tpu.enqueue_dma source(%arg10 : memref<128x64xf32, #tpu.memory_space<vmem>>) target(%dma_start3A_38 : memref<128x64xf32, #tpu.memory_space<vmem_shared>>) target_semaphore(%run_scoped3A : memref<!tpu.dma_semaphore, #tpu.memory_space<semaphore_mem>>)
      %dma_wait3A = arith.constant 0 : i32
      %dma_wait3A_39 = tpu.memref_slice %arg7[%add3A_23, %dma_wait3A] : memref<10240x64xf32, #tpu.memory_space<vmem_shared>> -> memref<128x64xf32, #tpu.memory_space<vmem_shared>>
      %dma_wait3A_40 = arith.constant 0 : i32
      %dma_wait3A_41 = tpu.memref_slice %arg7[%add3A_23, %dma_wait3A_40] : memref<10240x64xf32, #tpu.memory_space<vmem_shared>> -> memref<128x64xf32, #tpu.memory_space<vmem_shared>>
      tpu.wait_dma2 semaphore(%run_scoped3A : memref<!tpu.dma_semaphore, #tpu.memory_space<semaphore_mem>>) src(%arg10 : memref<128x64xf32, #tpu.memory_space<vmem>>) dst(%dma_wait3A_41 : memref<128x64xf32, #tpu.memory_space<vmem_shared>>)
      tpu.yield
    }) : () -> ()
    "tpu.region"() ({
      %run_scoped3A = tpu.sem_alloc : memref<!tpu.dma_semaphore, #tpu.memory_space<semaphore_mem>>
      %dma_start3A = arith.constant 0 : i32
      %dma_start3A_36 = arith.constant 0 : i32
      %dma_start3A_37 = tpu.memref_slice %arg4[%arg1, %dma_start3A, %dma_start3A_36] : memref<16x157x128xi32, #tpu.memory_space<hbm>> -> memref<1x157x128xi32, #tpu.memory_space<hbm>>
      %dma_start3A_38 = tpu.memref_squeeze %dma_start3A_37 : memref<1x157x128xi32, #tpu.memory_space<hbm>> -> memref<157x128xi32, #tpu.memory_space<hbm>>
      %dma_start3A_39 = arith.constant 0 : i32
      %dma_start3A_40 = arith.constant 0 : i32
      %dma_start3A_41 = tpu.memref_slice %arg4[%arg1, %dma_start3A_39, %dma_start3A_40] : memref<16x157x128xi32, #tpu.memory_space<hbm>> -> memref<1x157x128xi32, #tpu.memory_space<hbm>>
      %dma_start3A_42 = tpu.memref_squeeze %dma_start3A_41 : memref<1x157x128xi32, #tpu.memory_space<hbm>> -> memref<157x128xi32, #tpu.memory_space<hbm>>
      tpu.enqueue_dma source(%dma_start3A_42 : memref<157x128xi32, #tpu.memory_space<hbm>>) target(%arg8 : memref<157x128xi32, #tpu.memory_space<vmem>>) target_semaphore(%run_scoped3A : memref<!tpu.dma_semaphore, #tpu.memory_space<semaphore_mem>>)
      %dma_wait3A = arith.constant 0 : i32
      %dma_wait3A_43 = arith.constant 0 : i32
      %dma_wait3A_44 = tpu.memref_slice %arg4[%arg1, %dma_wait3A, %dma_wait3A_43] : memref<16x157x128xi32, #tpu.memory_space<hbm>> -> memref<1x157x128xi32, #tpu.memory_space<hbm>>
      %dma_wait3A_45 = tpu.memref_squeeze %dma_wait3A_44 : memref<1x157x128xi32, #tpu.memory_space<hbm>> -> memref<157x128xi32, #tpu.memory_space<hbm>>
      %dma_wait3A_46 = arith.constant 0 : i32
      %dma_wait3A_47 = arith.constant 0 : i32
      %dma_wait3A_48 = tpu.memref_slice %arg4[%arg1, %dma_wait3A_46, %dma_wait3A_47] : memref<16x157x128xi32, #tpu.memory_space<hbm>> -> memref<1x157x128xi32, #tpu.memory_space<hbm>>
      %dma_wait3A_49 = tpu.memref_squeeze %dma_wait3A_48 : memref<1x157x128xi32, #tpu.memory_space<hbm>> -> memref<157x128xi32, #tpu.memory_space<hbm>>
      tpu.wait_dma2 semaphore(%run_scoped3A : memref<!tpu.dma_semaphore, #tpu.memory_space<semaphore_mem>>) src(%dma_wait3A_49 : memref<157x128xi32, #tpu.memory_space<hbm>>) dst(%arg8 : memref<157x128xi32, #tpu.memory_space<vmem>>)
      tpu.yield
    }) : () -> ()
    "tpu.region"() ({
      %run_scoped3A = tpu.sem_alloc : memref<!tpu.dma_semaphore, #tpu.memory_space<semaphore_mem>>
      %dma_start3A = arith.constant 0 : i32
      %dma_start3A_36 = arith.constant 0 : i32
      %dma_start3A_37 = tpu.memref_slice %arg5[%arg1, %dma_start3A, %dma_start3A_36] : memref<16x157x128xi32, #tpu.memory_space<hbm>> -> memref<1x157x128xi32, #tpu.memory_space<hbm>>
      %dma_start3A_38 = tpu.memref_squeeze %dma_start3A_37 : memref<1x157x128xi32, #tpu.memory_space<hbm>> -> memref<157x128xi32, #tpu.memory_space<hbm>>
      %dma_start3A_39 = arith.constant 0 : i32
      %dma_start3A_40 = arith.constant 0 : i32
      %dma_start3A_41 = tpu.memref_slice %arg5[%arg1, %dma_start3A_39, %dma_start3A_40] : memref<16x157x128xi32, #tpu.memory_space<hbm>> -> memref<1x157x128xi32, #tpu.memory_space<hbm>>
      %dma_start3A_42 = tpu.memref_squeeze %dma_start3A_41 : memref<1x157x128xi32, #tpu.memory_space<hbm>> -> memref<157x128xi32, #tpu.memory_space<hbm>>
      tpu.enqueue_dma source(%dma_start3A_42 : memref<157x128xi32, #tpu.memory_space<hbm>>) target(%arg9 : memref<157x128xi32, #tpu.memory_space<vmem>>) target_semaphore(%run_scoped3A : memref<!tpu.dma_semaphore, #tpu.memory_space<semaphore_mem>>)
      %dma_wait3A = arith.constant 0 : i32
      %dma_wait3A_43 = arith.constant 0 : i32
      %dma_wait3A_44 = tpu.memref_slice %arg5[%arg1, %dma_wait3A, %dma_wait3A_43] : memref<16x157x128xi32, #tpu.memory_space<hbm>> -> memref<1x157x128xi32, #tpu.memory_space<hbm>>
      %dma_wait3A_45 = tpu.memref_squeeze %dma_wait3A_44 : memref<1x157x128xi32, #tpu.memory_space<hbm>> -> memref<157x128xi32, #tpu.memory_space<hbm>>
      %dma_wait3A_46 = arith.constant 0 : i32
      %dma_wait3A_47 = arith.constant 0 : i32
      %dma_wait3A_48 = tpu.memref_slice %arg5[%arg1, %dma_wait3A_46, %dma_wait3A_47] : memref<16x157x128xi32, #tpu.memory_space<hbm>> -> memref<1x157x128xi32, #tpu.memory_space<hbm>>
      %dma_wait3A_49 = tpu.memref_squeeze %dma_wait3A_48 : memref<1x157x128xi32, #tpu.memory_space<hbm>> -> memref<157x128xi32, #tpu.memory_space<hbm>>
      tpu.wait_dma2 semaphore(%run_scoped3A : memref<!tpu.dma_semaphore, #tpu.memory_space<semaphore_mem>>) src(%dma_wait3A_49 : memref<157x128xi32, #tpu.memory_space<hbm>>) dst(%arg9 : memref<157x128xi32, #tpu.memory_space<vmem>>)
      tpu.yield
    }) : () -> ()
    %barrier3A = arith.constant 0 : index
    tpu.barrier barrier_id(%barrier3A)
    %eq3A = arith.constant 0 : i32
    %eq3A_24 = arith.cmpi eq, %arg0, %eq3A : i32
    %convert_element_type3A = arith.extui %eq3A_24 : i1 to i32
    %cond3A = arith.constant 0 : i32
    %cond3A_25 = arith.cmpi ne, %convert_element_type3A, %cond3A : i32
    scf.if %cond3A_25 {
      %dma_start3A = arith.constant 0 : i32
      %dma_start3A_36 = arith.constant 0 : i32
      %dma_start3A_37 = tpu.memref_slice %arg8[%dma_start3A, %dma_start3A_36] : memref<157x128xi32, #tpu.memory_space<vmem>> -> memref<1x128xi32, #tpu.memory_space<vmem>>
      %dma_start3A_38 = tpu.memref_squeeze %dma_start3A_37 : memref<1x128xi32, #tpu.memory_space<vmem>> -> memref<128xi32, #tpu.memory_space<vmem>>
      %dma_start3A_39 = arith.constant 0 : i32
      %dma_start3A_40 = arith.constant 0 : i32
      %dma_start3A_41 = tpu.memref_slice %arg2[%dma_start3A_39, %dma_start3A_40] : memref<10000x64xf32, #tpu.memory_space<hbm>> -> memref<10000x64xf32, #tpu.memory_space<hbm>>
      tpu.enqueue_indirect_dma source(%dma_start3A_41 : memref<10000x64xf32, #tpu.memory_space<hbm>>) target(%arg10 : memref<128x64xf32, #tpu.memory_space<vmem>>) offsets(%dma_start3A_38 : memref<128xi32, #tpu.memory_space<vmem>>) semaphore(%arg12 : memref<!tpu.dma_semaphore, #tpu.memory_space<semaphore_mem>>)
      %scan3A_42 = arith.constant 0 : i32
      %scan3A_43 = arith.constant 0 : i32
      %scan3A_44 = arith.constant 157 : i32
      %scan3A_45 = arith.addi %scan3A_43, %scan3A_44 : i32
      %scan3A_46 = arith.constant 1 : i32
      scf.for %scan3A_48 = %scan3A_43 to %scan3A_45 step %scan3A_46  : i32 {
        %jit3A = arith.constant 2 : i32
        %eq3A_49 = arith.constant 0 : i32
        %eq3A_50 = arith.cmpi eq, %jit3A, %eq3A_49 : i32
        %jit3A_51 = arith.constant 1 : i32
        %select_n3A = arith.select %eq3A_50, %jit3A_51, %jit3A : i32
        %rem3A = arith.remsi %scan3A_48, %select_n3A : i32
        %ne3A = arith.constant 0 : i32
        %ne3A_52 = arith.cmpi ne, %rem3A, %ne3A : i32
        %lt3A = arith.constant 0 : i32
        %lt3A_53 = arith.cmpi slt, %rem3A, %lt3A : i32
        %lt3A_54 = arith.constant 0 : i32
        %lt3A_55 = arith.cmpi slt, %select_n3A, %lt3A_54 : i32
        %ne3A_56 = arith.xori %lt3A_53, %lt3A_55 : i1
        %and3A = arith.andi %ne3A_56, %ne3A_52 : i1
        %add3A_57 = arith.addi %rem3A, %select_n3A : i32
        %select_n3A_58 = arith.select %and3A, %add3A_57, %rem3A : i32
        %eq3A_59 = arith.constant 0 : i32
        %eq3A_60 = arith.cmpi eq, %select_n3A_58, %eq3A_59 : i32
        %convert_element_type3A_61 = arith.extui %eq3A_60 : i1 to i32
        %cond3A_62 = arith.constant 0 : i32
        %cond3A_63 = arith.cmpi ne, %convert_element_type3A_61, %cond3A_62 : i32
        scf.if %cond3A_63 {
          %add3A_85 = arith.constant 1 : i32
          %add3A_86 = arith.addi %scan3A_48, %add3A_85 : i32
          %lt3A_87 = arith.constant 157 : i32
          %lt3A_88 = arith.cmpi slt, %add3A_86, %lt3A_87 : i32
          %convert_element_type3A_89 = arith.extui %lt3A_88 : i1 to i32
          %cond3A_90 = arith.constant 0 : i32
          %cond3A_91 = arith.cmpi ne, %convert_element_type3A_89, %cond3A_90 : i32
          scf.if %cond3A_91 {
            %add3A_97 = arith.constant 1 : i32
            %add3A_98 = arith.addi %scan3A_48, %add3A_97 : i32
            %dma_start3A_99 = arith.constant 0 : i32
            %dma_start3A_100 = tpu.memref_slice %arg8[%add3A_98, %dma_start3A_99] : memref<157x128xi32, #tpu.memory_space<vmem>> -> memref<1x128xi32, #tpu.memory_space<vmem>>
            %dma_start3A_101 = tpu.memref_squeeze %dma_start3A_100 : memref<1x128xi32, #tpu.memory_space<vmem>> -> memref<128xi32, #tpu.memory_space<vmem>>
            %dma_start3A_102 = arith.constant 0 : i32
            %dma_start3A_103 = arith.constant 0 : i32
            %dma_start3A_104 = tpu.memref_slice %arg2[%dma_start3A_102, %dma_start3A_103] : memref<10000x64xf32, #tpu.memory_space<hbm>> -> memref<10000x64xf32, #tpu.memory_space<hbm>>
            tpu.enqueue_indirect_dma source(%dma_start3A_104 : memref<10000x64xf32, #tpu.memory_space<hbm>>) target(%arg11 : memref<128x64xf32, #tpu.memory_space<vmem>>) offsets(%dma_start3A_101 : memref<128xi32, #tpu.memory_space<vmem>>) semaphore(%arg13 : memref<!tpu.dma_semaphore, #tpu.memory_space<semaphore_mem>>)
          } else {
          }
          %dma_wait3A = arith.constant 0 : i32
          %dma_wait3A_92 = tpu.memref_slice %arg8[%scan3A_48, %dma_wait3A] : memref<157x128xi32, #tpu.memory_space<vmem>> -> memref<1x128xi32, #tpu.memory_space<vmem>>
          %dma_wait3A_93 = tpu.memref_squeeze %dma_wait3A_92 : memref<1x128xi32, #tpu.memory_space<vmem>> -> memref<128xi32, #tpu.memory_space<vmem>>
          %dma_wait3A_94 = arith.constant 0 : i32
          %dma_wait3A_95 = arith.constant 0 : i32
          %dma_wait3A_96 = tpu.memref_slice %arg2[%dma_wait3A_94, %dma_wait3A_95] : memref<10000x64xf32, #tpu.memory_space<hbm>> -> memref<10000x64xf32, #tpu.memory_space<hbm>>
          tpu.wait_indirect_dma semaphore(%arg12 : memref<!tpu.dma_semaphore, #tpu.memory_space<semaphore_mem>>) src(%dma_wait3A_96 : memref<10000x64xf32, #tpu.memory_space<hbm>>) dst(%arg10 : memref<128x64xf32, #tpu.memory_space<vmem>>)
          "tpu.region"() ({
            %run_scoped3A = tpu.sem_alloc : memref<!tpu.dma_semaphore, #tpu.memory_space<semaphore_mem>>
            %dma_start3A_97 = arith.constant 0 : i32
            %dma_start3A_98 = tpu.memref_slice %arg9[%scan3A_48, %dma_start3A_97] : memref<157x128xi32, #tpu.memory_space<vmem>> -> memref<1x128xi32, #tpu.memory_space<vmem>>
            %dma_start3A_99 = tpu.memref_squeeze %dma_start3A_98 : memref<1x128xi32, #tpu.memory_space<vmem>> -> memref<128xi32, #tpu.memory_space<vmem>>
            %dma_start3A_100 = arith.constant 0 : i32
            %dma_start3A_101 = arith.constant 0 : i32
            %dma_start3A_102 = tpu.memref_slice %arg7[%dma_start3A_100, %dma_start3A_101] : memref<10240x64xf32, #tpu.memory_space<vmem_shared>> -> memref<10240x64xf32, #tpu.memory_space<vmem_shared>>
            tpu.enqueue_indirect_dma source(%arg10 : memref<128x64xf32, #tpu.memory_space<vmem>>) target(%dma_start3A_102 : memref<10240x64xf32, #tpu.memory_space<vmem_shared>>) offsets(%dma_start3A_99 : memref<128xi32, #tpu.memory_space<vmem>>) semaphore(%run_scoped3A : memref<!tpu.dma_semaphore, #tpu.memory_space<semaphore_mem>>) {add = true}
            %dma_wait3A_103 = arith.constant 0 : i32
            %dma_wait3A_104 = tpu.memref_slice %arg9[%scan3A_48, %dma_wait3A_103] : memref<157x128xi32, #tpu.memory_space<vmem>> -> memref<1x128xi32, #tpu.memory_space<vmem>>
            %dma_wait3A_105 = tpu.memref_squeeze %dma_wait3A_104 : memref<1x128xi32, #tpu.memory_space<vmem>> -> memref<128xi32, #tpu.memory_space<vmem>>
            %dma_wait3A_106 = arith.constant 0 : i32
            %dma_wait3A_107 = arith.constant 0 : i32
            %dma_wait3A_108 = tpu.memref_slice %arg7[%dma_wait3A_106, %dma_wait3A_107] : memref<10240x64xf32, #tpu.memory_space<vmem_shared>> -> memref<10240x64xf32, #tpu.memory_space<vmem_shared>>
            tpu.wait_indirect_dma semaphore(%run_scoped3A : memref<!tpu.dma_semaphore, #tpu.memory_space<semaphore_mem>>) src(%arg10 : memref<128x64xf32, #tpu.memory_space<vmem>>) dst(%dma_wait3A_108 : memref<10240x64xf32, #tpu.memory_space<vmem_shared>>)
            tpu.yield
          }) : () -> ()
        } else {
        }
        %jit3A_64 = arith.constant 2 : i32
        %eq3A_65 = arith.constant 0 : i32
        %eq3A_66 = arith.cmpi eq, %jit3A_64, %eq3A_65 : i32
        %jit3A_67 = arith.constant 1 : i32
        %select_n3A_68 = arith.select %eq3A_66, %jit3A_67, %jit3A_64 : i32
        %rem3A_69 = arith.remsi %scan3A_48, %select_n3A_68 : i32
        %ne3A_70 = arith.constant 0 : i32
        %ne3A_71 = arith.cmpi ne, %rem3A_69, %ne3A_70 : i32
        %lt3A_72 = arith.constant 0 : i32
        %lt3A_73 = arith.cmpi slt, %rem3A_69, %lt3A_72 : i32
        %lt3A_74 = arith.constant 0 : i32
        %lt3A_75 = arith.cmpi slt, %select_n3A_68, %lt3A_74 : i32
        %ne3A_76 = arith.xori %lt3A_73, %lt3A_75 : i1
        %and3A_77 = arith.andi %ne3A_76, %ne3A_71 : i1
        %add3A_78 = arith.addi %rem3A_69, %select_n3A_68 : i32
        %select_n3A_79 = arith.select %and3A_77, %add3A_78, %rem3A_69 : i32
        %eq3A_80 = arith.constant 1 : i32
        %eq3A_81 = arith.cmpi eq, %select_n3A_79, %eq3A_80 : i32
        %convert_element_type3A_82 = arith.extui %eq3A_81 : i1 to i32
        %cond3A_83 = arith.constant 0 : i32
        %cond3A_84 = arith.cmpi ne, %convert_element_type3A_82, %cond3A_83 : i32
        scf.if %cond3A_84 {
          %add3A_85 = arith.constant 1 : i32
          %add3A_86 = arith.addi %scan3A_48, %add3A_85 : i32
          %lt3A_87 = arith.constant 157 : i32
          %lt3A_88 = arith.cmpi slt, %add3A_86, %lt3A_87 : i32
          %convert_element_type3A_89 = arith.extui %lt3A_88 : i1 to i32
          %cond3A_90 = arith.constant 0 : i32
          %cond3A_91 = arith.cmpi ne, %convert_element_type3A_89, %cond3A_90 : i32
          scf.if %cond3A_91 {
            %add3A_97 = arith.constant 1 : i32
            %add3A_98 = arith.addi %scan3A_48, %add3A_97 : i32
            %dma_start3A_99 = arith.constant 0 : i32
            %dma_start3A_100 = tpu.memref_slice %arg8[%add3A_98, %dma_start3A_99] : memref<157x128xi32, #tpu.memory_space<vmem>> -> memref<1x128xi32, #tpu.memory_space<vmem>>
            %dma_start3A_101 = tpu.memref_squeeze %dma_start3A_100 : memref<1x128xi32, #tpu.memory_space<vmem>> -> memref<128xi32, #tpu.memory_space<vmem>>
            %dma_start3A_102 = arith.constant 0 : i32
            %dma_start3A_103 = arith.constant 0 : i32
            %dma_start3A_104 = tpu.memref_slice %arg2[%dma_start3A_102, %dma_start3A_103] : memref<10000x64xf32, #tpu.memory_space<hbm>> -> memref<10000x64xf32, #tpu.memory_space<hbm>>
            tpu.enqueue_indirect_dma source(%dma_start3A_104 : memref<10000x64xf32, #tpu.memory_space<hbm>>) target(%arg10 : memref<128x64xf32, #tpu.memory_space<vmem>>) offsets(%dma_start3A_101 : memref<128xi32, #tpu.memory_space<vmem>>) semaphore(%arg12 : memref<!tpu.dma_semaphore, #tpu.memory_space<semaphore_mem>>)
          } else {
          }
          %dma_wait3A = arith.constant 0 : i32
          %dma_wait3A_92 = tpu.memref_slice %arg8[%scan3A_48, %dma_wait3A] : memref<157x128xi32, #tpu.memory_space<vmem>> -> memref<1x128xi32, #tpu.memory_space<vmem>>
          %dma_wait3A_93 = tpu.memref_squeeze %dma_wait3A_92 : memref<1x128xi32, #tpu.memory_space<vmem>> -> memref<128xi32, #tpu.memory_space<vmem>>
          %dma_wait3A_94 = arith.constant 0 : i32
          %dma_wait3A_95 = arith.constant 0 : i32
          %dma_wait3A_96 = tpu.memref_slice %arg2[%dma_wait3A_94, %dma_wait3A_95] : memref<10000x64xf32, #tpu.memory_space<hbm>> -> memref<10000x64xf32, #tpu.memory_space<hbm>>
          tpu.wait_indirect_dma semaphore(%arg13 : memref<!tpu.dma_semaphore, #tpu.memory_space<semaphore_mem>>) src(%dma_wait3A_96 : memref<10000x64xf32, #tpu.memory_space<hbm>>) dst(%arg11 : memref<128x64xf32, #tpu.memory_space<vmem>>)
          "tpu.region"() ({
            %run_scoped3A = tpu.sem_alloc : memref<!tpu.dma_semaphore, #tpu.memory_space<semaphore_mem>>
            %dma_start3A_97 = arith.constant 0 : i32
            %dma_start3A_98 = tpu.memref_slice %arg9[%scan3A_48, %dma_start3A_97] : memref<157x128xi32, #tpu.memory_space<vmem>> -> memref<1x128xi32, #tpu.memory_space<vmem>>
            %dma_start3A_99 = tpu.memref_squeeze %dma_start3A_98 : memref<1x128xi32, #tpu.memory_space<vmem>> -> memref<128xi32, #tpu.memory_space<vmem>>
            %dma_start3A_100 = arith.constant 0 : i32
            %dma_start3A_101 = arith.constant 0 : i32
            %dma_start3A_102 = tpu.memref_slice %arg7[%dma_start3A_100, %dma_start3A_101] : memref<10240x64xf32, #tpu.memory_space<vmem_shared>> -> memref<10240x64xf32, #tpu.memory_space<vmem_shared>>
            tpu.enqueue_indirect_dma source(%arg11 : memref<128x64xf32, #tpu.memory_space<vmem>>) target(%dma_start3A_102 : memref<10240x64xf32, #tpu.memory_space<vmem_shared>>) offsets(%dma_start3A_99 : memref<128xi32, #tpu.memory_space<vmem>>) semaphore(%run_scoped3A : memref<!tpu.dma_semaphore, #tpu.memory_space<semaphore_mem>>) {add = true}
            %dma_wait3A_103 = arith.constant 0 : i32
            %dma_wait3A_104 = tpu.memref_slice %arg9[%scan3A_48, %dma_wait3A_103] : memref<157x128xi32, #tpu.memory_space<vmem>> -> memref<1x128xi32, #tpu.memory_space<vmem>>
            %dma_wait3A_105 = tpu.memref_squeeze %dma_wait3A_104 : memref<1x128xi32, #tpu.memory_space<vmem>> -> memref<128xi32, #tpu.memory_space<vmem>>
            %dma_wait3A_106 = arith.constant 0 : i32
            %dma_wait3A_107 = arith.constant 0 : i32
            %dma_wait3A_108 = tpu.memref_slice %arg7[%dma_wait3A_106, %dma_wait3A_107] : memref<10240x64xf32, #tpu.memory_space<vmem_shared>> -> memref<10240x64xf32, #tpu.memory_space<vmem_shared>>
            tpu.wait_indirect_dma semaphore(%run_scoped3A : memref<!tpu.dma_semaphore, #tpu.memory_space<semaphore_mem>>) src(%arg11 : memref<128x64xf32, #tpu.memory_space<vmem>>) dst(%dma_wait3A_108 : memref<10240x64xf32, #tpu.memory_space<vmem_shared>>)
            tpu.yield
          }) : () -> ()
        } else {
        }
      }
      %scan3A_47 = arith.constant 157 : i32
    } else {
    }
    %eq3A_26 = arith.constant 1 : i32
    %eq3A_27 = arith.cmpi eq, %arg0, %eq3A_26 : i32
    %convert_element_type3A_28 = arith.extui %eq3A_27 : i1 to i32
    %cond3A_29 = arith.constant 0 : i32
    %cond3A_30 = arith.cmpi ne, %convert_element_type3A_28, %cond3A_29 : i32
    scf.if %cond3A_30 {
      %dma_start3A = arith.constant 0 : i32
      %dma_start3A_36 = arith.constant 0 : i32
      %dma_start3A_37 = tpu.memref_slice %arg8[%dma_start3A, %dma_start3A_36] : memref<157x128xi32, #tpu.memory_space<vmem>> -> memref<1x128xi32, #tpu.memory_space<vmem>>
      %dma_start3A_38 = tpu.memref_squeeze %dma_start3A_37 : memref<1x128xi32, #tpu.memory_space<vmem>> -> memref<128xi32, #tpu.memory_space<vmem>>
      %dma_start3A_39 = arith.constant 0 : i32
      %dma_start3A_40 = arith.constant 0 : i32
      %dma_start3A_41 = tpu.memref_slice %arg3[%dma_start3A_39, %dma_start3A_40] : memref<10000x64xf32, #tpu.memory_space<hbm>> -> memref<10000x64xf32, #tpu.memory_space<hbm>>
      tpu.enqueue_indirect_dma source(%dma_start3A_41 : memref<10000x64xf32, #tpu.memory_space<hbm>>) target(%arg10 : memref<128x64xf32, #tpu.memory_space<vmem>>) offsets(%dma_start3A_38 : memref<128xi32, #tpu.memory_space<vmem>>) semaphore(%arg12 : memref<!tpu.dma_semaphore, #tpu.memory_space<semaphore_mem>>)
      %scan3A_42 = arith.constant 0 : i32
      %scan3A_43 = arith.constant 0 : i32
      %scan3A_44 = arith.constant 157 : i32
      %scan3A_45 = arith.addi %scan3A_43, %scan3A_44 : i32
      %scan3A_46 = arith.constant 1 : i32
      scf.for %scan3A_48 = %scan3A_43 to %scan3A_45 step %scan3A_46  : i32 {
        %jit3A = arith.constant 2 : i32
        %eq3A_49 = arith.constant 0 : i32
        %eq3A_50 = arith.cmpi eq, %jit3A, %eq3A_49 : i32
        %jit3A_51 = arith.constant 1 : i32
        %select_n3A = arith.select %eq3A_50, %jit3A_51, %jit3A : i32
        %rem3A = arith.remsi %scan3A_48, %select_n3A : i32
        %ne3A = arith.constant 0 : i32
        %ne3A_52 = arith.cmpi ne, %rem3A, %ne3A : i32
        %lt3A = arith.constant 0 : i32
        %lt3A_53 = arith.cmpi slt, %rem3A, %lt3A : i32
        %lt3A_54 = arith.constant 0 : i32
        %lt3A_55 = arith.cmpi slt, %select_n3A, %lt3A_54 : i32
        %ne3A_56 = arith.xori %lt3A_53, %lt3A_55 : i1
        %and3A = arith.andi %ne3A_56, %ne3A_52 : i1
        %add3A_57 = arith.addi %rem3A, %select_n3A : i32
        %select_n3A_58 = arith.select %and3A, %add3A_57, %rem3A : i32
        %eq3A_59 = arith.constant 0 : i32
        %eq3A_60 = arith.cmpi eq, %select_n3A_58, %eq3A_59 : i32
        %convert_element_type3A_61 = arith.extui %eq3A_60 : i1 to i32
        %cond3A_62 = arith.constant 0 : i32
        %cond3A_63 = arith.cmpi ne, %convert_element_type3A_61, %cond3A_62 : i32
        scf.if %cond3A_63 {
          %add3A_85 = arith.constant 1 : i32
          %add3A_86 = arith.addi %scan3A_48, %add3A_85 : i32
          %lt3A_87 = arith.constant 157 : i32
          %lt3A_88 = arith.cmpi slt, %add3A_86, %lt3A_87 : i32
          %convert_element_type3A_89 = arith.extui %lt3A_88 : i1 to i32
          %cond3A_90 = arith.constant 0 : i32
          %cond3A_91 = arith.cmpi ne, %convert_element_type3A_89, %cond3A_90 : i32
          scf.if %cond3A_91 {
            %add3A_97 = arith.constant 1 : i32
            %add3A_98 = arith.addi %scan3A_48, %add3A_97 : i32
            %dma_start3A_99 = arith.constant 0 : i32
            %dma_start3A_100 = tpu.memref_slice %arg8[%add3A_98, %dma_start3A_99] : memref<157x128xi32, #tpu.memory_space<vmem>> -> memref<1x128xi32, #tpu.memory_space<vmem>>
            %dma_start3A_101 = tpu.memref_squeeze %dma_start3A_100 : memref<1x128xi32, #tpu.memory_space<vmem>> -> memref<128xi32, #tpu.memory_space<vmem>>
            %dma_start3A_102 = arith.constant 0 : i32
            %dma_start3A_103 = arith.constant 0 : i32
            %dma_start3A_104 = tpu.memref_slice %arg3[%dma_start3A_102, %dma_start3A_103] : memref<10000x64xf32, #tpu.memory_space<hbm>> -> memref<10000x64xf32, #tpu.memory_space<hbm>>
            tpu.enqueue_indirect_dma source(%dma_start3A_104 : memref<10000x64xf32, #tpu.memory_space<hbm>>) target(%arg11 : memref<128x64xf32, #tpu.memory_space<vmem>>) offsets(%dma_start3A_101 : memref<128xi32, #tpu.memory_space<vmem>>) semaphore(%arg13 : memref<!tpu.dma_semaphore, #tpu.memory_space<semaphore_mem>>)
          } else {
          }
          %dma_wait3A = arith.constant 0 : i32
          %dma_wait3A_92 = tpu.memref_slice %arg8[%scan3A_48, %dma_wait3A] : memref<157x128xi32, #tpu.memory_space<vmem>> -> memref<1x128xi32, #tpu.memory_space<vmem>>
          %dma_wait3A_93 = tpu.memref_squeeze %dma_wait3A_92 : memref<1x128xi32, #tpu.memory_space<vmem>> -> memref<128xi32, #tpu.memory_space<vmem>>
          %dma_wait3A_94 = arith.constant 0 : i32
          %dma_wait3A_95 = arith.constant 0 : i32
          %dma_wait3A_96 = tpu.memref_slice %arg3[%dma_wait3A_94, %dma_wait3A_95] : memref<10000x64xf32, #tpu.memory_space<hbm>> -> memref<10000x64xf32, #tpu.memory_space<hbm>>
          tpu.wait_indirect_dma semaphore(%arg12 : memref<!tpu.dma_semaphore, #tpu.memory_space<semaphore_mem>>) src(%dma_wait3A_96 : memref<10000x64xf32, #tpu.memory_space<hbm>>) dst(%arg10 : memref<128x64xf32, #tpu.memory_space<vmem>>)
          "tpu.region"() ({
            %run_scoped3A = tpu.sem_alloc : memref<!tpu.dma_semaphore, #tpu.memory_space<semaphore_mem>>
            %dma_start3A_97 = arith.constant 0 : i32
            %dma_start3A_98 = tpu.memref_slice %arg9[%scan3A_48, %dma_start3A_97] : memref<157x128xi32, #tpu.memory_space<vmem>> -> memref<1x128xi32, #tpu.memory_space<vmem>>
            %dma_start3A_99 = tpu.memref_squeeze %dma_start3A_98 : memref<1x128xi32, #tpu.memory_space<vmem>> -> memref<128xi32, #tpu.memory_space<vmem>>
            %dma_start3A_100 = arith.constant 0 : i32
            %dma_start3A_101 = arith.constant 0 : i32
            %dma_start3A_102 = tpu.memref_slice %arg7[%dma_start3A_100, %dma_start3A_101] : memref<10240x64xf32, #tpu.memory_space<vmem_shared>> -> memref<10240x64xf32, #tpu.memory_space<vmem_shared>>
            tpu.enqueue_indirect_dma source(%arg10 : memref<128x64xf32, #tpu.memory_space<vmem>>) target(%dma_start3A_102 : memref<10240x64xf32, #tpu.memory_space<vmem_shared>>) offsets(%dma_start3A_99 : memref<128xi32, #tpu.memory_space<vmem>>) semaphore(%run_scoped3A : memref<!tpu.dma_semaphore, #tpu.memory_space<semaphore_mem>>) {add = true}
            %dma_wait3A_103 = arith.constant 0 : i32
            %dma_wait3A_104 = tpu.memref_slice %arg9[%scan3A_48, %dma_wait3A_103] : memref<157x128xi32, #tpu.memory_space<vmem>> -> memref<1x128xi32, #tpu.memory_space<vmem>>
            %dma_wait3A_105 = tpu.memref_squeeze %dma_wait3A_104 : memref<1x128xi32, #tpu.memory_space<vmem>> -> memref<128xi32, #tpu.memory_space<vmem>>
            %dma_wait3A_106 = arith.constant 0 : i32
            %dma_wait3A_107 = arith.constant 0 : i32
            %dma_wait3A_108 = tpu.memref_slice %arg7[%dma_wait3A_106, %dma_wait3A_107] : memref<10240x64xf32, #tpu.memory_space<vmem_shared>> -> memref<10240x64xf32, #tpu.memory_space<vmem_shared>>
            tpu.wait_indirect_dma semaphore(%run_scoped3A : memref<!tpu.dma_semaphore, #tpu.memory_space<semaphore_mem>>) src(%arg10 : memref<128x64xf32, #tpu.memory_space<vmem>>) dst(%dma_wait3A_108 : memref<10240x64xf32, #tpu.memory_space<vmem_shared>>)
            tpu.yield
          }) : () -> ()
        } else {
        }
        %jit3A_64 = arith.constant 2 : i32
        %eq3A_65 = arith.constant 0 : i32
        %eq3A_66 = arith.cmpi eq, %jit3A_64, %eq3A_65 : i32
        %jit3A_67 = arith.constant 1 : i32
        %select_n3A_68 = arith.select %eq3A_66, %jit3A_67, %jit3A_64 : i32
        %rem3A_69 = arith.remsi %scan3A_48, %select_n3A_68 : i32
        %ne3A_70 = arith.constant 0 : i32
        %ne3A_71 = arith.cmpi ne, %rem3A_69, %ne3A_70 : i32
        %lt3A_72 = arith.constant 0 : i32
        %lt3A_73 = arith.cmpi slt, %rem3A_69, %lt3A_72 : i32
        %lt3A_74 = arith.constant 0 : i32
        %lt3A_75 = arith.cmpi slt, %select_n3A_68, %lt3A_74 : i32
        %ne3A_76 = arith.xori %lt3A_73, %lt3A_75 : i1
        %and3A_77 = arith.andi %ne3A_76, %ne3A_71 : i1
        %add3A_78 = arith.addi %rem3A_69, %select_n3A_68 : i32
        %select_n3A_79 = arith.select %and3A_77, %add3A_78, %rem3A_69 : i32
        %eq3A_80 = arith.constant 1 : i32
        %eq3A_81 = arith.cmpi eq, %select_n3A_79, %eq3A_80 : i32
        %convert_element_type3A_82 = arith.extui %eq3A_81 : i1 to i32
        %cond3A_83 = arith.constant 0 : i32
        %cond3A_84 = arith.cmpi ne, %convert_element_type3A_82, %cond3A_83 : i32
        scf.if %cond3A_84 {
          %add3A_85 = arith.constant 1 : i32
          %add3A_86 = arith.addi %scan3A_48, %add3A_85 : i32
          %lt3A_87 = arith.constant 157 : i32
          %lt3A_88 = arith.cmpi slt, %add3A_86, %lt3A_87 : i32
          %convert_element_type3A_89 = arith.extui %lt3A_88 : i1 to i32
          %cond3A_90 = arith.constant 0 : i32
          %cond3A_91 = arith.cmpi ne, %convert_element_type3A_89, %cond3A_90 : i32
          scf.if %cond3A_91 {
            %add3A_97 = arith.constant 1 : i32
            %add3A_98 = arith.addi %scan3A_48, %add3A_97 : i32
            %dma_start3A_99 = arith.constant 0 : i32
            %dma_start3A_100 = tpu.memref_slice %arg8[%add3A_98, %dma_start3A_99] : memref<157x128xi32, #tpu.memory_space<vmem>> -> memref<1x128xi32, #tpu.memory_space<vmem>>
            %dma_start3A_101 = tpu.memref_squeeze %dma_start3A_100 : memref<1x128xi32, #tpu.memory_space<vmem>> -> memref<128xi32, #tpu.memory_space<vmem>>
            %dma_start3A_102 = arith.constant 0 : i32
            %dma_start3A_103 = arith.constant 0 : i32
            %dma_start3A_104 = tpu.memref_slice %arg3[%dma_start3A_102, %dma_start3A_103] : memref<10000x64xf32, #tpu.memory_space<hbm>> -> memref<10000x64xf32, #tpu.memory_space<hbm>>
            tpu.enqueue_indirect_dma source(%dma_start3A_104 : memref<10000x64xf32, #tpu.memory_space<hbm>>) target(%arg10 : memref<128x64xf32, #tpu.memory_space<vmem>>) offsets(%dma_start3A_101 : memref<128xi32, #tpu.memory_space<vmem>>) semaphore(%arg12 : memref<!tpu.dma_semaphore, #tpu.memory_space<semaphore_mem>>)
          } else {
          }
          %dma_wait3A = arith.constant 0 : i32
          %dma_wait3A_92 = tpu.memref_slice %arg8[%scan3A_48, %dma_wait3A] : memref<157x128xi32, #tpu.memory_space<vmem>> -> memref<1x128xi32, #tpu.memory_space<vmem>>
          %dma_wait3A_93 = tpu.memref_squeeze %dma_wait3A_92 : memref<1x128xi32, #tpu.memory_space<vmem>> -> memref<128xi32, #tpu.memory_space<vmem>>
          %dma_wait3A_94 = arith.constant 0 : i32
          %dma_wait3A_95 = arith.constant 0 : i32
          %dma_wait3A_96 = tpu.memref_slice %arg3[%dma_wait3A_94, %dma_wait3A_95] : memref<10000x64xf32, #tpu.memory_space<hbm>> -> memref<10000x64xf32, #tpu.memory_space<hbm>>
          tpu.wait_indirect_dma semaphore(%arg13 : memref<!tpu.dma_semaphore, #tpu.memory_space<semaphore_mem>>) src(%dma_wait3A_96 : memref<10000x64xf32, #tpu.memory_space<hbm>>) dst(%arg11 : memref<128x64xf32, #tpu.memory_space<vmem>>)
          "tpu.region"() ({
            %run_scoped3A = tpu.sem_alloc : memref<!tpu.dma_semaphore, #tpu.memory_space<semaphore_mem>>
            %dma_start3A_97 = arith.constant 0 : i32
            %dma_start3A_98 = tpu.memref_slice %arg9[%scan3A_48, %dma_start3A_97] : memref<157x128xi32, #tpu.memory_space<vmem>> -> memref<1x128xi32, #tpu.memory_space<vmem>>
            %dma_start3A_99 = tpu.memref_squeeze %dma_start3A_98 : memref<1x128xi32, #tpu.memory_space<vmem>> -> memref<128xi32, #tpu.memory_space<vmem>>
            %dma_start3A_100 = arith.constant 0 : i32
            %dma_start3A_101 = arith.constant 0 : i32
            %dma_start3A_102 = tpu.memref_slice %arg7[%dma_start3A_100, %dma_start3A_101] : memref<10240x64xf32, #tpu.memory_space<vmem_shared>> -> memref<10240x64xf32, #tpu.memory_space<vmem_shared>>
            tpu.enqueue_indirect_dma source(%arg11 : memref<128x64xf32, #tpu.memory_space<vmem>>) target(%dma_start3A_102 : memref<10240x64xf32, #tpu.memory_space<vmem_shared>>) offsets(%dma_start3A_99 : memref<128xi32, #tpu.memory_space<vmem>>) semaphore(%run_scoped3A : memref<!tpu.dma_semaphore, #tpu.memory_space<semaphore_mem>>) {add = true}
            %dma_wait3A_103 = arith.constant 0 : i32
            %dma_wait3A_104 = tpu.memref_slice %arg9[%scan3A_48, %dma_wait3A_103] : memref<157x128xi32, #tpu.memory_space<vmem>> -> memref<1x128xi32, #tpu.memory_space<vmem>>
            %dma_wait3A_105 = tpu.memref_squeeze %dma_wait3A_104 : memref<1x128xi32, #tpu.memory_space<vmem>> -> memref<128xi32, #tpu.memory_space<vmem>>
            %dma_wait3A_106 = arith.constant 0 : i32
            %dma_wait3A_107 = arith.constant 0 : i32
            %dma_wait3A_108 = tpu.memref_slice %arg7[%dma_wait3A_106, %dma_wait3A_107] : memref<10240x64xf32, #tpu.memory_space<vmem_shared>> -> memref<10240x64xf32, #tpu.memory_space<vmem_shared>>
            tpu.wait_indirect_dma semaphore(%run_scoped3A : memref<!tpu.dma_semaphore, #tpu.memory_space<semaphore_mem>>) src(%arg11 : memref<128x64xf32, #tpu.memory_space<vmem>>) dst(%dma_wait3A_108 : memref<10240x64xf32, #tpu.memory_space<vmem_shared>>)
            tpu.yield
          }) : () -> ()
        } else {
        }
      }
      %scan3A_47 = arith.constant 157 : i32
    } else {
    }
    %barrier3A_31 = arith.constant 0 : index
    tpu.barrier barrier_id(%barrier3A_31)
    %mul3A_32 = arith.constant 640 : i32
    %mul3A_33 = arith.muli %arg1, %mul3A_32 : i32
    %mul3A_34 = arith.constant 640 : i32
    %mul3A_35 = arith.muli %arg1, %mul3A_34 : i32
    "tpu.region"() ({
      %run_scoped3A = tpu.sem_alloc : memref<!tpu.dma_semaphore, #tpu.memory_space<semaphore_mem>>
      %dma_start3A = arith.constant 0 : i32
      %dma_start3A_36 = tpu.memref_slice %arg6[%arg0, %mul3A_35, %dma_start3A] : memref<2x10240x64xf32, #tpu.memory_space<hbm>> -> memref<1x640x64xf32, #tpu.memory_space<hbm>>
      %dma_start3A_37 = tpu.memref_squeeze %dma_start3A_36 : memref<1x640x64xf32, #tpu.memory_space<hbm>> -> memref<640x64xf32, #tpu.memory_space<hbm>>
      %dma_start3A_38 = arith.constant 0 : i32
      %dma_start3A_39 = tpu.memref_slice %arg7[%mul3A_33, %dma_start3A_38] : memref<10240x64xf32, #tpu.memory_space<vmem_shared>> -> memref<640x64xf32, #tpu.memory_space<vmem_shared>>
      tpu.enqueue_dma source(%dma_start3A_39 : memref<640x64xf32, #tpu.memory_space<vmem_shared>>) target(%dma_start3A_37 : memref<640x64xf32, #tpu.memory_space<hbm>>) target_semaphore(%run_scoped3A : memref<!tpu.dma_semaphore, #tpu.memory_space<semaphore_mem>>)
      %dma_wait3A = arith.constant 0 : i32
      %dma_wait3A_40 = tpu.memref_slice %arg6[%arg0, %mul3A_35, %dma_wait3A] : memref<2x10240x64xf32, #tpu.memory_space<hbm>> -> memref<1x640x64xf32, #tpu.memory_space<hbm>>
      %dma_wait3A_41 = tpu.memref_squeeze %dma_wait3A_40 : memref<1x640x64xf32, #tpu.memory_space<hbm>> -> memref<640x64xf32, #tpu.memory_space<hbm>>
      %dma_wait3A_42 = arith.constant 0 : i32
      %dma_wait3A_43 = tpu.memref_slice %arg7[%mul3A_33, %dma_wait3A_42] : memref<10240x64xf32, #tpu.memory_space<vmem_shared>> -> memref<640x64xf32, #tpu.memory_space<vmem_shared>>
      tpu.wait_dma2 semaphore(%run_scoped3A : memref<!tpu.dma_semaphore, #tpu.memory_space<semaphore_mem>>) src(%dma_wait3A_43 : memref<640x64xf32, #tpu.memory_space<vmem_shared>>) dst(%dma_wait3A_41 : memref<640x64xf32, #tpu.memory_space<hbm>>)
      tpu.yield
    }) : () -> ()
    return
  }
}

module attributes {stable_mosaic.version = 14 : i64} {
  func.func @_matmul_body(%arg0: i32, %arg1: memref<2000x128xf32, #tpu.memory_space<vmem>>, %arg2: memref<128x128xf32, #tpu.memory_space<vmem>>, %arg3: memref<2000x128xf32, #tpu.memory_space<vmem>>) attributes {dimension_semantics = [#tpu.dimension_semantics<arbitrary>], iteration_bounds = array<i64: 5>, scalar_prefetch = 0 : i64, scratch_operands = 0 : i64, tpu.core_type = #tpu.core_type<tc>, window_params = [{transform_indices = @transform_0, window_bounds = array<i64: 2000, 128>}, {pipeline_mode = #tpu.pipeline_mode<synchronous>, transform_indices = @transform_1, window_bounds = array<i64: 128, 128>}, {transform_indices = @transform_2, window_bounds = array<i64: 2000, 128>}]} {
    %get3A = arith.constant 0 : index
    %get3A_0 = arith.constant 0 : index
    %get3A_1 = vector.load %arg1[%get3A, %get3A_0] : memref<2000x128xf32, #tpu.memory_space<vmem>>, vector<2000x128xf32>
    %get3A_2 = arith.constant 0 : index
    %get3A_3 = arith.constant 0 : index
    %get3A_4 = vector.load %arg2[%get3A_2, %get3A_3] : memref<128x128xf32, #tpu.memory_space<vmem>>, vector<128x128xf32>
    %dot_general3A = arith.constant dense<0.000000e+00> : vector<2000x128xf32>
    %dot_general3A_5 = tpu.matmul %get3A_1, %get3A_4, %dot_general3A {dimension_numbers = #tpu.dot_dimension_numbers<[1], [0], [0], [1], [0, 0, 1, 1], [], []>, precision = #tpu.contract_precision<fp32>, transpose_lhs_hint = false} : vector<2000x128xf32>, vector<128x128xf32>, vector<2000x128xf32> -> vector<2000x128xf32>
    %swap3A = arith.constant 0 : index
    %swap3A_6 = arith.constant 0 : index
    %swap3A_7 = vector.load %arg3[%swap3A, %swap3A_6] : memref<2000x128xf32, #tpu.memory_space<vmem>>, vector<2000x128xf32>
    tpu.vector_store %arg3[%swap3A, %swap3A_6], %dot_general3A_5 {strides = array<i32>} : memref<2000x128xf32, #tpu.memory_space<vmem>>, vector<2000x128xf32>,
    return
  }
  func.func @transform_0(%arg0: i32) -> (i32, i32) {
    %c0_i32 = arith.constant 0 : i32
    %c0_i32_0 = arith.constant 0 : i32
    return %arg0, %c0_i32 : i32, i32
  }
  func.func @transform_1(%arg0: i32) -> (i32, i32) {
    %c0_i32 = arith.constant 0 : i32
    %c0_i32_0 = arith.constant 0 : i32
    %c0_i32_1 = arith.constant 0 : i32
    return %c0_i32, %c0_i32_0 : i32, i32
  }
  func.func @transform_2(%arg0: i32) -> (i32, i32) {
    %c0_i32 = arith.constant 0 : i32
    %c0_i32_0 = arith.constant 0 : i32
    return %arg0, %c0_i32 : i32, i32
  }
}

module attributes {stable_mosaic.version = 14 : i64} {
  func.func @_scale_body(%arg0: i32, %arg1: memref<10240x16xf32, #tpu.memory_space<vmem>>, %arg2: memref<10240x16xf32, #tpu.memory_space<vmem>>, %arg3: memref<2000x128xf32, #tpu.memory_space<vmem>>, %arg4: memref<2000x64xf32, #tpu.memory_space<vmem>>, %arg5: memref<2000x64xf32, #tpu.memory_space<vmem>>, %arg6: memref<2000x1xf32, #tpu.memory_space<vmem>>) attributes {dimension_semantics = [#tpu.dimension_semantics<arbitrary>], iteration_bounds = array<i64: 5>, scalar_prefetch = 0 : i64, scratch_operands = 0 : i64, tpu.core_type = #tpu.core_type<tc>, window_params = [{pipeline_mode = #tpu.pipeline_mode<synchronous>, transform_indices = @transform_0, window_bounds = array<i64: 10240, 16>}, {pipeline_mode = #tpu.pipeline_mode<synchronous>, transform_indices = @transform_1, window_bounds = array<i64: 10240, 16>}, {transform_indices = @transform_2, window_bounds = array<i64: 2000, 128>}, {transform_indices = @transform_3, window_bounds = array<i64: 2000, 64>}, {transform_indices = @transform_4, window_bounds = array<i64: 2000, 64>}, {transform_indices = @transform_5, window_bounds = array<i64: 2000, 1>}]} {
    %mul3A = arith.constant 2000 : i32
    %mul3A_0 = arith.muli %arg0, %mul3A : i32
    %get3A = arith.index_cast %mul3A_0 : i32 to index
    %get3A_1 = arith.constant 0 : index
    %get3A_2 = vector.load %arg1[%get3A, %get3A_1] : memref<10240x16xf32, #tpu.memory_space<vmem>>, vector<2000x1xf32>
    %get3A_3 = arith.index_cast %mul3A_0 : i32 to index
    %get3A_4 = arith.constant 0 : index
    %get3A_5 = vector.load %arg2[%get3A_3, %get3A_4] : memref<10240x16xf32, #tpu.memory_space<vmem>>, vector<2000x1xf32>
    %add3A = arith.addf %get3A_2, %get3A_5 : vector<2000x1xf32>
    %add3A_6 = arith.constant 1.000000e+00 : f32
    %add3A_7 = vector.broadcast %add3A_6 : f32 to vector<2000x1xf32>
    %add3A_8 = arith.addf %add3A, %add3A_7 : vector<2000x1xf32>
    %rsqrt3A = math.rsqrt %add3A_8 : vector<2000x1xf32>
    %get3A_9 = arith.constant 0 : index
    %get3A_10 = arith.constant 0 : index
    %get3A_11 = vector.load %arg3[%get3A_9, %get3A_10] : memref<2000x128xf32, #tpu.memory_space<vmem>>, vector<2000x128xf32>
    %mul3A_12 = vector.broadcast %rsqrt3A : vector<2000x1xf32> to vector<2000x128xf32>
    %mul3A_13 = arith.mulf %get3A_11, %mul3A_12 : vector<2000x128xf32>
    %slice3A = vector.extract_strided_slice %mul3A_13 {offsets = [0, 0], sizes = [2000, 64], strides = [1, 1]} : vector<2000x128xf32> to vector<2000x64xf32>
    %swap3A = arith.constant 0 : index
    %swap3A_14 = arith.constant 0 : index
    %swap3A_15 = vector.load %arg4[%swap3A, %swap3A_14] : memref<2000x64xf32, #tpu.memory_space<vmem>>, vector<2000x64xf32>
    tpu.vector_store %arg4[%swap3A, %swap3A_14], %slice3A {strides = array<i32>} : memref<2000x64xf32, #tpu.memory_space<vmem>>, vector<2000x64xf32>,
    %slice3A_16 = vector.extract_strided_slice %mul3A_13 {offsets = [0, 64], sizes = [2000, 64], strides = [1, 1]} : vector<2000x128xf32> to vector<2000x64xf32>
    %swap3A_17 = arith.constant 0 : index
    %swap3A_18 = arith.constant 0 : index
    %swap3A_19 = vector.load %arg5[%swap3A_17, %swap3A_18] : memref<2000x64xf32, #tpu.memory_space<vmem>>, vector<2000x64xf32>
    tpu.vector_store %arg5[%swap3A_17, %swap3A_18], %slice3A_16 {strides = array<i32>} : memref<2000x64xf32, #tpu.memory_space<vmem>>, vector<2000x64xf32>,
    %swap3A_20 = arith.constant 0 : index
    %swap3A_21 = arith.constant 0 : index
    %swap3A_22 = vector.load %arg6[%swap3A_20, %swap3A_21] : memref<2000x1xf32, #tpu.memory_space<vmem>>, vector<2000x1xf32>
    tpu.vector_store %arg6[%swap3A_20, %swap3A_21], %rsqrt3A {strides = array<i32>} : memref<2000x1xf32, #tpu.memory_space<vmem>>, vector<2000x1xf32>,
    return
  }
  func.func @transform_0(%arg0: i32) -> (i32, i32) {
    %c0_i32 = arith.constant 0 : i32
    %c0_i32_0 = arith.constant 0 : i32
    %c0_i32_1 = arith.constant 0 : i32
    return %c0_i32, %c0_i32_0 : i32, i32
  }
  func.func @transform_1(%arg0: i32) -> (i32, i32) {
    %c0_i32 = arith.constant 0 : i32
    %c0_i32_0 = arith.constant 0 : i32
    %c0_i32_1 = arith.constant 0 : i32
    return %c0_i32, %c0_i32_0 : i32, i32
  }
  func.func @transform_2(%arg0: i32) -> (i32, i32) {
    %c0_i32 = arith.constant 0 : i32
    %c0_i32_0 = arith.constant 0 : i32
    return %arg0, %c0_i32 : i32, i32
  }
  func.func @transform_3(%arg0: i32) -> (i32, i32) {
    %c0_i32 = arith.constant 0 : i32
    %c0_i32_0 = arith.constant 0 : i32
    return %arg0, %c0_i32 : i32, i32
  }
  func.func @transform_4(%arg0: i32) -> (i32, i32) {
    %c0_i32 = arith.constant 0 : i32
    %c0_i32_0 = arith.constant 0 : i32
    return %arg0, %c0_i32 : i32, i32
  }
  func.func @transform_5(%arg0: i32) -> (i32, i32) {
    %c0_i32 = arith.constant 0 : i32
    %c0_i32_0 = arith.constant 0 : i32
    return %arg0, %c0_i32 : i32, i32
  }
}

module attributes {stable_mosaic.version = 14 : i64} {
  func.func @_mid_body(%arg0: i32, %arg1: memref<2000x64xf32, #tpu.memory_space<vmem>>, %arg2: memref<2000x64xf32, #tpu.memory_space<vmem>>, %arg3: memref<2000x64xf32, #tpu.memory_space<vmem>>, %arg4: memref<2000x64xf32, #tpu.memory_space<vmem>>, %arg5: memref<2000x1xf32, #tpu.memory_space<vmem>>, %arg6: memref<1x128xf32, #tpu.memory_space<vmem>>, %arg7: memref<128x128xf32, #tpu.memory_space<vmem>>, %arg8: memref<2000x64xf32, #tpu.memory_space<vmem>>, %arg9: memref<2000x64xf32, #tpu.memory_space<vmem>>) attributes {dimension_semantics = [#tpu.dimension_semantics<arbitrary>], iteration_bounds = array<i64: 5>, scalar_prefetch = 0 : i64, scratch_operands = 0 : i64, tpu.core_type = #tpu.core_type<tc>, window_params = [{transform_indices = @transform_0, window_bounds = array<i64: 2000, 64>}, {transform_indices = @transform_1, window_bounds = array<i64: 2000, 64>}, {transform_indices = @transform_2, window_bounds = array<i64: 2000, 64>}, {transform_indices = @transform_3, window_bounds = array<i64: 2000, 64>}, {transform_indices = @transform_4, window_bounds = array<i64: 2000, 1>}, {pipeline_mode = #tpu.pipeline_mode<synchronous>, transform_indices = @transform_5, window_bounds = array<i64: 1, 128>}, {pipeline_mode = #tpu.pipeline_mode<synchronous>, transform_indices = @transform_6, window_bounds = array<i64: 128, 128>}, {transform_indices = @transform_7, window_bounds = array<i64: 2000, 64>}, {transform_indices = @transform_8, window_bounds = array<i64: 2000, 64>}]} {
    %get3A = arith.constant 0 : index
    %get3A_0 = arith.constant 0 : index
    %get3A_1 = vector.load %arg1[%get3A, %get3A_0] : memref<2000x64xf32, #tpu.memory_space<vmem>>, vector<2000x64xf32>
    %get3A_2 = arith.constant 0 : index
    %get3A_3 = arith.constant 0 : index
    %get3A_4 = vector.load %arg3[%get3A_2, %get3A_3] : memref<2000x64xf32, #tpu.memory_space<vmem>>, vector<2000x64xf32>
    %add3A = arith.addf %get3A_1, %get3A_4 : vector<2000x64xf32>
    %get3A_5 = arith.constant 0 : index
    %get3A_6 = arith.constant 0 : index
    %get3A_7 = vector.load %arg2[%get3A_5, %get3A_6] : memref<2000x64xf32, #tpu.memory_space<vmem>>, vector<2000x64xf32>
    %get3A_8 = arith.constant 0 : index
    %get3A_9 = arith.constant 0 : index
    %get3A_10 = vector.load %arg4[%get3A_8, %get3A_9] : memref<2000x64xf32, #tpu.memory_space<vmem>>, vector<2000x64xf32>
    %add3A_11 = arith.addf %get3A_7, %get3A_10 : vector<2000x64xf32>
    %concatenate3A = tpu.concatenate %add3A, %add3A_11 in 1 : vector<2000x64xf32>, vector<2000x64xf32> -> vector<2000x128xf32>
    %get3A_12 = arith.constant 0 : index
    %get3A_13 = arith.constant 0 : index
    %get3A_14 = vector.load %arg5[%get3A_12, %get3A_13] : memref<2000x1xf32, #tpu.memory_space<vmem>>, vector<2000x1xf32>
    %mul3A = vector.broadcast %get3A_14 : vector<2000x1xf32> to vector<2000x128xf32>
    %mul3A_15 = arith.mulf %concatenate3A, %mul3A : vector<2000x128xf32>
    %get3A_16 = arith.constant 0 : index
    %get3A_17 = arith.constant 0 : index
    %get3A_18 = vector.load %arg6[%get3A_16, %get3A_17] : memref<1x128xf32, #tpu.memory_space<vmem>>, vector<1x128xf32>
    %add3A_19 = vector.broadcast %get3A_18 : vector<1x128xf32> to vector<2000x128xf32>
    %add3A_20 = arith.addf %mul3A_15, %add3A_19 : vector<2000x128xf32>
    %max3A = arith.constant 0.000000e+00 : f32
    %max3A_21 = vector.broadcast %max3A : f32 to vector<2000x128xf32>
    %max3A_22 = arith.maximumf %add3A_20, %max3A_21 : vector<2000x128xf32>
    %get3A_23 = arith.constant 0 : index
    %get3A_24 = arith.constant 0 : index
    %get3A_25 = vector.load %arg7[%get3A_23, %get3A_24] : memref<128x128xf32, #tpu.memory_space<vmem>>, vector<128x128xf32>
    %dot_general3A = arith.constant dense<0.000000e+00> : vector<2000x128xf32>
    %dot_general3A_26 = tpu.matmul %max3A_22, %get3A_25, %dot_general3A {dimension_numbers = #tpu.dot_dimension_numbers<[1], [0], [0], [1], [0, 0, 1, 1], [], []>, precision = #tpu.contract_precision<fp32>, transpose_lhs_hint = false} : vector<2000x128xf32>, vector<128x128xf32>, vector<2000x128xf32> -> vector<2000x128xf32>
    %get3A_27 = arith.constant 0 : index
    %get3A_28 = arith.constant 0 : index
    %get3A_29 = vector.load %arg5[%get3A_27, %get3A_28] : memref<2000x1xf32, #tpu.memory_space<vmem>>, vector<2000x1xf32>
    %mul3A_30 = vector.broadcast %get3A_29 : vector<2000x1xf32> to vector<2000x128xf32>
    %mul3A_31 = arith.mulf %dot_general3A_26, %mul3A_30 : vector<2000x128xf32>
    %slice3A = vector.extract_strided_slice %mul3A_31 {offsets = [0, 0], sizes = [2000, 64], strides = [1, 1]} : vector<2000x128xf32> to vector<2000x64xf32>
    %swap3A = arith.constant 0 : index
    %swap3A_32 = arith.constant 0 : index
    %swap3A_33 = vector.load %arg8[%swap3A, %swap3A_32] : memref<2000x64xf32, #tpu.memory_space<vmem>>, vector<2000x64xf32>
    tpu.vector_store %arg8[%swap3A, %swap3A_32], %slice3A {strides = array<i32>} : memref<2000x64xf32, #tpu.memory_space<vmem>>, vector<2000x64xf32>,
    %slice3A_34 = vector.extract_strided_slice %mul3A_31 {offsets = [0, 64], sizes = [2000, 64], strides = [1, 1]} : vector<2000x128xf32> to vector<2000x64xf32>
    %swap3A_35 = arith.constant 0 : index
    %swap3A_36 = arith.constant 0 : index
    %swap3A_37 = vector.load %arg9[%swap3A_35, %swap3A_36] : memref<2000x64xf32, #tpu.memory_space<vmem>>, vector<2000x64xf32>
    tpu.vector_store %arg9[%swap3A_35, %swap3A_36], %slice3A_34 {strides = array<i32>} : memref<2000x64xf32, #tpu.memory_space<vmem>>, vector<2000x64xf32>,
    return
  }
  func.func @transform_0(%arg0: i32) -> (i32, i32) {
    %c0_i32 = arith.constant 0 : i32
    %c0_i32_0 = arith.constant 0 : i32
    return %arg0, %c0_i32 : i32, i32
  }
  func.func @transform_1(%arg0: i32) -> (i32, i32) {
    %c0_i32 = arith.constant 0 : i32
    %c0_i32_0 = arith.constant 0 : i32
    return %arg0, %c0_i32 : i32, i32
  }
  func.func @transform_2(%arg0: i32) -> (i32, i32) {
    %c0_i32 = arith.constant 0 : i32
    %c0_i32_0 = arith.constant 0 : i32
    return %arg0, %c0_i32 : i32, i32
  }
  func.func @transform_3(%arg0: i32) -> (i32, i32) {
    %c0_i32 = arith.constant 0 : i32
    %c0_i32_0 = arith.constant 0 : i32
    return %arg0, %c0_i32 : i32, i32
  }
  func.func @transform_4(%arg0: i32) -> (i32, i32) {
    %c0_i32 = arith.constant 0 : i32
    %c0_i32_0 = arith.constant 0 : i32
    return %arg0, %c0_i32 : i32, i32
  }
  func.func @transform_5(%arg0: i32) -> (i32, i32) {
    %c0_i32 = arith.constant 0 : i32
    %c0_i32_0 = arith.constant 0 : i32
    %c0_i32_1 = arith.constant 0 : i32
    return %c0_i32, %c0_i32_0 : i32, i32
  }
  func.func @transform_6(%arg0: i32) -> (i32, i32) {
    %c0_i32 = arith.constant 0 : i32
    %c0_i32_0 = arith.constant 0 : i32
    %c0_i32_1 = arith.constant 0 : i32
    return %c0_i32, %c0_i32_0 : i32, i32
  }
  func.func @transform_7(%arg0: i32) -> (i32, i32) {
    %c0_i32 = arith.constant 0 : i32
    %c0_i32_0 = arith.constant 0 : i32
    return %arg0, %c0_i32 : i32, i32
  }
  func.func @transform_8(%arg0: i32) -> (i32, i32) {
    %c0_i32 = arith.constant 0 : i32
    %c0_i32_0 = arith.constant 0 : i32
    return %arg0, %c0_i32 : i32, i32
  }
}

module attributes {stable_mosaic.version = 14 : i64} {
  func.func @_final_body(%arg0: i32, %arg1: memref<2000x64xf32, #tpu.memory_space<vmem>>, %arg2: memref<2000x64xf32, #tpu.memory_space<vmem>>, %arg3: memref<2000x64xf32, #tpu.memory_space<vmem>>, %arg4: memref<2000x64xf32, #tpu.memory_space<vmem>>, %arg5: memref<2000x1xf32, #tpu.memory_space<vmem>>, %arg6: memref<1x128xf32, #tpu.memory_space<vmem>>, %arg7: memref<2000x128xf32, #tpu.memory_space<vmem>>) attributes {dimension_semantics = [#tpu.dimension_semantics<arbitrary>], iteration_bounds = array<i64: 5>, scalar_prefetch = 0 : i64, scratch_operands = 0 : i64, tpu.core_type = #tpu.core_type<tc>, window_params = [{transform_indices = @transform_0, window_bounds = array<i64: 2000, 64>}, {transform_indices = @transform_1, window_bounds = array<i64: 2000, 64>}, {transform_indices = @transform_2, window_bounds = array<i64: 2000, 64>}, {transform_indices = @transform_3, window_bounds = array<i64: 2000, 64>}, {transform_indices = @transform_4, window_bounds = array<i64: 2000, 1>}, {pipeline_mode = #tpu.pipeline_mode<synchronous>, transform_indices = @transform_5, window_bounds = array<i64: 1, 128>}, {transform_indices = @transform_6, window_bounds = array<i64: 2000, 128>}]} {
    %get3A = arith.constant 0 : index
    %get3A_0 = arith.constant 0 : index
    %get3A_1 = vector.load %arg1[%get3A, %get3A_0] : memref<2000x64xf32, #tpu.memory_space<vmem>>, vector<2000x64xf32>
    %get3A_2 = arith.constant 0 : index
    %get3A_3 = arith.constant 0 : index
    %get3A_4 = vector.load %arg3[%get3A_2, %get3A_3] : memref<2000x64xf32, #tpu.memory_space<vmem>>, vector<2000x64xf32>
    %add3A = arith.addf %get3A_1, %get3A_4 : vector<2000x64xf32>
    %get3A_5 = arith.constant 0 : index
    %get3A_6 = arith.constant 0 : index
    %get3A_7 = vector.load %arg2[%get3A_5, %get3A_6] : memref<2000x64xf32, #tpu.memory_space<vmem>>, vector<2000x64xf32>
    %get3A_8 = arith.constant 0 : index
    %get3A_9 = arith.constant 0 : index
    %get3A_10 = vector.load %arg4[%get3A_8, %get3A_9] : memref<2000x64xf32, #tpu.memory_space<vmem>>, vector<2000x64xf32>
    %add3A_11 = arith.addf %get3A_7, %get3A_10 : vector<2000x64xf32>
    %concatenate3A = tpu.concatenate %add3A, %add3A_11 in 1 : vector<2000x64xf32>, vector<2000x64xf32> -> vector<2000x128xf32>
    %get3A_12 = arith.constant 0 : index
    %get3A_13 = arith.constant 0 : index
    %get3A_14 = vector.load %arg5[%get3A_12, %get3A_13] : memref<2000x1xf32, #tpu.memory_space<vmem>>, vector<2000x1xf32>
    %mul3A = vector.broadcast %get3A_14 : vector<2000x1xf32> to vector<2000x128xf32>
    %mul3A_15 = arith.mulf %concatenate3A, %mul3A : vector<2000x128xf32>
    %get3A_16 = arith.constant 0 : index
    %get3A_17 = arith.constant 0 : index
    %get3A_18 = vector.load %arg6[%get3A_16, %get3A_17] : memref<1x128xf32, #tpu.memory_space<vmem>>, vector<1x128xf32>
    %add3A_19 = vector.broadcast %get3A_18 : vector<1x128xf32> to vector<2000x128xf32>
    %add3A_20 = arith.addf %mul3A_15, %add3A_19 : vector<2000x128xf32>
    %reduce_max3A = arith.constant dense<0xFF800000> : vector<2000xf32>
    %reduce_max3A_21 = vector.multi_reduction <maximumf>, %add3A_20, %reduce_max3A [1] : vector<2000x128xf32> to vector<2000xf32>
    %broadcast_in_dim3A = vector.shape_cast %reduce_max3A_21 : vector<2000xf32> to vector<2000x1xf32>
    %sub3A = vector.broadcast %broadcast_in_dim3A : vector<2000x1xf32> to vector<2000x128xf32>
    %sub3A_22 = arith.subf %add3A_20, %sub3A : vector<2000x128xf32>
    %exp3A = math.exp %sub3A_22 : vector<2000x128xf32>
    %reduce_sum3A = arith.constant dense<0.000000e+00> : vector<2000xf32>
    %reduce_sum3A_23 = vector.multi_reduction <add>, %exp3A, %reduce_sum3A [1] : vector<2000x128xf32> to vector<2000xf32>
    %broadcast_in_dim3A_24 = vector.shape_cast %reduce_sum3A_23 : vector<2000xf32> to vector<2000x1xf32>
    %log3A = math.log %broadcast_in_dim3A_24 : vector<2000x1xf32>
    %sub3A_25 = vector.broadcast %log3A : vector<2000x1xf32> to vector<2000x128xf32>
    %sub3A_26 = arith.subf %sub3A_22, %sub3A_25 : vector<2000x128xf32>
    %swap3A = arith.constant 0 : index
    %swap3A_27 = arith.constant 0 : index
    %swap3A_28 = vector.load %arg7[%swap3A, %swap3A_27] : memref<2000x128xf32, #tpu.memory_space<vmem>>, vector<2000x128xf32>
    tpu.vector_store %arg7[%swap3A, %swap3A_27], %sub3A_26 {strides = array<i32>} : memref<2000x128xf32, #tpu.memory_space<vmem>>, vector<2000x128xf32>,
    return
  }
  func.func @transform_0(%arg0: i32) -> (i32, i32) {
    %c0_i32 = arith.constant 0 : i32
    %c0_i32_0 = arith.constant 0 : i32
    return %arg0, %c0_i32 : i32, i32
  }
  func.func @transform_1(%arg0: i32) -> (i32, i32) {
    %c0_i32 = arith.constant 0 : i32
    %c0_i32_0 = arith.constant 0 : i32
    return %arg0, %c0_i32 : i32, i32
  }
  func.func @transform_2(%arg0: i32) -> (i32, i32) {
    %c0_i32 = arith.constant 0 : i32
    %c0_i32_0 = arith.constant 0 : i32
    return %arg0, %c0_i32 : i32, i32
  }
  func.func @transform_3(%arg0: i32) -> (i32, i32) {
    %c0_i32 = arith.constant 0 : i32
    %c0_i32_0 = arith.constant 0 : i32
    return %arg0, %c0_i32 : i32, i32
  }
  func.func @transform_4(%arg0: i32) -> (i32, i32) {
    %c0_i32 = arith.constant 0 : i32
    %c0_i32_0 = arith.constant 0 : i32
    return %arg0, %c0_i32 : i32, i32
  }
  func.func @transform_5(%arg0: i32) -> (i32, i32) {
    %c0_i32 = arith.constant 0 : i32
    %c0_i32_0 = arith.constant 0 : i32
    %c0_i32_1 = arith.constant 0 : i32
    return %c0_i32, %c0_i32_0 : i32, i32
  }
  func.func @transform_6(%arg0: i32) -> (i32, i32) {
    %c0_i32 = arith.constant 0 : i32
    %c0_i32_0 = arith.constant 0 : i32
    return %arg0, %c0_i32 : i32, i32
  }
}

</mosaic_0001>

<sc_bundles>
// kernel: kernel.12.cloned.1.call-start
scs
__scs_entry_jumppad:
0x0: {  	(pc) =	sbr.rel $0x88, $3  }
0x1: {  	(tag) =	ssettag $0x0;
	lr =	simm.s32 $0x1  }
0x2: {  	[smem:$0x3F9B] =	sst lr;
	_ =	strace $0xD0000000  }
0x3: {  	_ = 	snop  }
0x4: {  	_ = 	snop  }
0x5: {  	_ = 	snop  }
0x6: {  	_ = 	snop  }
0x7: {  	_ = 	snop  }
__scs_overlays_trampoline_lowered:
0x8: {  	[smem:$0x3FAA] =	sst s0  }
0x9: {  	[smem:$0x3FAB] =	sst s1  }
0xa: {  	[smem:$0x3FAC] =	sst s2  }
0xb: {  	[smem:$0x3FAD] =	sst s3  }
0xc: {  	[smem:$0x3FAE] =	sst s4  }
0xd: {  	[smem:$0x3FAF] =	sst s5  }
0xe: {  	[smem:$0x3FB0] =	sst s6  }
0xf: {  	[smem:$0x3FB1] =	sst s7  }
0x10: {  	[smem:$0x3FB2] =	sst s8  }
0x11: {  	[smem:$0x3FB3] =	sst s9;
	s0 =	simm.s32 @!p0 $0x0  }
0x12: {  	s1 =	sld [smem:$0x3F99];
	s0 =	simm.s32 @p0 $0x1  }
0x13: {  	[smem:$0x3FB4] =	sst s0;
	s0 =	simm.s32 @!p1 $0x0  }
0x14: {  	s2 =	sld [smem:$0x3F98];
	s0 =	simm.s32 @p1 $0x1  }
0x15: {  	[smem:$0x3FB5] =	sst s0;
	s0 =	simm.s32 @!p2 $0x0  }
0x16: {  	s3 =	sld [smem:$0x3FDB];
	s0 =	simm.s32 @p2 $0x1  }
0x17: {  	s4 =	simm.s32 $0x1BF5;
	[smem:$0x3FB7] =	sst s0  }
0x18: {  	s0 =	sld [smem:$0x3F9A];
	_ =	swait.ge [sflag:s4], $0x0  }
0x19: {  	s7 =	sld [smem:$0x3F9B]  }
0x1a: {  	s8 =	sadd.s32 $0xFFFFE003, lr  }
0x1b: {  	s9 =	sadd.s32 $0xFFFFFEF7, lr;
	s5 =	simm.s32 $0xFFFFFFFF;
	p2 =	slt.u32 s8, $0xFFFFF086  }
0x1c: {  	p1 =	slt.u32 s9, $0xF7A;
	s5 =	simm.s32 @!p2 $0x0  }
0x1d: {  	s5 =	simm.s32 @p1 $0x1;
	p0 =	seq.s32 s7, s2  }
0x1e: {  	s7 =	smul.u32 @!p0 $0xF7A, s2;
	p2 =	seq.s32 @!p0 s5, $0x0  }
0x1f: {  	s9 =	smul.u32 $0xF7A, s1;
	s8 =	simm.s32 @!p0 $0x1BF5;
	p2 =	por !p2, p0  }
0x20: {  	[sflag:s8] =	ssyncset.s32 @!p0 $0xFFFFF086;
	s6 =	sadd.s32 @!p0 s3, s7;
	s7 =	simm.s32 @!p0 $0x108  }
0x21: {  	s3 =	sadd.s32 s3, s9;
	s6 =	sadd.s32 @!p0 $0x88, s6;
	s7 =	simm.s32 @p2 $0x1082  }
0x22: {  	[simem:s7], [sflag:s8] =	dma.local @!p0 [hbm:s6], $0xF7A  }
0x23: {  	s9 =	sor.u32 $0xD0000000, s2;
	s6 =	simm.s32 $0x108;
	_ =	swait.ge @!p0 [sflag:s8], $0x0  }
0x24: {  	s3 =	sadd.s32 $0x88, s3;
	s6 =	simm.s32 @!p1 $0x1082;
	[sflag:s4] =	ssyncset.s32 $0xFFFFF086  }
0x25: {  	[simem:s6], [sflag:s4] =	dma.local [hbm:s3], $0xF7A  }
0x26: {  	[smem:$0x3F9B] =	sst s1;
	(tag) =	ssettag s2;
	_ =	strace s9  }
0x27: {  	s1 =	sld [smem:$0x3FAB]  }
0x28: {  	s2 =	sld [smem:$0x3FAC]  }
0x29: {  	s4 =	sld [smem:$0x3FAE]  }
0x2a: {  	p0 =	seq.s32 s5, $0x0;
	s5 =	sld [smem:$0x3FAF]  }
0x2b: {  	s6 =	sld [smem:$0x3FB0]  }
0x2c: {  	s7 =	sld [smem:$0x3FB1]  }
0x2d: {  	s3 =	simm.s32 $0x108;
	s8 =	sld [smem:$0x3FB2]  }
0x2e: {  	s3 =	simm.s32 @!p0 $0x1082;
	s9 =	sld [smem:$0x3FB3]  }
0x2f: {  	lr =	sadd.s32 s0, s3;
	s0 =	sld [smem:$0x3FAA]  }
0x30: {  	s3 =	sld [smem:$0x3FAD]  }
0x31: {  	[smem:$0x3FB6] =	sst s10  }
0x32: {  	s10 =	sld [smem:$0x3FB4];
	_ =	sdelay $0x3  }
0x33: {  	p0 =	seq.s32 s10, $0x1;
	s10 =	sld [smem:$0x3FB6];
	_ =	sdelay $0x3  }
0x34: {  	[smem:$0x3FB6] =	sst s10  }
0x35: {  	s10 =	sld [smem:$0x3FB5];
	_ =	sdelay $0x3  }
0x36: {  	p1 =	seq.s32 s10, $0x1;
	s10 =	sld [smem:$0x3FB6];
	_ =	sdelay $0x3  }
0x37: {  	[smem:$0x3FB6] =	sst s10  }
0x38: {  	s10 =	sld [smem:$0x3FB7]  }
0x39: {  	_ = 	snop;
	(pc) =	sbr.ind lr, $3  }
0x3a: {  	_ = 	snop  }
0x3b: {  	_ = 	snop  }
0x3c: {  	p2 =	seq.s32 s10, $0x1;
	s10 =	sld [smem:$0x3FB6]  }
0x3d: {  	_ =	shalt  }
0x3e: {  	_ =	shalt  }
0x3f: {  	_ =	shalt  }
0x40: {  	_ =	shalt  }
0x41: {  	_ =	shalt  }
0x42: {  	_ =	shalt  }
0x43: {  	_ =	shalt  }
0x44: {  	_ =	shalt  }
0x45: {  	_ =	shalt  }
0x46: {  	_ =	shalt  }
0x47: {  	_ =	shalt  }
0x48: {  	_ =	shalt  }
0x49: {  	_ =	shalt  }
0x4a: {  	_ =	shalt  }
0x4b: {  	_ =	shalt  }
0x4c: {  	_ =	shalt  }
0x4d: {  	_ =	shalt  }
0x4e: {  	_ =	shalt  }
0x4f: {  	_ =	shalt  }
0x50: {  	_ =	shalt  }
0x51: {  	_ =	shalt  }
0x52: {  	_ =	shalt  }
0x53: {  	_ =	shalt  }
0x54: {  	_ =	shalt  }
0x55: {  	_ =	shalt  }
0x56: {  	_ =	shalt  }
0x57: {  	_ =	shalt  }
0x58: {  	_ =	shalt  }
0x59: {  	_ =	shalt  }
0x5a: {  	_ =	shalt  }
0x5b: {  	_ =	shalt  }
0x5c: {  	_ =	shalt  }
0x5d: {  	_ =	shalt  }
0x5e: {  	_ =	shalt  }
0x5f: {  	_ =	shalt  }
0x60: {  	_ =	shalt  }
0x61: {  	_ =	shalt  }
0x62: {  	_ =	shalt  }
0x63: {  	_ =	shalt  }
0x64: {  	_ =	shalt  }
0x65: {  	_ =	shalt  }
0x66: {  	_ =	shalt  }
0x67: {  	_ =	shalt  }
0x68: {  	_ =	shalt  }
0x69: {  	_ =	shalt  }
0x6a: {  	_ =	shalt  }
0x6b: {  	_ =	shalt  }
0x6c: {  	_ =	shalt  }
0x6d: {  	_ =	shalt  }
0x6e: {  	_ =	shalt  }
0x6f: {  	_ =	shalt  }
0x70: {  	_ =	shalt  }
0x71: {  	_ =	shalt  }
0x72: {  	_ =	shalt  }
0x73: {  	_ =	shalt  }
0x74: {  	_ =	shalt  }
0x75: {  	_ =	shalt  }
0x76: {  	_ =	shalt  }
0x77: {  	_ =	shalt  }
0x78: {  	_ =	shalt  }
0x79: {  	_ =	shalt  }
0x7a: {  	_ =	shalt  }
0x7b: {  	_ =	shalt  }
0x7c: {  	_ =	shalt  }
0x7d: {  	_ =	shalt  }
0x7e: {  	_ =	shalt  }
0x7f: {  	_ =	shalt  }
0x80: {  	_ =	shalt  }
0x81: {  	_ =	shalt  }
0x82: {  	_ =	shalt  }
0x83: {  	_ =	shalt  }
0x84: {  	_ =	shalt  }
0x85: {  	_ =	shalt  }
0x86: {  	_ =	shalt  }
0x87: {  	_ =	shalt  }
.Lfunc_end0:
.L_simem_size_0:
called_computation.1_lowered:
.L_overlay_start_0:
0x88: {  	s2 =	sld [smem:$0x3FD9]  }
0x89: {  	s3 =	sld [smem:$0x3FFE];
	_ =	sdelay $0x1  }
0x8a: {  	s1 =	srdreg.scid  }
0x8b: {  	s0 =	sand.u32 $0x1, s1  }
0x8c: {  	s16 =	sshll.u32 s0, $0xA;
	s2 =	sadd.s32 s3, s2  }
0x8d: {  	s2 =	sadd.s32 s2, s16  }
0x8e: {  	[smem:$0x3FC2] =	sst s2  }
0x8f: {  	_ = 	snop  }
0x90: {  	(tm) =	ssettm $0x1  }
0x91: {  	s17 =	sld [smem:$0x3FFB];
	_ =	sdelay $0x3  }
0x92: {  	_ =	strace s17  }
0x93: {  	s2 =	sld [smem:$0x3FFC];
	_ =	sdelay $0x3  }
0x94: {  	_ =	strace s2  }
0x95: {  	s2 =	sld [smem:$0x3FFD];
	_ =	sdelay $0x3  }
0x96: {  	_ =	strace s2  }
0x97: {  	_ =	strace $0x8FFFFFFF  }
0x98: {  	s18 =	sld [smem:$0x3FDB];
	_ =	sdelay $0x1  }
0x99: {  	s19 =	simm.s32 $_scs_section_size  }
0x9a: {  	s4 =	simm.s32 $_size__tile_overlayer_lowered;
	s5 =	simm.s32 $_tile_overlayer_lowered  }
0x9b: {  	s22 =	simm.s32 $0x1BFF;
	s21 =	sshll.u32 s5, $0x1;
	s2 =	sadd.s32 s19, s18  }
0x9c: {  	s6 =	simm.s32 $0x0;
	s20 =	sshll.u32 s4, $0x1;
	s4 =	sadd.s32 s21, s2  }
0x9d: {  	[timem:s6], [sflag:s22] =	dma.local [hbm:s4], s20  }
0x9e: {  	_ =	swait.ge [sflag:s22], s20  }
0x9f: {  	s3 =	ssub.s32 $0x0, s20;
	[sflag:s22] =	ssyncset.done $0x0  }
0xa0: {  	[sflag:s22] =	ssyncadd.s32 s3;
	_ =	sdelay $0x1  }
0xa1: {  	s23 =	simm.s32 $0x1B8B  }
0xa2: {  	_ =	swait.ge [sflag:s23], $0x1  }
0xa3: {  	[sflag:s23] =	ssyncset.done $0x0  }
0xa4: {  	s25 =	simm.s32 $0x1B8E;
	s24 =	sld [smem:$0x3FFE];
	[sflag:s23] =	ssyncadd.s32 $0xFFFFFFFF  }
0xa5: {  	s26 =	simm.s32 $execute0_lowered;
	[smem:$0x3FD2] =	sst s25  }
0xa6: {  	s4 =	sshll.u32 s26, $0x1;
	_ =	strace $0x80000049;
	[dreg:$0x1] =	wrdreg $0xFFFFFFFF  }
0xa7: {  	s28 =	simm.s32 $_size_execute0_lowered;
	s2 =	sadd.s32 s2, s4;
	[dreg:$0x0] =	wrdreg $0x0  }
0xa8: {  	s4 =	sshll.u32 s28, $0x1;
	[dreg:$0x2] =	wrdreg s2  }
0xa9: {  	[dreg:$0x3] =	wrdreg s4  }
0xaa: {  	[dreg:$0x4] =	wrdreg $0xC0  }
0xab: {  	_ =	task [dreg:s6], $0x5FFFF  }
0xac: {  	[dreg:$0x1] =	wrdreg $0xFFFFFFFF  }
0xad: {  	[dreg:$0x0] =	wrdreg $0x60  }
0xae: {  	[dreg:$0x2] =	wrdreg s24  }
0xaf: {  	[dreg:$0x3] =	wrdreg $0x0  }
0xb0: {  	[dreg:$0x4] =	wrdreg $0x9  }
0xb1: {  	_ =	task.clear_ibuf [dreg:s6], $0x5FFFF;
	_ =	strace $0x90000049  }
0xb2: {  	s29 =	simm.s32 $0x9;
	_ =	strace $0x8000004B  }
0xb3: {  	_ =	swait.ge [sflag:s29], $0x1  }
0xb4: {  	[sflag:s29] =	ssyncadd.s32 $0xFFFFFFFF  }
0xb5: {  	_ =	strace $0x9000004B  }
0xb6: {  	_ =	sfence  }
0xb7: {  	s30 =	sld [smem:$0x0];
	_ =	sdelay $0x2  }
0xb8: {  	s31 =	sshll.u32 s1, $0xD;
	s1 =	sshrl.u32 s1, $0x2  }
0xb9: {  	s3 =	sand.u32 $0x4000, s31;
	s1 =	sadd.s32 s1, s30  }
0xba: {  	s0 =	sor.u32 s3, s0;
	s1 =	sshll.u32 s1, $0x11  }
0xbb: {  	s0 =	sor.u32 s1, s0  }
0xbc: {  	s0 =	sadd.s32 $0x8F2B, s0  }
0xbd: {  	[sflag:s0] =	ssyncadd.remote.s32 $0x1  }
0xbe: {  	_ =	sfence.sel $0xFFFF  }
0xbf: {  	[dreg:$0x0] =	wrdreg $0xFFFFFFFF;
	(pc) =	sbr.abs _section_cstart, $3  }
0xc0: {  	[dreg:$0x1] =	wrdreg $0xFFFFFFFF  }
0xc1: {  	_ =	task.clear_ibuf [dreg:s6], $0x2FFFF;
	_ =	strace $0x9FFFFFFF  }
0xc2: {  	(tm) =	ssettm $0x7FFFFFFF  }
0xc3: {  	_ =	shalt  }
tec
execute0_lowered:
.L_overlay_start_1:
0x0: {  	(tag) =	ssettag $0x1  }
0x1: {  	s6 =	rddreg [dreg:$0x0]  }
0x2: {  	s2 =	rddreg [dreg:$0x1]  }
0x3: {  	s1 =	stileid.u32;
	s4 =	srdreg.scid  }
0x4: {  	s3 =	simm.s32 $0x0;
	s16 =	simm.s32 $0x3;
	s17 =	simm.s32 $0xA000  }
0x5: {  	s18 =	simm.s32 $0xEE80;
	s19 =	simm.s32 $0x80;
	s20 =	simm.s32 $0x1  }
0x6: {  	s21 =	simm.s32 $0x13C80;
	s22 =	simm.s32 $0x4;
	s7 =	smul.u32 $0xA000, s1  }
0x7: {  	s23 =	simm.s32 $0x0;
	s13 =	sand.u32 $0x1, s4;
	s9 =	smul.u32 $0x9D0, s1  }
0x8: {  	[smem:$0x7FF] =	sst s3;
	s4 =	sadd.s32 $0x2800, s6;
	s10 =	smul.u32 $0x28000, s1  }
0x9: {  	s5 =	sadd.s32 $0x16200, s6;
	s8 =	smul.u32 $0xA0000, s13;
	_ =	strace $0x8000004A  }
0xa: {  	s29 =	ssub.s32 $0x2, s13;
	p0 =	seq.s32 s13, $0x1;
	s12 =	sadd.s32 s9, s6  }
0xb: {  	s30 =	sshrl.u32 s29, $0x1;
	s31 =	sshrl.u32 s10, $0x2;
	s8 =	sadd.s32 s7, s8  }
.Ltmp0:
0xc: {  	s15 =	ssub.s32 s29, s30;
	s10 =	sadd.s32 s31, s2;
	(pc) =	sbr.rel .LBB2_1-.Ltmp0, $4  }
0xd: {  	s11 =	sadd.s32 $0x5C600, s12;
	s12 =	sadd.s32 $0x52800, s12;
	s8 =	sshrl.u32 s8, $0x3  }
0xe: {  	s9 =	sadd.s32 $0x6000, s10;
	s14 =	sadd.s32 s8, s6;
	s6 =	sadd.s32 s7, s2  }
0xf: {  	s7 =	sadd.s32 $0x2000, s10;
	s8 =	sadd.s32 $0x4000, s10;
	s10 =	sadd.s32 $0x8000, s10  }
0x10: {  	v0 =	vimm.f32 $0.0e+00;
	s13 =	sadd.s32 $0x29C00, s14;
	s14 =	smax.u32 s15, $0x1;
	s15 =	simm.s32 $0x13D00  }
.LBB2_6:
0x11: {  	p1 =	seq.s32 s29, $0x1;
	[sflag:s28] =	ssyncadd.s32 $0xFFFFE000  }
0x12: {  	s0 =	simm.s32 @p1 $0x80;
	s26 =	simm.s32 @p1 $0x13D00;
	s28 =	simm.s32 @p1 $0x2  }
0x13: {  	[tilespmem:s26], [sflag:$0x1] =	stream.indirect.gather @p1 [hbm4b:s4+s0], $0x40, s25, s0, $0xb8;
	[tilespmem:$0x17D00] =	vst v63  }
0x14: {  	_ =	swait.ge @p1 [sflag:s28], $0x2000  }
0x15: {  	[sflag:s28] =	ssyncset.done @p1 $0x0  }
0x16: {  	s26 =	simm.s32 @p1 $0x15D00;
	[sflag:s28] =	ssyncadd.s32 @p1 $0xFFFFE000  }
0x17: {  	[spmem:s2] =	stream.indirect.scatter.add.f32 @p1 [tilespmem:s26], [sflag:$0x3], $0x40, s24, s0, $0xb8;
	[tilespmem:$0x17D00] =	vst v63  }
0x18: {  	s28 =	simm.s32 @!p1 $0x1;
	s0 =	simm.s32 @!p1 $0x80;
	s26 =	simm.s32 @!p1 $0x15D00  }
0x19: {  	[tilespmem:s26], [sflag:$0x2] =	stream.indirect.gather @!p1 [hbm4b:s4+s0], $0x40, s25, s0, $0xb8;
	[tilespmem:$0x17D00] =	vst v63  }
0x1a: {  	_ =	swait.ge @!p1 [sflag:s28], $0x2000  }
0x1b: {  	s25 =	simm.s32 @!p1 $0x4;
	[sflag:s28] =	ssyncset.done @!p1 $0x0  }
0x1c: {  	s26 =	simm.s32 @!p1 $0x13D00;
	s25 =	simm.s32 @p1 $0x3;
	[sflag:s28] =	ssyncadd.s32 @!p1 $0xFFFFE000  }
0x1d: {  	[spmem:s2] =	stream.indirect.scatter.add.f32 @!p1 [tilespmem:s26], [sflag:$0x4], $0x40, s24, s0, $0xb8;
	[tilespmem:$0x17D00] =	vst v63  }
0x1e: {  	_ =	swait.ge [sflag:s25], $0x2000  }
0x1f: {  	[sflag:s25] =	ssyncset.done $0x0  }
0x20: {  	[sflag:s25] =	ssyncadd.s32 $0xFFFFE000  }
.LBB2_10:
0x21: {  	_ =	swait.ge [sflag:s20], $0x2000  }
0x22: {  	[sflag:s20] =	ssyncset.done $0x0  }
0x23: {  	[sflag:s20] =	ssyncadd.s32 $0xFFFFE000  }
0x24: {  	[spmem:s2] =	stream.indirect.scatter.add.f32 [tilespmem:s15], [sflag:$0x4], $0x40, s21, s19, $0xb8;
	[tilespmem:$0x17D00] =	vst v63  }
0x25: {  	_ =	swait.ge [sflag:s22], $0x2000  }
0x26: {  	s0 =	sshll.u32 s1, $0x6;
	s23 =	sadd.s32 $0x1, s23;
	[sflag:s22] =	ssyncset.done $0x0  }
0x27: {  	s24 =	sshrl.u32 s6, $0x3;
	p1 =	sne.s32 s23, s14;
	[sflag:s22] =	ssyncadd.s32 $0xFFFFE000  }
.Ltmp1:
0x28: {  	s0 =	sor.u32 $0x1C03, s0;
	[bflag:$0x0] =	sbarrier.arrive $0xFFFF;
	(pc) =	sbr.rel @!p1 .LBB2_11-.Ltmp1, $4  }
0x29: {  	[hbm:s13], [sflag:s0] =	dma.local [spmem:s24], $0x1400  }
0x2a: {  	_ =	swait.ge [sflag:s16], $0x1400  }
0x2b: {  	[sflag:s16] =	ssyncset.done $0x0  }
0x2c: {  	[sflag:s16] =	ssyncadd.s32 $0xFFFFEC00  }
.LBB2_1:
0x2d: {  	s25 =	simm.s32 $0x100;
	s24 =	simm.s32 $0x0  }
.LBB2_2:
0x2e: {  	p1 =	sne.s32 s25, $0x7F00;
	[tilespmem:s24+$0x13D30] =	vst v0;
	s26 =	smov.u32 s25;
	s25 =	sadd.s32 $0x100, s25  }
.Ltmp2:
0x2f: {  	[tilespmem:s24+$0x13D20] =	vst v0;
	(pc) =	sbr.rel @p1 .LBB2_2-.Ltmp2, $3  }
0x30: {  	[tilespmem:s24+$0x13D00] =	vst v0  }
0x31: {  	[tilespmem:s24+$0x13D10] =	vst v0;
	_ =	sdelay $0x1  }
0x32: {  	s24 =	sshra.s32 s26, $0x2  }
0x33: {  	[tilespmem:s24+$0x13D30] =	vst v0  }
0x34: {  	[tilespmem:s24+$0x13D20] =	vst v0  }
0x35: {  	[tilespmem:s24+$0x13D00] =	vst v0  }
0x36: {  	[tilespmem:s24+$0x13D10] =	vst v0  }
0x37: {  	[spmem:s6] =	stream.linear.scatter [tilespmem:s15], [sflag:$0x3], $0x2000, $0x38;
	[tilespmem:$0x17D00] =	vst v63  }
0x38: {  	_ =	swait.ge [sflag:s16], $0x2000  }
0x39: {  	[sflag:s16] =	ssyncset.done $0x0  }
0x3a: {  	[sflag:s16] =	ssyncadd.s32 $0xFFFFE000  }
0x3b: {  	[spmem:s7] =	stream.linear.scatter [tilespmem:s15], [sflag:$0x3], $0x2000, $0x38;
	[tilespmem:$0x17D00] =	vst v63  }
0x3c: {  	_ =	swait.ge [sflag:s16], $0x2000  }
0x3d: {  	[sflag:s16] =	ssyncset.done $0x0  }
0x3e: {  	[sflag:s16] =	ssyncadd.s32 $0xFFFFE000  }
0x3f: {  	[spmem:s8] =	stream.linear.scatter [tilespmem:s15], [sflag:$0x3], $0x2000, $0x38;
	[tilespmem:$0x17D00] =	vst v63  }
0x40: {  	_ =	swait.ge [sflag:s16], $0x2000  }
0x41: {  	[sflag:s16] =	ssyncset.done $0x0  }
0x42: {  	[sflag:s16] =	ssyncadd.s32 $0xFFFFE000  }
0x43: {  	[spmem:s9] =	stream.linear.scatter [tilespmem:s15], [sflag:$0x3], $0x2000, $0x38;
	[tilespmem:$0x17D00] =	vst v63  }
0x44: {  	_ =	swait.ge [sflag:s16], $0x2000  }
0x45: {  	[sflag:s16] =	ssyncset.done $0x0  }
0x46: {  	[sflag:s16] =	ssyncadd.s32 $0xFFFFE000  }
0x47: {  	[spmem:s10] =	stream.linear.scatter [tilespmem:s15], [sflag:$0x3], $0x2000, $0x38;
	[tilespmem:$0x17D00] =	vst v63  }
0x48: {  	_ =	swait.ge [sflag:s16], $0x2000  }
0x49: {  	[sflag:s16] =	ssyncset.done $0x0  }
0x4a: {  	[sflag:s16] =	ssyncadd.s32 $0xFFFFE000  }
0x4b: {  	[tilespmem:s17], [sflag:$0x3] =	stream.linear.gather [hbm4b:s11+s3], $0x4E80, $0x38;
	[tilespmem:$0x17D00] =	vst v63  }
0x4c: {  	_ =	swait.ge [sflag:s16], $0x4E80  }
0x4d: {  	[sflag:s16] =	ssyncset.done $0x0  }
0x4e: {  	[sflag:s16] =	ssyncadd.s32 $0xFFFFB180  }
0x4f: {  	[tilespmem:s18], [sflag:$0x3] =	stream.linear.gather [hbm4b:s12+s3], $0x4E80, $0x38;
	[tilespmem:$0x17D00] =	vst v63  }
.Ltmp3:
0x50: {  	_ =	swait.ge [sflag:s16], $0x4E80;
	(pc) =	sbr.rel @!p0 .LBB2_4-.Ltmp3, $3  }
0x51: {  	[sflag:s16] =	ssyncset.done $0x0  }
0x52: {  	[sflag:s16] =	ssyncadd.s32 $0xFFFFB180  }
0x53: {  	[bflag:$0x0] =	sbarrier.arrive $0xFFFF;
	_ =	sdelay $0x1  }
0x54: {  	[tilespmem:s15], [sflag:$0x1] =	stream.indirect.gather [hbm4b:s5+s19], $0x40, s17, s19, $0xb8;
	[tilespmem:$0x17D00] =	vst v63  }
0x55: {  	s0 =	simm.s32 $0x0  }
0x56: {  	s0 =	sand.u32 $0x1, s0  }
0x57: {  	s24 =	simm.s32 $0xA080;
	p1 =	seq.s32 s0, $0x1  }
0x58: {  	s0 =	simm.s32 @p1 $0x80;
	s25 =	simm.s32 @p1 $0x13D00;
	s26 =	simm.s32 @p1 $0x2  }
0x59: {  	[tilespmem:s25], [sflag:$0x1] =	stream.indirect.gather @p1 [hbm4b:s5+s0], $0x40, s24, s0, $0xb8;
	[tilespmem:$0x17D00] =	vst v63  }
0x5a: {  	_ =	swait.ge @p1 [sflag:s26], $0x2000  }
0x5b: {  	[sflag:s26] =	ssyncset.done @p1 $0x0  }
0x5c: {  	s25 =	simm.s32 $0xEE80;
	[sflag:s26] =	ssyncadd.s32 @p1 $0xFFFFE000;
	s26 =	simm.s32 @p1 $0x15D00  }
0x5d: {  	[spmem:s2] =	stream.indirect.scatter.add.f32 @p1 [tilespmem:s26], [sflag:$0x3], $0x40, s25, s0, $0xb8;
	[tilespmem:$0x17D00] =	vst v63  }
0x5e: {  	s29 =	simm.s32 @!p1 $0x1;
	s0 =	simm.s32 @!p1 $0x80;
	s26 =	simm.s32 @!p1 $0x15D00  }
0x5f: {  	[tilespmem:s26], [sflag:$0x2] =	stream.indirect.gather @!p1 [hbm4b:s5+s0], $0x40, s24, s0, $0xb8;
	[tilespmem:$0x17D00] =	vst v63  }
0x60: {  	_ =	swait.ge @!p1 [sflag:s29], $0x2000  }
0x61: {  	s31 =	simm.s32 $0x1;
	s28 =	simm.s32 @!p1 $0x4;
	[sflag:s29] =	ssyncset.done @!p1 $0x0  }
0x62: {  	s28 =	simm.s32 @p1 $0x3;
	s26 =	simm.s32 @!p1 $0x13D00;
	[sflag:s29] =	ssyncadd.s32 @!p1 $0xFFFFE000  }
0x63: {  	[spmem:s2] =	stream.indirect.scatter.add.f32 @!p1 [tilespmem:s26], [sflag:$0x4], $0x40, s25, s0, $0xb8;
	[tilespmem:$0x17D00] =	vst v63  }
0x64: {  	s24 =	simm.s32 $0xEF00;
	s29 =	sand.u32 $0x1, s31;
	_ =	swait.ge [sflag:s28], $0x2000  }
0x65: {  	s26 =	simm.s32 $0x2;
	s25 =	simm.s32 $0xA100;
	[sflag:s28] =	ssyncset.done $0x0  }
.LBB2_8:
0x66: {  	p1 =	seq.s32 s29, $0x1  }
0x67: {  	[sflag:s28] =	ssyncadd.s32 $0xFFFFE000;
	s0 =	smov.u32 s26;
	s26 =	sadd.s32 $0x1, s26  }
0x68: {  	s29 =	simm.s32 @p1 $0x80;
	s28 =	simm.s32 @p1 $0x13D00;
	s30 =	simm.s32 @p1 $0x2  }
0x69: {  	[tilespmem:s28], [sflag:$0x1] =	stream.indirect.gather @p1 [hbm4b:s5+s29], $0x40, s25, s29, $0xb8;
	[tilespmem:$0x17D00] =	vst v63  }
0x6a: {  	p2 =	sne.s32 s26, $0x9C;
	s28 =	simm.s32 @!p1 $0x4;
	_ =	swait.ge @p1 [sflag:s30], $0x2000  }
0x6b: {  	[sflag:s30] =	ssyncset.done @p1 $0x0  }
0x6c: {  	[sflag:s30] =	ssyncadd.s32 @p1 $0xFFFFE000;
	s30 =	simm.s32 @p1 $0x15D00  }
0x6d: {  	[spmem:s2] =	stream.indirect.scatter.add.f32 @p1 [tilespmem:s30], [sflag:$0x3], $0x40, s24, s29, $0xb8;
	[tilespmem:$0x17D00] =	vst v63  }
0x6e: {  	s31 =	simm.s32 @!p1 $0x1;
	s29 =	simm.s32 @!p1 $0x80;
	s30 =	simm.s32 @!p1 $0x15D00  }
0x6f: {  	[tilespmem:s30], [sflag:$0x2] =	stream.indirect.gather @!p1 [hbm4b:s5+s29], $0x40, s25, s29, $0xb8;
	[tilespmem:$0x17D00] =	vst v63  }
0x70: {  	_ =	swait.ge @!p1 [sflag:s31], $0x2000  }
.Ltmp4:
0x71: {  	[sflag:s31] =	ssyncset.done @!p1 $0x0;
	(pc) =	sbr.rel @p2 .LBB2_8-.Ltmp4, $4  }
0x72: {  	s28 =	simm.s32 @p1 $0x3;
	s30 =	simm.s32 @!p1 $0x13D00;
	[sflag:s31] =	ssyncadd.s32 @!p1 $0xFFFFE000  }
0x73: {  	[spmem:s2] =	stream.indirect.scatter.add.f32 @!p1 [tilespmem:s30], [sflag:$0x4], $0x40, s24, s29, $0xb8;
	[tilespmem:$0x17D00] =	vst v63  }
0x74: {  	s25 =	sadd.s32 $0x80, s25;
	_ =	swait.ge [sflag:s28], $0x2000  }
0x75: {  	s29 =	sand.u32 $0x1, s0;
	s24 =	sadd.s32 $0x80, s24;
	[sflag:s28] =	ssyncset.done $0x0  }
0x76: {  	p1 =	seq.s32 s29, $0x1;
	[sflag:s28] =	ssyncadd.s32 $0xFFFFE000  }
0x77: {  	s0 =	simm.s32 @p1 $0x80;
	s26 =	simm.s32 @p1 $0x13D00;
	s28 =	simm.s32 @p1 $0x2  }
0x78: {  	[tilespmem:s26], [sflag:$0x1] =	stream.indirect.gather @p1 [hbm4b:s5+s0], $0x40, s25, s0, $0xb8;
	[tilespmem:$0x17D00] =	vst v63  }
0x79: {  	_ =	swait.ge @p1 [sflag:s28], $0x2000  }
0x7a: {  	[sflag:s28] =	ssyncset.done @p1 $0x0  }
0x7b: {  	s26 =	simm.s32 @p1 $0x15D00;
	[sflag:s28] =	ssyncadd.s32 @p1 $0xFFFFE000  }
0x7c: {  	[spmem:s2] =	stream.indirect.scatter.add.f32 @p1 [tilespmem:s26], [sflag:$0x3], $0x40, s24, s0, $0xb8;
	[tilespmem:$0x17D00] =	vst v63  }
0x7d: {  	s28 =	simm.s32 @!p1 $0x1;
	s0 =	simm.s32 @!p1 $0x80;
	s26 =	simm.s32 @!p1 $0x15D00  }
0x7e: {  	[tilespmem:s26], [sflag:$0x2] =	stream.indirect.gather @!p1 [hbm4b:s5+s0], $0x40, s25, s0, $0xb8;
	[tilespmem:$0x17D00] =	vst v63  }
0x7f: {  	_ =	swait.ge @!p1 [sflag:s28], $0x2000  }
0x80: {  	s25 =	simm.s32 @!p1 $0x4;
	s26 =	simm.s32 @!p1 $0x13D00;
	[sflag:s28] =	ssyncset.done @!p1 $0x0  }
.Ltmp5:
0x81: {  	s25 =	simm.s32 @p1 $0x3;
	[sflag:s28] =	ssyncadd.s32 @!p1 $0xFFFFE000;
	(pc) =	sbr.rel .LBB2_10-.Ltmp5, $4  }
0x82: {  	[spmem:s2] =	stream.indirect.scatter.add.f32 @!p1 [tilespmem:s26], [sflag:$0x4], $0x40, s24, s0, $0xb8;
	[tilespmem:$0x17D00] =	vst v63  }
0x83: {  	_ =	swait.ge [sflag:s25], $0x2000  }
0x84: {  	[sflag:s25] =	ssyncset.done $0x0  }
0x85: {  	[sflag:s25] =	ssyncadd.s32 $0xFFFFE000  }
.LBB2_4:
0x86: {  	[tilespmem:s15], [sflag:$0x1] =	stream.indirect.gather [hbm4b:s4+s19], $0x40, s17, s19, $0xb8;
	[tilespmem:$0x17D00] =	vst v63  }
0x87: {  	s24 =	simm.s32 $0x0  }
0x88: {  	s24 =	sand.u32 $0x1, s24  }
0x89: {  	s25 =	simm.s32 $0xA080;
	p1 =	seq.s32 s24, $0x1  }
0x8a: {  	s24 =	simm.s32 @p1 $0x80;
	s26 =	simm.s32 @p1 $0x13D00;
	s28 =	simm.s32 @p1 $0x2  }
0x8b: {  	[tilespmem:s26], [sflag:$0x1] =	stream.indirect.gather @p1 [hbm4b:s4+s24], $0x40, s25, s24, $0xb8;
	[tilespmem:$0x17D00] =	vst v63  }
0x8c: {  	_ =	swait.ge @p1 [sflag:s28], $0x2000  }
0x8d: {  	[sflag:s28] =	ssyncset.done @p1 $0x0  }
0x8e: {  	s26 =	simm.s32 $0xEE80;
	[sflag:s28] =	ssyncadd.s32 @p1 $0xFFFFE000;
	s28 =	simm.s32 @p1 $0x15D00  }
0x8f: {  	[spmem:s2] =	stream.indirect.scatter.add.f32 @p1 [tilespmem:s28], [sflag:$0x3], $0x40, s26, s24, $0xb8;
	[tilespmem:$0x17D00] =	vst v63  }
0x90: {  	s29 =	simm.s32 @!p1 $0x1;
	s24 =	simm.s32 @!p1 $0x80;
	s28 =	simm.s32 @!p1 $0x15D00  }
0x91: {  	[tilespmem:s28], [sflag:$0x2] =	stream.indirect.gather @!p1 [hbm4b:s4+s24], $0x40, s25, s24, $0xb8;
	[tilespmem:$0x17D00] =	vst v63  }
0x92: {  	_ =	swait.ge @!p1 [sflag:s29], $0x2000  }
0x93: {  	s30 =	simm.s32 $0x1;
	s28 =	simm.s32 @!p1 $0x4;
	[sflag:s29] =	ssyncset.done @!p1 $0x0  }
0x94: {  	s25 =	simm.s32 @!p1 $0x13D00;
	s28 =	simm.s32 @p1 $0x3;
	[sflag:s29] =	ssyncadd.s32 @!p1 $0xFFFFE000  }
0x95: {  	[spmem:s2] =	stream.indirect.scatter.add.f32 @!p1 [tilespmem:s25], [sflag:$0x4], $0x40, s26, s24, $0xb8;
	[tilespmem:$0x17D00] =	vst v63  }
0x96: {  	s29 =	sand.u32 $0x1, s30;
	s26 =	simm.s32 $0x2;
	_ =	swait.ge [sflag:s28], $0x2000  }
0x97: {  	s25 =	simm.s32 $0xA100;
	s24 =	simm.s32 $0xEF00;
	[sflag:s28] =	ssyncset.done $0x0  }
.LBB2_5:
0x98: {  	p1 =	seq.s32 s29, $0x1  }
0x99: {  	[sflag:s28] =	ssyncadd.s32 $0xFFFFE000;
	s29 =	smov.u32 s26;
	s26 =	sadd.s32 $0x1, s26  }
0x9a: {  	s30 =	simm.s32 @p1 $0x80;
	s28 =	simm.s32 @p1 $0x13D00;
	s31 =	simm.s32 @p1 $0x2  }
0x9b: {  	[tilespmem:s28], [sflag:$0x1] =	stream.indirect.gather @p1 [hbm4b:s4+s30], $0x40, s25, s30, $0xb8;
	[tilespmem:$0x17D00] =	vst v63  }
0x9c: {  	p2 =	seq.s32 s26, $0x9C;
	s28 =	simm.s32 @!p1 $0x4;
	_ =	swait.ge @p1 [sflag:s31], $0x2000  }
0x9d: {  	[sflag:s31] =	ssyncset.done @p1 $0x0  }
0x9e: {  	[sflag:s31] =	ssyncadd.s32 @p1 $0xFFFFE000;
	s31 =	simm.s32 @p1 $0x15D00  }
0x9f: {  	[spmem:s2] =	stream.indirect.scatter.add.f32 @p1 [tilespmem:s31], [sflag:$0x3], $0x40, s24, s30, $0xb8;
	[tilespmem:$0x17D00] =	vst v63  }
0xa0: {  	s0 =	simm.s32 @!p1 $0x1;
	s30 =	simm.s32 @!p1 $0x80;
	s31 =	simm.s32 @!p1 $0x15D00  }
0xa1: {  	[tilespmem:s31], [sflag:$0x2] =	stream.indirect.gather @!p1 [hbm4b:s4+s30], $0x40, s25, s30, $0xb8;
	[tilespmem:$0x17D00] =	vst v63  }
0xa2: {  	_ =	swait.ge @!p1 [sflag:s0], $0x2000  }
.Ltmp6:
0xa3: {  	[sflag:s0] =	ssyncset.done @!p1 $0x0;
	(pc) =	sbr.rel @!p2 .LBB2_5-.Ltmp6, $4  }
0xa4: {  	s28 =	simm.s32 @p1 $0x3;
	[sflag:s0] =	ssyncadd.s32 @!p1 $0xFFFFE000;
	s0 =	simm.s32 @!p1 $0x13D00  }
0xa5: {  	[spmem:s2] =	stream.indirect.scatter.add.f32 @!p1 [tilespmem:s0], [sflag:$0x4], $0x40, s24, s30, $0xb8;
	[tilespmem:$0x17D00] =	vst v63  }
0xa6: {  	s25 =	sadd.s32 $0x80, s25;
	_ =	swait.ge [sflag:s28], $0x2000  }
0xa7: {  	s29 =	sand.u32 $0x1, s29;
	s24 =	sadd.s32 $0x80, s24;
	[sflag:s28] =	ssyncset.done $0x0  }
.Ltmp7:
0xa8: {  	_ = 	snop;
	(pc) =	sbr.rel .LBB2_6-.Ltmp7, $1  }
0xa9: {  	_ =	sdelay $0x3  }
.LBB2_11:
0xaa: {  	_ =	sfence.sel $0x180000  }
0xab: {  	[bflag:$0x0] =	sbarrier.arrive $0xFFFF  }
0xac: {  	_ =	strace $0x9000004A  }
0xad: {  	[bflag:$0x2] =	sbarrier.arrive $0xFFFF  }
0xae: {  	p0 =	sne.s32 s1, $0x0;
	s0 =	rddreg [dreg:$0x2]  }
0xaf: {  	s0 =	sadd.s32 @!p0 $0x100000, s0  }
0xb0: {  	[sflag:s0] =	ssyncadd.tile.s32 @!p0 $0x1;
	_ =	shalt  }
.Lfunc_end2:
_tile_overlayer_lowered:
.L_overlay_start_2:
0xb1: {  	(tag) =	ssettag $0x2  }
0xb2: {  	s0 =	rddreg [dreg:$0x0];
	s2 =	stileid.u32  }
0xb3: {  	s1 =	rddreg [dreg:$0x1];
	p0 =	sne.s32 s2, $0x0  }
0xb4: {  	s3 =	rddreg [dreg:$0x2];
	[bflag:$0x3] =	sbarrier.arrive $0xFFFF;
	s2 =	simm.s32 @!p0 $0x1C03  }
0xb5: {  	[timem:s3], [sflag:s2] =	dma.local @!p0 [hbm:s0], s1  }
0xb6: {  	s0 =	simm.s32 @!p0 $0x3  }
0xb7: {  	_ =	swait.ge @!p0 [sflag:s0], s1  }
0xb8: {  	s1 =	ssub.s32 @!p0 $0x0, s1;
	[sflag:s0] =	ssyncset.done @!p0 $0x0  }
0xb9: {  	[sflag:s0] =	ssyncadd.s32 @!p0 s1  }
0xba: {  	[bflag:$0x3] =	sbarrier.arrive $0xFFFF  }
0xbb: {  	_ =	shalt  }

// kernel: kernel.15.cloned.1.call-start
scs
__scs_entry_jumppad:
0x0: {  	(pc) =	sbr.rel $0x88, $3  }
0x1: {  	(tag) =	ssettag $0x0;
	lr =	simm.s32 $0x1  }
0x2: {  	[smem:$0x3F9B] =	sst lr;
	_ =	strace $0xD0000000  }
0x3: {  	_ = 	snop  }
0x4: {  	_ = 	snop  }
0x5: {  	_ = 	snop  }
0x6: {  	_ = 	snop  }
0x7: {  	_ = 	snop  }
__scs_overlays_trampoline_lowered:
0x8: {  	[smem:$0x3FAA] =	sst s0  }
0x9: {  	[smem:$0x3FAB] =	sst s1  }
0xa: {  	[smem:$0x3FAC] =	sst s2  }
0xb: {  	[smem:$0x3FAD] =	sst s3  }
0xc: {  	[smem:$0x3FAE] =	sst s4  }
0xd: {  	[smem:$0x3FAF] =	sst s5  }
0xe: {  	[smem:$0x3FB0] =	sst s6  }
0xf: {  	[smem:$0x3FB1] =	sst s7  }
0x10: {  	[smem:$0x3FB2] =	sst s8  }
0x11: {  	[smem:$0x3FB3] =	sst s9;
	s0 =	simm.s32 @!p0 $0x0  }
0x12: {  	s1 =	sld [smem:$0x3F99];
	s0 =	simm.s32 @p0 $0x1  }
0x13: {  	[smem:$0x3FB4] =	sst s0;
	s0 =	simm.s32 @!p1 $0x0  }
0x14: {  	s2 =	sld [smem:$0x3F98];
	s0 =	simm.s32 @p1 $0x1  }
0x15: {  	[smem:$0x3FB5] =	sst s0;
	s0 =	simm.s32 @!p2 $0x0  }
0x16: {  	s3 =	sld [smem:$0x3FDB];
	s0 =	simm.s32 @p2 $0x1  }
0x17: {  	s4 =	simm.s32 $0x1BF5;
	[smem:$0x3FB7] =	sst s0  }
0x18: {  	s0 =	sld [smem:$0x3F9A];
	_ =	swait.ge [sflag:s4], $0x0  }
0x19: {  	s7 =	sld [smem:$0x3F9B]  }
0x1a: {  	s8 =	sadd.s32 $0xFFFFE003, lr  }
0x1b: {  	s9 =	sadd.s32 $0xFFFFFEF7, lr;
	s5 =	simm.s32 $0xFFFFFFFF;
	p2 =	slt.u32 s8, $0xFFFFF086  }
0x1c: {  	p1 =	slt.u32 s9, $0xF7A;
	s5 =	simm.s32 @!p2 $0x0  }
0x1d: {  	s5 =	simm.s32 @p1 $0x1;
	p0 =	seq.s32 s7, s2  }
0x1e: {  	s7 =	smul.u32 @!p0 $0xF7A, s2;
	p2 =	seq.s32 @!p0 s5, $0x0  }
0x1f: {  	s9 =	smul.u32 $0xF7A, s1;
	s8 =	simm.s32 @!p0 $0x1BF5;
	p2 =	por !p2, p0  }
0x20: {  	[sflag:s8] =	ssyncset.s32 @!p0 $0xFFFFF086;
	s6 =	sadd.s32 @!p0 s3, s7;
	s7 =	simm.s32 @!p0 $0x108  }
0x21: {  	s3 =	sadd.s32 s3, s9;
	s6 =	sadd.s32 @!p0 $0x88, s6;
	s7 =	simm.s32 @p2 $0x1082  }
0x22: {  	[simem:s7], [sflag:s8] =	dma.local @!p0 [hbm:s6], $0xF7A  }
0x23: {  	s9 =	sor.u32 $0xD0000000, s2;
	s6 =	simm.s32 $0x108;
	_ =	swait.ge @!p0 [sflag:s8], $0x0  }
0x24: {  	s3 =	sadd.s32 $0x88, s3;
	s6 =	simm.s32 @!p1 $0x1082;
	[sflag:s4] =	ssyncset.s32 $0xFFFFF086  }
0x25: {  	[simem:s6], [sflag:s4] =	dma.local [hbm:s3], $0xF7A  }
0x26: {  	[smem:$0x3F9B] =	sst s1;
	(tag) =	ssettag s2;
	_ =	strace s9  }
0x27: {  	s1 =	sld [smem:$0x3FAB]  }
0x28: {  	s2 =	sld [smem:$0x3FAC]  }
0x29: {  	s4 =	sld [smem:$0x3FAE]  }
0x2a: {  	p0 =	seq.s32 s5, $0x0;
	s5 =	sld [smem:$0x3FAF]  }
0x2b: {  	s6 =	sld [smem:$0x3FB0]  }
0x2c: {  	s7 =	sld [smem:$0x3FB1]  }
0x2d: {  	s3 =	simm.s32 $0x108;
	s8 =	sld [smem:$0x3FB2]  }
0x2e: {  	s3 =	simm.s32 @!p0 $0x1082;
	s9 =	sld [smem:$0x3FB3]  }
0x2f: {  	lr =	sadd.s32 s0, s3;
	s0 =	sld [smem:$0x3FAA]  }
0x30: {  	s3 =	sld [smem:$0x3FAD]  }
0x31: {  	[smem:$0x3FB6] =	sst s10  }
0x32: {  	s10 =	sld [smem:$0x3FB4];
	_ =	sdelay $0x3  }
0x33: {  	p0 =	seq.s32 s10, $0x1;
	s10 =	sld [smem:$0x3FB6];
	_ =	sdelay $0x3  }
0x34: {  	[smem:$0x3FB6] =	sst s10  }
0x35: {  	s10 =	sld [smem:$0x3FB5];
	_ =	sdelay $0x3  }
0x36: {  	p1 =	seq.s32 s10, $0x1;
	s10 =	sld [smem:$0x3FB6];
	_ =	sdelay $0x3  }
0x37: {  	[smem:$0x3FB6] =	sst s10  }
0x38: {  	s10 =	sld [smem:$0x3FB7]  }
0x39: {  	_ = 	snop;
	(pc) =	sbr.ind lr, $3  }
0x3a: {  	_ = 	snop  }
0x3b: {  	_ = 	snop  }
0x3c: {  	p2 =	seq.s32 s10, $0x1;
	s10 =	sld [smem:$0x3FB6]  }
0x3d: {  	_ =	shalt  }
0x3e: {  	_ =	shalt  }
0x3f: {  	_ =	shalt  }
0x40: {  	_ =	shalt  }
0x41: {  	_ =	shalt  }
0x42: {  	_ =	shalt  }
0x43: {  	_ =	shalt  }
0x44: {  	_ =	shalt  }
0x45: {  	_ =	shalt  }
0x46: {  	_ =	shalt  }
0x47: {  	_ =	shalt  }
0x48: {  	_ =	shalt  }
0x49: {  	_ =	shalt  }
0x4a: {  	_ =	shalt  }
0x4b: {  	_ =	shalt  }
0x4c: {  	_ =	shalt  }
0x4d: {  	_ =	shalt  }
0x4e: {  	_ =	shalt  }
0x4f: {  	_ =	shalt  }
0x50: {  	_ =	shalt  }
0x51: {  	_ =	shalt  }
0x52: {  	_ =	shalt  }
0x53: {  	_ =	shalt  }
0x54: {  	_ =	shalt  }
0x55: {  	_ =	shalt  }
0x56: {  	_ =	shalt  }
0x57: {  	_ =	shalt  }
0x58: {  	_ =	shalt  }
0x59: {  	_ =	shalt  }
0x5a: {  	_ =	shalt  }
0x5b: {  	_ =	shalt  }
0x5c: {  	_ =	shalt  }
0x5d: {  	_ =	shalt  }
0x5e: {  	_ =	shalt  }
0x5f: {  	_ =	shalt  }
0x60: {  	_ =	shalt  }
0x61: {  	_ =	shalt  }
0x62: {  	_ =	shalt  }
0x63: {  	_ =	shalt  }
0x64: {  	_ =	shalt  }
0x65: {  	_ =	shalt  }
0x66: {  	_ =	shalt  }
0x67: {  	_ =	shalt  }
0x68: {  	_ =	shalt  }
0x69: {  	_ =	shalt  }
0x6a: {  	_ =	shalt  }
0x6b: {  	_ =	shalt  }
0x6c: {  	_ =	shalt  }
0x6d: {  	_ =	shalt  }
0x6e: {  	_ =	shalt  }
0x6f: {  	_ =	shalt  }
0x70: {  	_ =	shalt  }
0x71: {  	_ =	shalt  }
0x72: {  	_ =	shalt  }
0x73: {  	_ =	shalt  }
0x74: {  	_ =	shalt  }
0x75: {  	_ =	shalt  }
0x76: {  	_ =	shalt  }
0x77: {  	_ =	shalt  }
0x78: {  	_ =	shalt  }
0x79: {  	_ =	shalt  }
0x7a: {  	_ =	shalt  }
0x7b: {  	_ =	shalt  }
0x7c: {  	_ =	shalt  }
0x7d: {  	_ =	shalt  }
0x7e: {  	_ =	shalt  }
0x7f: {  	_ =	shalt  }
0x80: {  	_ =	shalt  }
0x81: {  	_ =	shalt  }
0x82: {  	_ =	shalt  }
0x83: {  	_ =	shalt  }
0x84: {  	_ =	shalt  }
0x85: {  	_ =	shalt  }
0x86: {  	_ =	shalt  }
0x87: {  	_ =	shalt  }
.Lfunc_end0:
.L_simem_size_0:
called_computation.2_lowered:
.L_overlay_start_0:
0x88: {  	s2 =	sld [smem:$0x3FD9]  }
0x89: {  	s3 =	sld [smem:$0x3FFE];
	_ =	sdelay $0x1  }
0x8a: {  	s1 =	srdreg.scid  }
0x8b: {  	s0 =	sand.u32 $0x1, s1  }
0x8c: {  	s16 =	sshll.u32 s0, $0xA;
	s2 =	sadd.s32 s3, s2  }
0x8d: {  	s2 =	sadd.s32 s2, s16  }
0x8e: {  	[smem:$0x3FC2] =	sst s2  }
0x8f: {  	_ = 	snop  }
0x90: {  	(tm) =	ssettm $0x1  }
0x91: {  	s17 =	sld [smem:$0x3FFB];
	_ =	sdelay $0x3  }
0x92: {  	_ =	strace s17  }
0x93: {  	s2 =	sld [smem:$0x3FFC];
	_ =	sdelay $0x3  }
0x94: {  	_ =	strace s2  }
0x95: {  	s2 =	sld [smem:$0x3FFD];
	_ =	sdelay $0x3  }
0x96: {  	_ =	strace s2  }
0x97: {  	_ =	strace $0x8FFFFFFF  }
0x98: {  	s18 =	sld [smem:$0x3FDB];
	_ =	sdelay $0x1  }
0x99: {  	s19 =	simm.s32 $_scs_section_size  }
0x9a: {  	s4 =	simm.s32 $_size__tile_overlayer_lowered;
	s5 =	simm.s32 $_tile_overlayer_lowered  }
0x9b: {  	s22 =	simm.s32 $0x1BFF;
	s21 =	sshll.u32 s5, $0x1;
	s2 =	sadd.s32 s19, s18  }
0x9c: {  	s6 =	simm.s32 $0x0;
	s20 =	sshll.u32 s4, $0x1;
	s4 =	sadd.s32 s21, s2  }
0x9d: {  	[timem:s6], [sflag:s22] =	dma.local [hbm:s4], s20  }
0x9e: {  	_ =	swait.ge [sflag:s22], s20  }
0x9f: {  	s3 =	ssub.s32 $0x0, s20;
	[sflag:s22] =	ssyncset.done $0x0  }
0xa0: {  	[sflag:s22] =	ssyncadd.s32 s3;
	_ =	sdelay $0x1  }
0xa1: {  	s23 =	simm.s32 $0x1B8B  }
0xa2: {  	_ =	swait.ge [sflag:s23], $0x1  }
0xa3: {  	[sflag:s23] =	ssyncset.done $0x0  }
0xa4: {  	s25 =	simm.s32 $0x1B8E;
	s24 =	sld [smem:$0x3FFE];
	[sflag:s23] =	ssyncadd.s32 $0xFFFFFFFF  }
0xa5: {  	s26 =	simm.s32 $execute0_lowered;
	[smem:$0x3FD2] =	sst s25  }
0xa6: {  	s4 =	sshll.u32 s26, $0x1;
	_ =	strace $0x8000004C;
	[dreg:$0x1] =	wrdreg $0xFFFFFFFF  }
0xa7: {  	s28 =	simm.s32 $_size_execute0_lowered;
	s2 =	sadd.s32 s2, s4;
	[dreg:$0x0] =	wrdreg $0x0  }
0xa8: {  	s4 =	sshll.u32 s28, $0x1;
	[dreg:$0x2] =	wrdreg s2  }
0xa9: {  	[dreg:$0x3] =	wrdreg s4  }
0xaa: {  	[dreg:$0x4] =	wrdreg $0xC0  }
0xab: {  	_ =	task [dreg:s6], $0x5FFFF  }
0xac: {  	[dreg:$0x1] =	wrdreg $0xFFFFFFFF  }
0xad: {  	[dreg:$0x0] =	wrdreg $0x60  }
0xae: {  	[dreg:$0x2] =	wrdreg s24  }
0xaf: {  	[dreg:$0x3] =	wrdreg $0x0  }
0xb0: {  	[dreg:$0x4] =	wrdreg $0x9  }
0xb1: {  	_ =	task.clear_ibuf [dreg:s6], $0x5FFFF;
	_ =	strace $0x9000004C  }
0xb2: {  	s29 =	simm.s32 $0x9;
	_ =	strace $0x8000004E  }
0xb3: {  	_ =	swait.ge [sflag:s29], $0x1  }
0xb4: {  	[sflag:s29] =	ssyncadd.s32 $0xFFFFFFFF  }
0xb5: {  	_ =	strace $0x9000004E  }
0xb6: {  	_ =	sfence  }
0xb7: {  	s30 =	sld [smem:$0x0];
	_ =	sdelay $0x2  }
0xb8: {  	s31 =	sshll.u32 s1, $0xD;
	s1 =	sshrl.u32 s1, $0x2  }
0xb9: {  	s3 =	sand.u32 $0x4000, s31;
	s1 =	sadd.s32 s1, s30  }
0xba: {  	s0 =	sor.u32 s3, s0;
	s1 =	sshll.u32 s1, $0x11  }
0xbb: {  	s0 =	sor.u32 s1, s0  }
0xbc: {  	s0 =	sadd.s32 $0x8F2B, s0  }
0xbd: {  	[sflag:s0] =	ssyncadd.remote.s32 $0x1  }
0xbe: {  	_ =	sfence.sel $0xFFFF  }
0xbf: {  	[dreg:$0x0] =	wrdreg $0xFFFFFFFF;
	(pc) =	sbr.abs _section_cstart, $3  }
0xc0: {  	[dreg:$0x1] =	wrdreg $0xFFFFFFFF  }
0xc1: {  	_ =	task.clear_ibuf [dreg:s6], $0x2FFFF;
	_ =	strace $0x9FFFFFFF  }
0xc2: {  	(tm) =	ssettm $0x7FFFFFFF  }
0xc3: {  	_ =	shalt  }
tec
execute0_lowered:
.L_overlay_start_1:
0x0: {  	(tag) =	ssettag $0x1  }
0x1: {  	s6 =	rddreg [dreg:$0x0]  }
0x2: {  	s2 =	rddreg [dreg:$0x1]  }
0x3: {  	s1 =	stileid.u32;
	s4 =	srdreg.scid  }
0x4: {  	s3 =	simm.s32 $0x0;
	s16 =	simm.s32 $0x3;
	s17 =	simm.s32 $0xA000  }
0x5: {  	s18 =	simm.s32 $0xEE80;
	s19 =	simm.s32 $0x80;
	s20 =	simm.s32 $0x1  }
0x6: {  	s21 =	simm.s32 $0x13C80;
	s22 =	simm.s32 $0x4;
	s7 =	smul.u32 $0xA000, s1  }
0x7: {  	s23 =	simm.s32 $0x0;
	s13 =	sand.u32 $0x1, s4;
	s9 =	smul.u32 $0x9D0, s1  }
0x8: {  	[smem:$0x7FF] =	sst s3;
	s4 =	sadd.s32 $0x2800, s6;
	s10 =	smul.u32 $0x28000, s1  }
0x9: {  	s5 =	sadd.s32 $0x16200, s6;
	s8 =	smul.u32 $0xA0000, s13;
	_ =	strace $0x8000004D  }
0xa: {  	s29 =	ssub.s32 $0x2, s13;
	p0 =	seq.s32 s13, $0x1;
	s12 =	sadd.s32 s9, s6  }
0xb: {  	s30 =	sshrl.u32 s29, $0x1;
	s31 =	sshrl.u32 s10, $0x2;
	s8 =	sadd.s32 s7, s8  }
.Ltmp0:
0xc: {  	s15 =	ssub.s32 s29, s30;
	s10 =	sadd.s32 s31, s2;
	(pc) =	sbr.rel .LBB2_1-.Ltmp0, $4  }
0xd: {  	s11 =	sadd.s32 $0x5C600, s12;
	s12 =	sadd.s32 $0x52800, s12;
	s8 =	sshrl.u32 s8, $0x3  }
0xe: {  	s9 =	sadd.s32 $0x6000, s10;
	s14 =	sadd.s32 s8, s6;
	s6 =	sadd.s32 s7, s2  }
0xf: {  	s7 =	sadd.s32 $0x2000, s10;
	s8 =	sadd.s32 $0x4000, s10;
	s10 =	sadd.s32 $0x8000, s10  }
0x10: {  	v0 =	vimm.f32 $0.0e+00;
	s13 =	sadd.s32 $0x29C00, s14;
	s14 =	smax.u32 s15, $0x1;
	s15 =	simm.s32 $0x13D00  }
.LBB2_6:
0x11: {  	p1 =	seq.s32 s29, $0x1;
	[sflag:s28] =	ssyncadd.s32 $0xFFFFE000  }
0x12: {  	s0 =	simm.s32 @p1 $0x80;
	s26 =	simm.s32 @p1 $0x13D00;
	s28 =	simm.s32 @p1 $0x2  }
0x13: {  	[tilespmem:s26], [sflag:$0x1] =	stream.indirect.gather @p1 [hbm4b:s4+s0], $0x40, s25, s0, $0xb8;
	[tilespmem:$0x17D00] =	vst v63  }
0x14: {  	_ =	swait.ge @p1 [sflag:s28], $0x2000  }
0x15: {  	[sflag:s28] =	ssyncset.done @p1 $0x0  }
0x16: {  	s26 =	simm.s32 @p1 $0x15D00;
	[sflag:s28] =	ssyncadd.s32 @p1 $0xFFFFE000  }
0x17: {  	[spmem:s2] =	stream.indirect.scatter.add.f32 @p1 [tilespmem:s26], [sflag:$0x3], $0x40, s24, s0, $0xb8;
	[tilespmem:$0x17D00] =	vst v63  }
0x18: {  	s28 =	simm.s32 @!p1 $0x1;
	s0 =	simm.s32 @!p1 $0x80;
	s26 =	simm.s32 @!p1 $0x15D00  }
0x19: {  	[tilespmem:s26], [sflag:$0x2] =	stream.indirect.gather @!p1 [hbm4b:s4+s0], $0x40, s25, s0, $0xb8;
	[tilespmem:$0x17D00] =	vst v63  }
0x1a: {  	_ =	swait.ge @!p1 [sflag:s28], $0x2000  }
0x1b: {  	s25 =	simm.s32 @!p1 $0x4;
	[sflag:s28] =	ssyncset.done @!p1 $0x0  }
0x1c: {  	s26 =	simm.s32 @!p1 $0x13D00;
	s25 =	simm.s32 @p1 $0x3;
	[sflag:s28] =	ssyncadd.s32 @!p1 $0xFFFFE000  }
0x1d: {  	[spmem:s2] =	stream.indirect.scatter.add.f32 @!p1 [tilespmem:s26], [sflag:$0x4], $0x40, s24, s0, $0xb8;
	[tilespmem:$0x17D00] =	vst v63  }
0x1e: {  	_ =	swait.ge [sflag:s25], $0x2000  }
0x1f: {  	[sflag:s25] =	ssyncset.done $0x0  }
0x20: {  	[sflag:s25] =	ssyncadd.s32 $0xFFFFE000  }
.LBB2_10:
0x21: {  	_ =	swait.ge [sflag:s20], $0x2000  }
0x22: {  	[sflag:s20] =	ssyncset.done $0x0  }
0x23: {  	[sflag:s20] =	ssyncadd.s32 $0xFFFFE000  }
0x24: {  	[spmem:s2] =	stream.indirect.scatter.add.f32 [tilespmem:s15], [sflag:$0x4], $0x40, s21, s19, $0xb8;
	[tilespmem:$0x17D00] =	vst v63  }
0x25: {  	_ =	swait.ge [sflag:s22], $0x2000  }
0x26: {  	s0 =	sshll.u32 s1, $0x6;
	s23 =	sadd.s32 $0x1, s23;
	[sflag:s22] =	ssyncset.done $0x0  }
0x27: {  	s24 =	sshrl.u32 s6, $0x3;
	p1 =	sne.s32 s23, s14;
	[sflag:s22] =	ssyncadd.s32 $0xFFFFE000  }
.Ltmp1:
0x28: {  	s0 =	sor.u32 $0x1C03, s0;
	[bflag:$0x0] =	sbarrier.arrive $0xFFFF;
	(pc) =	sbr.rel @!p1 .LBB2_11-.Ltmp1, $4  }
0x29: {  	[hbm:s13], [sflag:s0] =	dma.local [spmem:s24], $0x1400  }
0x2a: {  	_ =	swait.ge [sflag:s16], $0x1400  }
0x2b: {  	[sflag:s16] =	ssyncset.done $0x0  }
0x2c: {  	[sflag:s16] =	ssyncadd.s32 $0xFFFFEC00  }
.LBB2_1:
0x2d: {  	s25 =	simm.s32 $0x100;
	s24 =	simm.s32 $0x0  }
.LBB2_2:
0x2e: {  	p1 =	sne.s32 s25, $0x7F00;
	[tilespmem:s24+$0x13D30] =	vst v0;
	s26 =	smov.u32 s25;
	s25 =	sadd.s32 $0x100, s25  }
.Ltmp2:
0x2f: {  	[tilespmem:s24+$0x13D20] =	vst v0;
	(pc) =	sbr.rel @p1 .LBB2_2-.Ltmp2, $3  }
0x30: {  	[tilespmem:s24+$0x13D00] =	vst v0  }
0x31: {  	[tilespmem:s24+$0x13D10] =	vst v0;
	_ =	sdelay $0x1  }
0x32: {  	s24 =	sshra.s32 s26, $0x2  }
0x33: {  	[tilespmem:s24+$0x13D30] =	vst v0  }
0x34: {  	[tilespmem:s24+$0x13D20] =	vst v0  }
0x35: {  	[tilespmem:s24+$0x13D00] =	vst v0  }
0x36: {  	[tilespmem:s24+$0x13D10] =	vst v0  }
0x37: {  	[spmem:s6] =	stream.linear.scatter [tilespmem:s15], [sflag:$0x3], $0x2000, $0x38;
	[tilespmem:$0x17D00] =	vst v63  }
0x38: {  	_ =	swait.ge [sflag:s16], $0x2000  }
0x39: {  	[sflag:s16] =	ssyncset.done $0x0  }
0x3a: {  	[sflag:s16] =	ssyncadd.s32 $0xFFFFE000  }
0x3b: {  	[spmem:s7] =	stream.linear.scatter [tilespmem:s15], [sflag:$0x3], $0x2000, $0x38;
	[tilespmem:$0x17D00] =	vst v63  }
0x3c: {  	_ =	swait.ge [sflag:s16], $0x2000  }
0x3d: {  	[sflag:s16] =	ssyncset.done $0x0  }
0x3e: {  	[sflag:s16] =	ssyncadd.s32 $0xFFFFE000  }
0x3f: {  	[spmem:s8] =	stream.linear.scatter [tilespmem:s15], [sflag:$0x3], $0x2000, $0x38;
	[tilespmem:$0x17D00] =	vst v63  }
0x40: {  	_ =	swait.ge [sflag:s16], $0x2000  }
0x41: {  	[sflag:s16] =	ssyncset.done $0x0  }
0x42: {  	[sflag:s16] =	ssyncadd.s32 $0xFFFFE000  }
0x43: {  	[spmem:s9] =	stream.linear.scatter [tilespmem:s15], [sflag:$0x3], $0x2000, $0x38;
	[tilespmem:$0x17D00] =	vst v63  }
0x44: {  	_ =	swait.ge [sflag:s16], $0x2000  }
0x45: {  	[sflag:s16] =	ssyncset.done $0x0  }
0x46: {  	[sflag:s16] =	ssyncadd.s32 $0xFFFFE000  }
0x47: {  	[spmem:s10] =	stream.linear.scatter [tilespmem:s15], [sflag:$0x3], $0x2000, $0x38;
	[tilespmem:$0x17D00] =	vst v63  }
0x48: {  	_ =	swait.ge [sflag:s16], $0x2000  }
0x49: {  	[sflag:s16] =	ssyncset.done $0x0  }
0x4a: {  	[sflag:s16] =	ssyncadd.s32 $0xFFFFE000  }
0x4b: {  	[tilespmem:s17], [sflag:$0x3] =	stream.linear.gather [hbm4b:s11+s3], $0x4E80, $0x38;
	[tilespmem:$0x17D00] =	vst v63  }
0x4c: {  	_ =	swait.ge [sflag:s16], $0x4E80  }
0x4d: {  	[sflag:s16] =	ssyncset.done $0x0  }
0x4e: {  	[sflag:s16] =	ssyncadd.s32 $0xFFFFB180  }
0x4f: {  	[tilespmem:s18], [sflag:$0x3] =	stream.linear.gather [hbm4b:s12+s3], $0x4E80, $0x38;
	[tilespmem:$0x17D00] =	vst v63  }
.Ltmp3:
0x50: {  	_ =	swait.ge [sflag:s16], $0x4E80;
	(pc) =	sbr.rel @!p0 .LBB2_4-.Ltmp3, $3  }
0x51: {  	[sflag:s16] =	ssyncset.done $0x0  }
0x52: {  	[sflag:s16] =	ssyncadd.s32 $0xFFFFB180  }
0x53: {  	[bflag:$0x0] =	sbarrier.arrive $0xFFFF;
	_ =	sdelay $0x1  }
0x54: {  	[tilespmem:s15], [sflag:$0x1] =	stream.indirect.gather [hbm4b:s5+s19], $0x40, s17, s19, $0xb8;
	[tilespmem:$0x17D00] =	vst v63  }
0x55: {  	s0 =	simm.s32 $0x0  }
0x56: {  	s0 =	sand.u32 $0x1, s0  }
0x57: {  	s24 =	simm.s32 $0xA080;
	p1 =	seq.s32 s0, $0x1  }
0x58: {  	s0 =	simm.s32 @p1 $0x80;
	s25 =	simm.s32 @p1 $0x13D00;
	s26 =	simm.s32 @p1 $0x2  }
0x59: {  	[tilespmem:s25], [sflag:$0x1] =	stream.indirect.gather @p1 [hbm4b:s5+s0], $0x40, s24, s0, $0xb8;
	[tilespmem:$0x17D00] =	vst v63  }
0x5a: {  	_ =	swait.ge @p1 [sflag:s26], $0x2000  }
0x5b: {  	[sflag:s26] =	ssyncset.done @p1 $0x0  }
0x5c: {  	s25 =	simm.s32 $0xEE80;
	[sflag:s26] =	ssyncadd.s32 @p1 $0xFFFFE000;
	s26 =	simm.s32 @p1 $0x15D00  }
0x5d: {  	[spmem:s2] =	stream.indirect.scatter.add.f32 @p1 [tilespmem:s26], [sflag:$0x3], $0x40, s25, s0, $0xb8;
	[tilespmem:$0x17D00] =	vst v63  }
0x5e: {  	s29 =	simm.s32 @!p1 $0x1;
	s0 =	simm.s32 @!p1 $0x80;
	s26 =	simm.s32 @!p1 $0x15D00  }
0x5f: {  	[tilespmem:s26], [sflag:$0x2] =	stream.indirect.gather @!p1 [hbm4b:s5+s0], $0x40, s24, s0, $0xb8;
	[tilespmem:$0x17D00] =	vst v63  }
0x60: {  	_ =	swait.ge @!p1 [sflag:s29], $0x2000  }
0x61: {  	s31 =	simm.s32 $0x1;
	s28 =	simm.s32 @!p1 $0x4;
	[sflag:s29] =	ssyncset.done @!p1 $0x0  }
0x62: {  	s28 =	simm.s32 @p1 $0x3;
	s26 =	simm.s32 @!p1 $0x13D00;
	[sflag:s29] =	ssyncadd.s32 @!p1 $0xFFFFE000  }
0x63: {  	[spmem:s2] =	stream.indirect.scatter.add.f32 @!p1 [tilespmem:s26], [sflag:$0x4], $0x40, s25, s0, $0xb8;
	[tilespmem:$0x17D00] =	vst v63  }
0x64: {  	s24 =	simm.s32 $0xEF00;
	s29 =	sand.u32 $0x1, s31;
	_ =	swait.ge [sflag:s28], $0x2000  }
0x65: {  	s26 =	simm.s32 $0x2;
	s25 =	simm.s32 $0xA100;
	[sflag:s28] =	ssyncset.done $0x0  }
.LBB2_8:
0x66: {  	p1 =	seq.s32 s29, $0x1  }
0x67: {  	[sflag:s28] =	ssyncadd.s32 $0xFFFFE000;
	s0 =	smov.u32 s26;
	s26 =	sadd.s32 $0x1, s26  }
0x68: {  	s29 =	simm.s32 @p1 $0x80;
	s28 =	simm.s32 @p1 $0x13D00;
	s30 =	simm.s32 @p1 $0x2  }
0x69: {  	[tilespmem:s28], [sflag:$0x1] =	stream.indirect.gather @p1 [hbm4b:s5+s29], $0x40, s25, s29, $0xb8;
	[tilespmem:$0x17D00] =	vst v63  }
0x6a: {  	p2 =	sne.s32 s26, $0x9C;
	s28 =	simm.s32 @!p1 $0x4;
	_ =	swait.ge @p1 [sflag:s30], $0x2000  }
0x6b: {  	[sflag:s30] =	ssyncset.done @p1 $0x0  }
0x6c: {  	[sflag:s30] =	ssyncadd.s32 @p1 $0xFFFFE000;
	s30 =	simm.s32 @p1 $0x15D00  }
0x6d: {  	[spmem:s2] =	stream.indirect.scatter.add.f32 @p1 [tilespmem:s30], [sflag:$0x3], $0x40, s24, s29, $0xb8;
	[tilespmem:$0x17D00] =	vst v63  }
0x6e: {  	s31 =	simm.s32 @!p1 $0x1;
	s29 =	simm.s32 @!p1 $0x80;
	s30 =	simm.s32 @!p1 $0x15D00  }
0x6f: {  	[tilespmem:s30], [sflag:$0x2] =	stream.indirect.gather @!p1 [hbm4b:s5+s29], $0x40, s25, s29, $0xb8;
	[tilespmem:$0x17D00] =	vst v63  }
0x70: {  	_ =	swait.ge @!p1 [sflag:s31], $0x2000  }
.Ltmp4:
0x71: {  	[sflag:s31] =	ssyncset.done @!p1 $0x0;
	(pc) =	sbr.rel @p2 .LBB2_8-.Ltmp4, $4  }
0x72: {  	s28 =	simm.s32 @p1 $0x3;
	s30 =	simm.s32 @!p1 $0x13D00;
	[sflag:s31] =	ssyncadd.s32 @!p1 $0xFFFFE000  }
0x73: {  	[spmem:s2] =	stream.indirect.scatter.add.f32 @!p1 [tilespmem:s30], [sflag:$0x4], $0x40, s24, s29, $0xb8;
	[tilespmem:$0x17D00] =	vst v63  }
0x74: {  	s25 =	sadd.s32 $0x80, s25;
	_ =	swait.ge [sflag:s28], $0x2000  }
0x75: {  	s29 =	sand.u32 $0x1, s0;
	s24 =	sadd.s32 $0x80, s24;
	[sflag:s28] =	ssyncset.done $0x0  }
0x76: {  	p1 =	seq.s32 s29, $0x1;
	[sflag:s28] =	ssyncadd.s32 $0xFFFFE000  }
0x77: {  	s0 =	simm.s32 @p1 $0x80;
	s26 =	simm.s32 @p1 $0x13D00;
	s28 =	simm.s32 @p1 $0x2  }
0x78: {  	[tilespmem:s26], [sflag:$0x1] =	stream.indirect.gather @p1 [hbm4b:s5+s0], $0x40, s25, s0, $0xb8;
	[tilespmem:$0x17D00] =	vst v63  }
0x79: {  	_ =	swait.ge @p1 [sflag:s28], $0x2000  }
0x7a: {  	[sflag:s28] =	ssyncset.done @p1 $0x0  }
0x7b: {  	s26 =	simm.s32 @p1 $0x15D00;
	[sflag:s28] =	ssyncadd.s32 @p1 $0xFFFFE000  }
0x7c: {  	[spmem:s2] =	stream.indirect.scatter.add.f32 @p1 [tilespmem:s26], [sflag:$0x3], $0x40, s24, s0, $0xb8;
	[tilespmem:$0x17D00] =	vst v63  }
0x7d: {  	s28 =	simm.s32 @!p1 $0x1;
	s0 =	simm.s32 @!p1 $0x80;
	s26 =	simm.s32 @!p1 $0x15D00  }
0x7e: {  	[tilespmem:s26], [sflag:$0x2] =	stream.indirect.gather @!p1 [hbm4b:s5+s0], $0x40, s25, s0, $0xb8;
	[tilespmem:$0x17D00] =	vst v63  }
0x7f: {  	_ =	swait.ge @!p1 [sflag:s28], $0x2000  }
0x80: {  	s25 =	simm.s32 @!p1 $0x4;
	s26 =	simm.s32 @!p1 $0x13D00;
	[sflag:s28] =	ssyncset.done @!p1 $0x0  }
.Ltmp5:
0x81: {  	s25 =	simm.s32 @p1 $0x3;
	[sflag:s28] =	ssyncadd.s32 @!p1 $0xFFFFE000;
	(pc) =	sbr.rel .LBB2_10-.Ltmp5, $4  }
0x82: {  	[spmem:s2] =	stream.indirect.scatter.add.f32 @!p1 [tilespmem:s26], [sflag:$0x4], $0x40, s24, s0, $0xb8;
	[tilespmem:$0x17D00] =	vst v63  }
0x83: {  	_ =	swait.ge [sflag:s25], $0x2000  }
0x84: {  	[sflag:s25] =	ssyncset.done $0x0  }
0x85: {  	[sflag:s25] =	ssyncadd.s32 $0xFFFFE000  }
.LBB2_4:
0x86: {  	[tilespmem:s15], [sflag:$0x1] =	stream.indirect.gather [hbm4b:s4+s19], $0x40, s17, s19, $0xb8;
	[tilespmem:$0x17D00] =	vst v63  }
0x87: {  	s24 =	simm.s32 $0x0  }
0x88: {  	s24 =	sand.u32 $0x1, s24  }
0x89: {  	s25 =	simm.s32 $0xA080;
	p1 =	seq.s32 s24, $0x1  }
0x8a: {  	s24 =	simm.s32 @p1 $0x80;
	s26 =	simm.s32 @p1 $0x13D00;
	s28 =	simm.s32 @p1 $0x2  }
0x8b: {  	[tilespmem:s26], [sflag:$0x1] =	stream.indirect.gather @p1 [hbm4b:s4+s24], $0x40, s25, s24, $0xb8;
	[tilespmem:$0x17D00] =	vst v63  }
0x8c: {  	_ =	swait.ge @p1 [sflag:s28], $0x2000  }
0x8d: {  	[sflag:s28] =	ssyncset.done @p1 $0x0  }
0x8e: {  	s26 =	simm.s32 $0xEE80;
	[sflag:s28] =	ssyncadd.s32 @p1 $0xFFFFE000;
	s28 =	simm.s32 @p1 $0x15D00  }
0x8f: {  	[spmem:s2] =	stream.indirect.scatter.add.f32 @p1 [tilespmem:s28], [sflag:$0x3], $0x40, s26, s24, $0xb8;
	[tilespmem:$0x17D00] =	vst v63  }
0x90: {  	s29 =	simm.s32 @!p1 $0x1;
	s24 =	simm.s32 @!p1 $0x80;
	s28 =	simm.s32 @!p1 $0x15D00  }
0x91: {  	[tilespmem:s28], [sflag:$0x2] =	stream.indirect.gather @!p1 [hbm4b:s4+s24], $0x40, s25, s24, $0xb8;
	[tilespmem:$0x17D00] =	vst v63  }
0x92: {  	_ =	swait.ge @!p1 [sflag:s29], $0x2000  }
0x93: {  	s30 =	simm.s32 $0x1;
	s28 =	simm.s32 @!p1 $0x4;
	[sflag:s29] =	ssyncset.done @!p1 $0x0  }
0x94: {  	s25 =	simm.s32 @!p1 $0x13D00;
	s28 =	simm.s32 @p1 $0x3;
	[sflag:s29] =	ssyncadd.s32 @!p1 $0xFFFFE000  }
0x95: {  	[spmem:s2] =	stream.indirect.scatter.add.f32 @!p1 [tilespmem:s25], [sflag:$0x4], $0x40, s26, s24, $0xb8;
	[tilespmem:$0x17D00] =	vst v63  }
0x96: {  	s29 =	sand.u32 $0x1, s30;
	s26 =	simm.s32 $0x2;
	_ =	swait.ge [sflag:s28], $0x2000  }
0x97: {  	s25 =	simm.s32 $0xA100;
	s24 =	simm.s32 $0xEF00;
	[sflag:s28] =	ssyncset.done $0x0  }
.LBB2_5:
0x98: {  	p1 =	seq.s32 s29, $0x1  }
0x99: {  	[sflag:s28] =	ssyncadd.s32 $0xFFFFE000;
	s29 =	smov.u32 s26;
	s26 =	sadd.s32 $0x1, s26  }
0x9a: {  	s30 =	simm.s32 @p1 $0x80;
	s28 =	simm.s32 @p1 $0x13D00;
	s31 =	simm.s32 @p1 $0x2  }
0x9b: {  	[tilespmem:s28], [sflag:$0x1] =	stream.indirect.gather @p1 [hbm4b:s4+s30], $0x40, s25, s30, $0xb8;
	[tilespmem:$0x17D00] =	vst v63  }
0x9c: {  	p2 =	seq.s32 s26, $0x9C;
	s28 =	simm.s32 @!p1 $0x4;
	_ =	swait.ge @p1 [sflag:s31], $0x2000  }
0x9d: {  	[sflag:s31] =	ssyncset.done @p1 $0x0  }
0x9e: {  	[sflag:s31] =	ssyncadd.s32 @p1 $0xFFFFE000;
	s31 =	simm.s32 @p1 $0x15D00  }
0x9f: {  	[spmem:s2] =	stream.indirect.scatter.add.f32 @p1 [tilespmem:s31], [sflag:$0x3], $0x40, s24, s30, $0xb8;
	[tilespmem:$0x17D00] =	vst v63  }
0xa0: {  	s0 =	simm.s32 @!p1 $0x1;
	s30 =	simm.s32 @!p1 $0x80;
	s31 =	simm.s32 @!p1 $0x15D00  }
0xa1: {  	[tilespmem:s31], [sflag:$0x2] =	stream.indirect.gather @!p1 [hbm4b:s4+s30], $0x40, s25, s30, $0xb8;
	[tilespmem:$0x17D00] =	vst v63  }
0xa2: {  	_ =	swait.ge @!p1 [sflag:s0], $0x2000  }
.Ltmp6:
0xa3: {  	[sflag:s0] =	ssyncset.done @!p1 $0x0;
	(pc) =	sbr.rel @!p2 .LBB2_5-.Ltmp6, $4  }
0xa4: {  	s28 =	simm.s32 @p1 $0x3;
	[sflag:s0] =	ssyncadd.s32 @!p1 $0xFFFFE000;
	s0 =	simm.s32 @!p1 $0x13D00  }
0xa5: {  	[spmem:s2] =	stream.indirect.scatter.add.f32 @!p1 [tilespmem:s0], [sflag:$0x4], $0x40, s24, s30, $0xb8;
	[tilespmem:$0x17D00] =	vst v63  }
0xa6: {  	s25 =	sadd.s32 $0x80, s25;
	_ =	swait.ge [sflag:s28], $0x2000  }
0xa7: {  	s29 =	sand.u32 $0x1, s29;
	s24 =	sadd.s32 $0x80, s24;
	[sflag:s28] =	ssyncset.done $0x0  }
.Ltmp7:
0xa8: {  	_ = 	snop;
	(pc) =	sbr.rel .LBB2_6-.Ltmp7, $1  }
0xa9: {  	_ =	sdelay $0x3  }
.LBB2_11:
0xaa: {  	_ =	sfence.sel $0x180000  }
0xab: {  	[bflag:$0x0] =	sbarrier.arrive $0xFFFF  }
0xac: {  	_ =	strace $0x9000004D  }
0xad: {  	[bflag:$0x2] =	sbarrier.arrive $0xFFFF  }
0xae: {  	p0 =	sne.s32 s1, $0x0;
	s0 =	rddreg [dreg:$0x2]  }
0xaf: {  	s0 =	sadd.s32 @!p0 $0x100000, s0  }
0xb0: {  	[sflag:s0] =	ssyncadd.tile.s32 @!p0 $0x1;
	_ =	shalt  }
.Lfunc_end2:
_tile_overlayer_lowered:
.L_overlay_start_2:
0xb1: {  	(tag) =	ssettag $0x2  }
0xb2: {  	s0 =	rddreg [dreg:$0x0];
	s2 =	stileid.u32  }
0xb3: {  	s1 =	rddreg [dreg:$0x1];
	p0 =	sne.s32 s2, $0x0  }
0xb4: {  	s3 =	rddreg [dreg:$0x2];
	[bflag:$0x3] =	sbarrier.arrive $0xFFFF;
	s2 =	simm.s32 @!p0 $0x1C03  }
0xb5: {  	[timem:s3], [sflag:s2] =	dma.local @!p0 [hbm:s0], s1  }
0xb6: {  	s0 =	simm.s32 @!p0 $0x3  }
0xb7: {  	_ =	swait.ge @!p0 [sflag:s0], s1  }
0xb8: {  	s1 =	ssub.s32 @!p0 $0x0, s1;
	[sflag:s0] =	ssyncset.done @!p0 $0x0  }
0xb9: {  	[sflag:s0] =	ssyncadd.s32 @!p0 s1  }
0xba: {  	[bflag:$0x3] =	sbarrier.arrive $0xFFFF  }
0xbb: {  	_ =	shalt  }

// kernel: kernel.9.cloned.1.call-start
scs
__scs_entry_jumppad:
0x0: {  	(pc) =	sbr.rel $0x88, $3  }
0x1: {  	(tag) =	ssettag $0x0;
	lr =	simm.s32 $0x1  }
0x2: {  	[smem:$0x3F9B] =	sst lr;
	_ =	strace $0xD0000000  }
0x3: {  	_ = 	snop  }
0x4: {  	_ = 	snop  }
0x5: {  	_ = 	snop  }
0x6: {  	_ = 	snop  }
0x7: {  	_ = 	snop  }
__scs_overlays_trampoline_lowered:
0x8: {  	[smem:$0x3FAA] =	sst s0  }
0x9: {  	[smem:$0x3FAB] =	sst s1  }
0xa: {  	[smem:$0x3FAC] =	sst s2  }
0xb: {  	[smem:$0x3FAD] =	sst s3  }
0xc: {  	[smem:$0x3FAE] =	sst s4  }
0xd: {  	[smem:$0x3FAF] =	sst s5  }
0xe: {  	[smem:$0x3FB0] =	sst s6  }
0xf: {  	[smem:$0x3FB1] =	sst s7  }
0x10: {  	[smem:$0x3FB2] =	sst s8  }
0x11: {  	[smem:$0x3FB3] =	sst s9;
	s0 =	simm.s32 @!p0 $0x0  }
0x12: {  	s1 =	sld [smem:$0x3F99];
	s0 =	simm.s32 @p0 $0x1  }
0x13: {  	[smem:$0x3FB4] =	sst s0;
	s0 =	simm.s32 @!p1 $0x0  }
0x14: {  	s2 =	sld [smem:$0x3F98];
	s0 =	simm.s32 @p1 $0x1  }
0x15: {  	[smem:$0x3FB5] =	sst s0;
	s0 =	simm.s32 @!p2 $0x0  }
0x16: {  	s3 =	sld [smem:$0x3FDB];
	s0 =	simm.s32 @p2 $0x1  }
0x17: {  	s4 =	simm.s32 $0x1BF5;
	[smem:$0x3FB7] =	sst s0  }
0x18: {  	s0 =	sld [smem:$0x3F9A];
	_ =	swait.ge [sflag:s4], $0x0  }
0x19: {  	s7 =	sld [smem:$0x3F9B]  }
0x1a: {  	s8 =	sadd.s32 $0xFFFFE003, lr  }
0x1b: {  	s9 =	sadd.s32 $0xFFFFFEF7, lr;
	s5 =	simm.s32 $0xFFFFFFFF;
	p2 =	slt.u32 s8, $0xFFFFF086  }
0x1c: {  	p1 =	slt.u32 s9, $0xF7A;
	s5 =	simm.s32 @!p2 $0x0  }
0x1d: {  	s5 =	simm.s32 @p1 $0x1;
	p0 =	seq.s32 s7, s2  }
0x1e: {  	s7 =	smul.u32 @!p0 $0xF7A, s2;
	p2 =	seq.s32 @!p0 s5, $0x0  }
0x1f: {  	s9 =	smul.u32 $0xF7A, s1;
	s8 =	simm.s32 @!p0 $0x1BF5;
	p2 =	por !p2, p0  }
0x20: {  	[sflag:s8] =	ssyncset.s32 @!p0 $0xFFFFF086;
	s6 =	sadd.s32 @!p0 s3, s7;
	s7 =	simm.s32 @!p0 $0x108  }
0x21: {  	s3 =	sadd.s32 s3, s9;
	s6 =	sadd.s32 @!p0 $0x88, s6;
	s7 =	simm.s32 @p2 $0x1082  }
0x22: {  	[simem:s7], [sflag:s8] =	dma.local @!p0 [hbm:s6], $0xF7A  }
0x23: {  	s9 =	sor.u32 $0xD0000000, s2;
	s6 =	simm.s32 $0x108;
	_ =	swait.ge @!p0 [sflag:s8], $0x0  }
0x24: {  	s3 =	sadd.s32 $0x88, s3;
	s6 =	simm.s32 @!p1 $0x1082;
	[sflag:s4] =	ssyncset.s32 $0xFFFFF086  }
0x25: {  	[simem:s6], [sflag:s4] =	dma.local [hbm:s3], $0xF7A  }
0x26: {  	[smem:$0x3F9B] =	sst s1;
	(tag) =	ssettag s2;
	_ =	strace s9  }
0x27: {  	s1 =	sld [smem:$0x3FAB]  }
0x28: {  	s2 =	sld [smem:$0x3FAC]  }
0x29: {  	s4 =	sld [smem:$0x3FAE]  }
0x2a: {  	p0 =	seq.s32 s5, $0x0;
	s5 =	sld [smem:$0x3FAF]  }
0x2b: {  	s6 =	sld [smem:$0x3FB0]  }
0x2c: {  	s7 =	sld [smem:$0x3FB1]  }
0x2d: {  	s3 =	simm.s32 $0x108;
	s8 =	sld [smem:$0x3FB2]  }
0x2e: {  	s3 =	simm.s32 @!p0 $0x1082;
	s9 =	sld [smem:$0x3FB3]  }
0x2f: {  	lr =	sadd.s32 s0, s3;
	s0 =	sld [smem:$0x3FAA]  }
0x30: {  	s3 =	sld [smem:$0x3FAD]  }
0x31: {  	[smem:$0x3FB6] =	sst s10  }
0x32: {  	s10 =	sld [smem:$0x3FB4];
	_ =	sdelay $0x3  }
0x33: {  	p0 =	seq.s32 s10, $0x1;
	s10 =	sld [smem:$0x3FB6];
	_ =	sdelay $0x3  }
0x34: {  	[smem:$0x3FB6] =	sst s10  }
0x35: {  	s10 =	sld [smem:$0x3FB5];
	_ =	sdelay $0x3  }
0x36: {  	p1 =	seq.s32 s10, $0x1;
	s10 =	sld [smem:$0x3FB6];
	_ =	sdelay $0x3  }
0x37: {  	[smem:$0x3FB6] =	sst s10  }
0x38: {  	s10 =	sld [smem:$0x3FB7]  }
0x39: {  	_ = 	snop;
	(pc) =	sbr.ind lr, $3  }
0x3a: {  	_ = 	snop  }
0x3b: {  	_ = 	snop  }
0x3c: {  	p2 =	seq.s32 s10, $0x1;
	s10 =	sld [smem:$0x3FB6]  }
0x3d: {  	_ =	shalt  }
0x3e: {  	_ =	shalt  }
0x3f: {  	_ =	shalt  }
0x40: {  	_ =	shalt  }
0x41: {  	_ =	shalt  }
0x42: {  	_ =	shalt  }
0x43: {  	_ =	shalt  }
0x44: {  	_ =	shalt  }
0x45: {  	_ =	shalt  }
0x46: {  	_ =	shalt  }
0x47: {  	_ =	shalt  }
0x48: {  	_ =	shalt  }
0x49: {  	_ =	shalt  }
0x4a: {  	_ =	shalt  }
0x4b: {  	_ =	shalt  }
0x4c: {  	_ =	shalt  }
0x4d: {  	_ =	shalt  }
0x4e: {  	_ =	shalt  }
0x4f: {  	_ =	shalt  }
0x50: {  	_ =	shalt  }
0x51: {  	_ =	shalt  }
0x52: {  	_ =	shalt  }
0x53: {  	_ =	shalt  }
0x54: {  	_ =	shalt  }
0x55: {  	_ =	shalt  }
0x56: {  	_ =	shalt  }
0x57: {  	_ =	shalt  }
0x58: {  	_ =	shalt  }
0x59: {  	_ =	shalt  }
0x5a: {  	_ =	shalt  }
0x5b: {  	_ =	shalt  }
0x5c: {  	_ =	shalt  }
0x5d: {  	_ =	shalt  }
0x5e: {  	_ =	shalt  }
0x5f: {  	_ =	shalt  }
0x60: {  	_ =	shalt  }
0x61: {  	_ =	shalt  }
0x62: {  	_ =	shalt  }
0x63: {  	_ =	shalt  }
0x64: {  	_ =	shalt  }
0x65: {  	_ =	shalt  }
0x66: {  	_ =	shalt  }
0x67: {  	_ =	shalt  }
0x68: {  	_ =	shalt  }
0x69: {  	_ =	shalt  }
0x6a: {  	_ =	shalt  }
0x6b: {  	_ =	shalt  }
0x6c: {  	_ =	shalt  }
0x6d: {  	_ =	shalt  }
0x6e: {  	_ =	shalt  }
0x6f: {  	_ =	shalt  }
0x70: {  	_ =	shalt  }
0x71: {  	_ =	shalt  }
0x72: {  	_ =	shalt  }
0x73: {  	_ =	shalt  }
0x74: {  	_ =	shalt  }
0x75: {  	_ =	shalt  }
0x76: {  	_ =	shalt  }
0x77: {  	_ =	shalt  }
0x78: {  	_ =	shalt  }
0x79: {  	_ =	shalt  }
0x7a: {  	_ =	shalt  }
0x7b: {  	_ =	shalt  }
0x7c: {  	_ =	shalt  }
0x7d: {  	_ =	shalt  }
0x7e: {  	_ =	shalt  }
0x7f: {  	_ =	shalt  }
0x80: {  	_ =	shalt  }
0x81: {  	_ =	shalt  }
0x82: {  	_ =	shalt  }
0x83: {  	_ =	shalt  }
0x84: {  	_ =	shalt  }
0x85: {  	_ =	shalt  }
0x86: {  	_ =	shalt  }
0x87: {  	_ =	shalt  }
.Lfunc_end0:
.L_simem_size_0:
called_computation_lowered:
.L_overlay_start_0:
0x88: {  	s2 =	sld [smem:$0x3FD9]  }
0x89: {  	s3 =	sld [smem:$0x3FFE];
	_ =	sdelay $0x1  }
0x8a: {  	s1 =	srdreg.scid  }
0x8b: {  	s0 =	sand.u32 $0x1, s1  }
0x8c: {  	s17 =	sshll.u32 s0, $0xA;
	s2 =	sadd.s32 s3, s2  }
0x8d: {  	s2 =	sadd.s32 s2, s17  }
0x8e: {  	[smem:$0x3FC2] =	sst s2  }
0x8f: {  	_ = 	snop  }
0x90: {  	s2 =	sld [smem:$0x3FD0];
	(tm) =	ssettm $0x1  }
0x91: {  	s18 =	sld [smem:$0x3FFB];
	_ =	sdelay $0x3  }
0x92: {  	_ =	strace s18  }
0x93: {  	s3 =	sld [smem:$0x3FFC];
	_ =	sdelay $0x3  }
0x94: {  	_ =	strace s3  }
0x95: {  	s3 =	sld [smem:$0x3FFD];
	_ =	sdelay $0x3  }
0x96: {  	_ =	strace s3  }
0x97: {  	_ =	strace $0x8FFFFFFF  }
0x98: {  	s19 =	sld [smem:$0x3FDB];
	_ =	sdelay $0x1  }
0x99: {  	s4 =	simm.s32 $_scs_section_size  }
0x9a: {  	s5 =	simm.s32 $_size__tile_overlayer_lowered;
	s6 =	simm.s32 $_tile_overlayer_lowered  }
0x9b: {  	s22 =	simm.s32 $0x1BFF;
	s21 =	sshll.u32 s6, $0x1;
	s3 =	sadd.s32 s4, s19  }
0x9c: {  	s7 =	simm.s32 $0x0;
	s20 =	sshll.u32 s5, $0x1;
	s5 =	sadd.s32 s21, s3  }
0x9d: {  	[timem:s7], [sflag:s22] =	dma.local [hbm:s5], s20  }
0x9e: {  	_ =	swait.ge [sflag:s22], s20  }
0x9f: {  	s4 =	ssub.s32 $0x0, s20;
	[sflag:s22] =	ssyncset.done $0x0  }
0xa0: {  	[sflag:s22] =	ssyncadd.s32 s4;
	_ =	sdelay $0x1  }
0xa1: {  	s23 =	simm.s32 $0x1B8B  }
0xa2: {  	_ =	swait.ge [sflag:s23], $0x1  }
0xa3: {  	[sflag:s23] =	ssyncset.done $0x0  }
0xa4: {  	s25 =	simm.s32 $0x1B8E;
	s24 =	sld [smem:$0x3FFE];
	[sflag:s23] =	ssyncadd.s32 $0xFFFFFFFF  }
0xa5: {  	s26 =	simm.s32 $execute0_lowered;
	[smem:$0x3FD2] =	sst s25  }
0xa6: {  	s5 =	sshll.u32 s26, $0x1;
	_ =	strace $0x80000046;
	[dreg:$0x1] =	wrdreg $0xFFFFFFFF  }
0xa7: {  	s28 =	simm.s32 $_size_execute0_lowered;
	s3 =	sadd.s32 s3, s5;
	[dreg:$0x0] =	wrdreg $0x0  }
0xa8: {  	s5 =	sshll.u32 s28, $0x1;
	[dreg:$0x2] =	wrdreg s3  }
0xa9: {  	[dreg:$0x3] =	wrdreg s5  }
0xaa: {  	[dreg:$0x4] =	wrdreg $0xC0  }
0xab: {  	_ =	task [dreg:s7], $0x5FFFF  }
0xac: {  	[dreg:$0x1] =	wrdreg $0xFFFFFFFF  }
0xad: {  	[dreg:$0x0] =	wrdreg $0x60  }
0xae: {  	[dreg:$0x2] =	wrdreg s2  }
0xaf: {  	[dreg:$0x3] =	wrdreg s24  }
0xb0: {  	[dreg:$0x4] =	wrdreg $0x0  }
0xb1: {  	[dreg:$0x5] =	wrdreg $0x9  }
0xb2: {  	_ =	task.clear_ibuf [dreg:s7], $0x6FFFF;
	_ =	strace $0x90000046  }
0xb3: {  	s29 =	simm.s32 $0x9;
	_ =	strace $0x80000048  }
0xb4: {  	_ =	swait.ge [sflag:s29], $0x1  }
0xb5: {  	[sflag:s29] =	ssyncadd.s32 $0xFFFFFFFF  }
0xb6: {  	_ =	strace $0x90000048  }
0xb7: {  	_ =	sfence  }
0xb8: {  	s30 =	sld [smem:$0x0];
	_ =	sdelay $0x2  }
0xb9: {  	s31 =	sshll.u32 s1, $0xD;
	s1 =	sshrl.u32 s1, $0x2  }
0xba: {  	s3 =	sand.u32 $0x4000, s31;
	s1 =	sadd.s32 s1, s30  }
0xbb: {  	s0 =	sor.u32 s3, s0;
	s1 =	sshll.u32 s1, $0x11  }
0xbc: {  	s0 =	sor.u32 s1, s0  }
0xbd: {  	s0 =	sadd.s32 $0x8F2B, s0  }
0xbe: {  	[sflag:s0] =	ssyncadd.remote.s32 $0x1  }
0xbf: {  	_ =	sfence.sel $0xFFFF  }
0xc0: {  	[dreg:$0x0] =	wrdreg $0xFFFFFFFF;
	(pc) =	sbr.abs _section_cstart, $3  }
0xc1: {  	[dreg:$0x1] =	wrdreg $0xFFFFFFFF  }
0xc2: {  	_ =	task.clear_ibuf [dreg:s7], $0x2FFFF;
	_ =	strace $0x9FFFFFFF  }
0xc3: {  	(tm) =	ssettm $0x7FFFFFFF  }
tec
execute0_lowered:
.L_overlay_start_1:
0x0: {  	(tag) =	ssettag $0x1  }
0x1: {  	s9 =	rddreg [dreg:$0x0];
	s1 =	stileid.u32  }
0x2: {  	s4 =	rddreg [dreg:$0x1];
	s6 =	smul.u32 $0x14000, s1  }
0x3: {  	s0 =	srdreg.scid;
	s7 =	smul.u32 $0x50000, s1  }
0x4: {  	s2 =	rddreg [dreg:$0x2];
	s12 =	sand.u32 $0x1, s0;
	s13 =	smul.u32 $0xA00, s1  }
0x5: {  	s3 =	simm.s32 $0x0;
	s15 =	simm.s32 $0x1;
	s5 =	smul.u32 $0x140000, s12  }
0x6: {  	s16 =	simm.s32 $0x2800;
	s0 =	rddreg [dreg:$0x3];
	s14 =	smul.u32 $0x4E, s12  }
0x7: {  	[smem:$0x7FF] =	sst s3;
	s31 =	sshll.u32 s1, $0x6;
	s30 =	smul.u32 $0x9E00, s12  }
0x8: {  	_ =	strace $0x80000047;
	s28 =	ssub.s32 $0x2, s12;
	s17 =	smul.u32 $0x4F, s12  }
0x9: {  	s12 =	sxor.u32 $0x4F, s12;
	s7 =	sshrl.u32 s7, $0x2;
	s29 =	sshrl.u32 s28, $0x1  }
0xa: {  	s9 =	sadd.s32 s9, s13;
	s5 =	sadd.s32 s6, s5;
	s11 =	ssub.s32 s28, s29  }
0xb: {  	s18 =	sadd.s32 $0x4F, s14;
	s13 =	sshrl.u32 s30, $0x2;
	s14 =	simm.s32 $0x7800  }
.Ltmp0:
0xc: {  	s5 =	sshrl.u32 s5, $0x3;
	s11 =	smax.u32 s11, $0x1;
	(pc) =	sbr.rel .LBB2_1-.Ltmp0, $4  }
0xd: {  	s13 =	sadd.s32 $0x2800, s13;
	p0 =	sge.u32 s17, s18;
	s17 =	simm.s32 $0x80  }
0xe: {  	s18 =	sor.u32 $0x1C01, s31;
	s10 =	sadd.s32 s5, s4;
	s4 =	sadd.s32 s7, s2  }
0xf: {  	s5 =	sadd.s32 $0x4000, s4;
	s6 =	sadd.s32 $0x8000, s4;
	s7 =	sadd.s32 $0xC000, s4  }
0x10: {  	v0 =	vimm.f32 $0.0e+00;
	v1 =	vimm.f32 $1.000000000e+00;
	s8 =	sadd.s32 $0x10000, s4;
	s10 =	sadd.s32 $0x2800, s10;
	s19 =	sshrl.u32 s4, $0x3  }
.LBB2_8:
0x11: {  	[sflag:s15] =	ssyncadd.s32 $0xFFFFF800  }
.LBB2_9:
0x12: {  	s3 =	sadd.s32 $0x1, s3  }
0x13: {  	p1 =	sne.s32 s3, s11  }
.Ltmp1:
0x14: {  	[bflag:$0x0] =	sbarrier.arrive $0xFFFF;
	(pc) =	sbr.rel @!p1 .LBB2_10-.Ltmp1, $4  }
0x15: {  	[hbm:s10], [sflag:s18] =	dma.local [spmem:s19], $0x2800  }
0x16: {  	_ =	swait.ge [sflag:s15], $0x2800  }
0x17: {  	[sflag:s15] =	ssyncset.done $0x0  }
0x18: {  	[sflag:s15] =	ssyncadd.s32 $0xFFFFD800  }
.LBB2_1:
0x19: {  	s20 =	simm.s32 $0x200;
	s21 =	simm.s32 $0x0  }
.LBB2_2:
0x1a: {  	p1 =	sne.s32 s20, $0xFE00;
	[tilespmem:s21+$0x7800] =	vst v0;
	s21 =	smov.u32 s20;
	s20 =	sadd.s32 $0x200, s20  }
.Ltmp2:
0x1b: {  	(pc) =	sbr.rel @p1 .LBB2_2-.Ltmp2, $2  }
0x1c: {  	_ =	sdelay $0x2  }
0x1d: {  	s21 =	sshra.s32 s21, $0x2  }
0x1e: {  	[tilespmem:s21+$0x7800] =	vst v0  }
0x1f: {  	[spmem:s4] =	stream.linear.scatter [tilespmem:s14], [sflag:$0x1], $0x4000, $0x38;
	[tilespmem:$0xB800] =	vst v63  }
0x20: {  	_ =	swait.ge [sflag:s15], $0x4000  }
0x21: {  	[sflag:s15] =	ssyncset.done $0x0  }
0x22: {  	[sflag:s15] =	ssyncadd.s32 $0xFFFFC000  }
0x23: {  	[spmem:s5] =	stream.linear.scatter [tilespmem:s14], [sflag:$0x1], $0x4000, $0x38;
	[tilespmem:$0xB800] =	vst v63  }
0x24: {  	_ =	swait.ge [sflag:s15], $0x4000  }
0x25: {  	[sflag:s15] =	ssyncset.done $0x0  }
0x26: {  	[sflag:s15] =	ssyncadd.s32 $0xFFFFC000  }
0x27: {  	[spmem:s6] =	stream.linear.scatter [tilespmem:s14], [sflag:$0x1], $0x4000, $0x38;
	[tilespmem:$0xB800] =	vst v63  }
0x28: {  	_ =	swait.ge [sflag:s15], $0x4000  }
0x29: {  	[sflag:s15] =	ssyncset.done $0x0  }
0x2a: {  	[sflag:s15] =	ssyncadd.s32 $0xFFFFC000  }
0x2b: {  	[spmem:s7] =	stream.linear.scatter [tilespmem:s14], [sflag:$0x1], $0x4000, $0x38;
	[tilespmem:$0xB800] =	vst v63  }
0x2c: {  	_ =	swait.ge [sflag:s15], $0x4000  }
0x2d: {  	[sflag:s15] =	ssyncset.done $0x0  }
0x2e: {  	[sflag:s15] =	ssyncadd.s32 $0xFFFFC000  }
0x2f: {  	[spmem:s8] =	stream.linear.scatter [tilespmem:s14], [sflag:$0x1], $0x4000, $0x38;
	[tilespmem:$0xB800] =	vst v63  }
0x30: {  	_ =	swait.ge [sflag:s15], $0x4000  }
0x31: {  	[sflag:s15] =	ssyncset.done $0x0  }
0x32: {  	s20 =	simm.s32 $0x0;
	[sflag:s15] =	ssyncadd.s32 $0xFFFFC000  }
0x33: {  	[tilespmem:s16], [sflag:$0x1] =	stream.linear.gather [hbm4b:s9+s20], $0x4E80, $0x38;
	[tilespmem:$0xB800] =	vst v63  }
0x34: {  	_ =	swait.ge [sflag:s15], $0x4E80  }
0x35: {  	[sflag:s15] =	ssyncset.done $0x0  }
0x36: {  	s21 =	simm.s32 $0x0;
	s20 =	simm.s32 $0x200;
	[sflag:s15] =	ssyncadd.s32 $0xFFFFB180  }
.LBB2_4:
0x37: {  	p1 =	sne.s32 s20, $0xFE00;
	[tilespmem:s21+$0x7800] =	vst v1;
	s21 =	smov.u32 s20;
	s20 =	sadd.s32 $0x200, s20  }
.Ltmp3:
0x38: {  	(pc) =	sbr.rel @p1 .LBB2_4-.Ltmp3, $2  }
0x39: {  	_ =	sdelay $0x2  }
0x3a: {  	s21 =	sshra.s32 s21, $0x2  }
.Ltmp4:
0x3b: {  	(pc) =	sbr.rel @p0 .LBB2_9-.Ltmp4, $3  }
0x3c: {  	_ = 	snop  }
0x3d: {  	[tilespmem:s21+$0x7800] =	vst v1  }
0x3e: {  	[bflag:$0x0] =	sbarrier.arrive $0xFFFF;
	_ =	sdelay $0x1  }
0x3f: {  	p1 =	sne.s32 s12, $0x1  }
.Ltmp5:
0x40: {  	_ = 	snop;
	(pc) =	sbr.rel @!p1 .LBB2_8-.Ltmp5, $4  }
0x41: {  	_ = 	snop  }
0x42: {  	[spmem:s2] =	stream.indirect.scatter.add.f32 [tilespmem:s14], [sflag:$0x1], $0x10, s13, s17, $0xb8;
	[tilespmem:$0xB800] =	vst v63  }
0x43: {  	_ =	swait.ge [sflag:s15], $0x800  }
0x44: {  	s20 =	sadd.s32 $0xFFFFFFFF, s12;
	s21 =	smov.u32 s13;
	[sflag:s15] =	ssyncset.done $0x0  }
.LBB2_7:
0x45: {  	p1 =	sne.s32 s20, $0x1;
	[sflag:s15] =	ssyncadd.s32 $0xFFFFF800;
	s21 =	sadd.s32 $0x80, s21  }
.Ltmp6:
0x46: {  	s20 =	sadd.s32 $0xFFFFFFFF, s20;
	(pc) =	sbr.rel @p1 .LBB2_7-.Ltmp6, $4  }
0x47: {  	_ = 	snop  }
0x48: {  	[spmem:s2] =	stream.indirect.scatter.add.f32 [tilespmem:s14], [sflag:$0x1], $0x10, s21, s17, $0xb8;
	[tilespmem:$0xB800] =	vst v63  }
0x49: {  	_ =	swait.ge [sflag:s15], $0x800  }
0x4a: {  	[sflag:s15] =	ssyncset.done $0x0  }
.Ltmp7:
0x4b: {  	_ = 	snop;
	(pc) =	sbr.rel .LBB2_8-.Ltmp7, $1  }
0x4c: {  	_ =	sdelay $0x3  }
.LBB2_10:
0x4d: {  	_ =	sfence.sel $0x180000  }
0x4e: {  	[bflag:$0x0] =	sbarrier.arrive $0xFFFF  }
0x4f: {  	p0 =	sne.s32 s1, $0x0;
	_ =	strace $0x90000047  }
0x50: {  	s0 =	sadd.s32 @!p0 $0x100000, s0;
	[bflag:$0x2] =	sbarrier.arrive $0xFFFF  }
0x51: {  	[sflag:s0] =	ssyncadd.tile.s32 @!p0 $0x1;
	_ =	shalt  }
.Lfunc_end2:
_tile_overlayer_lowered:
.L_overlay_start_2:
0x52: {  	(tag) =	ssettag $0x2  }
0x53: {  	s0 =	rddreg [dreg:$0x0];
	s2 =	stileid.u32  }
0x54: {  	s1 =	rddreg [dreg:$0x1];
	p0 =	sne.s32 s2, $0x0  }
0x55: {  	s3 =	rddreg [dreg:$0x2];
	[bflag:$0x3] =	sbarrier.arrive $0xFFFF;
	s2 =	simm.s32 @!p0 $0x1C01  }
0x56: {  	[timem:s3], [sflag:s2] =	dma.local @!p0 [hbm:s0], s1  }
0x57: {  	s0 =	simm.s32 @!p0 $0x1  }
0x58: {  	_ =	swait.ge @!p0 [sflag:s0], s1  }
0x59: {  	s1 =	ssub.s32 @!p0 $0x0, s1;
	[sflag:s0] =	ssyncset.done @!p0 $0x0  }
0x5a: {  	[sflag:s0] =	ssyncadd.s32 @!p0 s1  }
0x5b: {  	[bflag:$0x3] =	sbarrier.arrive $0xFFFF  }
0x5c: {  	_ =	shalt  }

</sc_bundles>
